<compile_context>
chip_gen: v7x
topology: tpu7x:2x2x1
jax: 0.10.2.dev20260603
libtpu: 0.0.44.dev20260713+nightly
codegen_flags: <defaults>
</compile_context>

<pallas_src>
import functools

import jax
import jax.numpy as jnp
from jax import lax
from jax.experimental import pallas as pl
from jax.experimental.pallas import tpu as pltpu
from jax.experimental.pallas import tpu_sc as plsc

N = 100000
E = 1600000
G = 256
Z = 10

NC = 2
NS = 16
NW = NC * NS

ES = 50048
ECH = 2176
NCH = ES // ECH
UNROLL = 8

NODES_W = 3136
NBLK = NODES_W // 16

BLK = 8192

_mesh = plsc.VectorSubcoreMesh(core_axis_name="c", subcore_axis_name="s")
_params_edge = pltpu.CompilerParams(needs_layout_passes=False)
_params_sc = pltpu.CompilerParams(needs_layout_passes=False,
                                  use_tc_tiling_on_sc=False)


@functools.partial(
    pl.kernel,
    mesh=_mesh,
    compiler_params=_params_edge,
    out_type=jax.ShapeDtypeStruct((NW * G,), jnp.float32),
    scratch_types=[
        pltpu.VMEM((N,), jnp.int32),
        pltpu.VMEM((2, ECH), jnp.int32),
        pltpu.VMEM((2, ECH), jnp.int32),
        pltpu.VMEM((G,), jnp.float32),
        pltpu.SemaphoreType.DMA,
        pltpu.SemaphoreType.DMA,
        pltpu.SemaphoreType.DMA,
    ],
)
def _edge_flags(edge_index, batch_hbm, flags_out, batch_v, dst_a, dst_b,
                flag_v, sem_a, sem_b, sem_t):
    wid = lax.axis_index("s") * NC + lax.axis_index("c")
    base = jnp.minimum(wid * ES, E - ES)
    tbl_cp = pltpu.async_copy(batch_hbm, batch_v, sem_t)
    bufs = (dst_a, dst_b)
    sems = (sem_a, sem_b)
    cps = [None, None]
    cps[0] = pltpu.async_copy(edge_index.at[:, pl.ds(base, ECH)],
                              bufs[0], sems[0])
    zero16 = jnp.zeros((16,), jnp.float32)
    for b in range(G // 16):
        flag_v[pl.ds(b * 16, 16)] = zero16
    one16 = jnp.ones((16,), jnp.float32)
    tbl_cp.wait()

    for k in range(NCH):
        if k + 1 < NCH:
            cps[(k + 1) % 2] = pltpu.async_copy(
                edge_index.at[:, pl.ds(base + (k + 1) * ECH, ECH)],
                bufs[(k + 1) % 2], sems[(k + 1) % 2])
        cps[k % 2].wait()
        dst_v = bufs[k % 2]

        @plsc.parallel_loop(0, ECH // 16, 1, unroll=UNROLL)
        def body(i, dst_v=dst_v):
            off = i * 16
            idx16 = dst_v[1, pl.ds(off, 16)]
            g16 = plsc.load_gather(batch_v, [idx16])
            plsc.store_scatter(flag_v, [g16], one16)

    pltpu.sync_copy(flag_v, flags_out.at[pl.ds(wid * G, G)])


def _dense_body(w_ref, lf_ref, e_ref, a_ref, q_ref):
    c = lax.dot_general(w_ref[...], a_ref[...], (((0,), (1,)), ((), ())),
                        precision=lax.Precision.HIGHEST,
                        preferred_element_type=jnp.float32)
    lf = lf_ref[...]
    s = c[0:1, :] + lf * c[1:2, :]
    t = c[2:3, :] + lf * c[3:4, :]
    q_ref[...] = e_ref[...] * s + t


_dense = pl.pallas_call(
    _dense_body,
    grid=(pl.cdiv(N, BLK),),
    in_specs=[
        pl.BlockSpec((Z, 4), lambda i: (0, 0)),
        pl.BlockSpec((1, BLK), lambda i: (0, i)),
        pl.BlockSpec((1, BLK), lambda i: (0, i)),
        pl.BlockSpec((BLK, Z), lambda i: (i, 0)),
    ],
    out_specs=pl.BlockSpec((1, BLK), lambda i: (0, i)),
    out_shape=jax.ShapeDtypeStruct((1, N), jnp.float32),
)


@functools.partial(
    pl.kernel,
    mesh=_mesh,
    compiler_params=_params_sc,
    out_type=jax.ShapeDtypeStruct((N,), jnp.float32),
    scratch_types=[
        pltpu.VMEM((NW * G,), jnp.float32),
        pltpu.VMEM((G + 1,), jnp.int32),
        pltpu.VMEM((G,), jnp.float32),
        pltpu.VMEM((NODES_W,), jnp.int32),
        pltpu.VMEM((NODES_W,), jnp.float32),
        pltpu.VMEM((NODES_W,), jnp.float32),
    ],
)
def _mask_apply(flags_hbm, ptr_hbm, batch_hbm, q_hbm, out_hbm,
                flags_v, ptr_v, mask_v, bat_v, q_v, res_v):
    wid = lax.axis_index("s") * NC + lax.axis_index("c")
    base = jnp.minimum(wid * NODES_W, N - NODES_W)
    pltpu.sync_copy(flags_hbm, flags_v)
    pltpu.sync_copy(ptr_hbm, ptr_v)
    pltpu.sync_copy(batch_hbm.at[pl.ds(base, NODES_W)], bat_v)
    pltpu.sync_copy(q_hbm.at[pl.ds(base, NODES_W)], q_v)

    zero16 = jnp.zeros((16,), jnp.float32)
    iota = lax.iota(jnp.int32, 16)
    for b in range(G // 16):
        off = b * 16

        def racc(r, acc, off=off):
            return acc + flags_v[pl.ds(r * G + off, 16)]

        edges = lax.fori_loop(0, NW, racc, zero16)
        nn = plsc.load_gather(ptr_v, [iota + (off + 1)]) - ptr_v[pl.ds(off, 16)]
        iso = jnp.logical_and(nn == 1, edges == 0.0)
        mask_v[pl.ds(off, 16)] = jnp.where(iso, 0.0, 1.0)

    @plsc.parallel_loop(0, NBLK, 1, unroll=4)
    def nblock(j):
        off = j * 16
        b16 = bat_v[pl.ds(off, 16)]
        m16 = plsc.load_gather(mask_v, [b16])
        res_v[pl.ds(off, 16)] = m16 * q_v[pl.ds(off, 16)]

    pltpu.sync_copy(res_v, out_hbm.at[pl.ds(base, NODES_W)])


def kernel(node_energy, node_attrs, ptr, edge_index, batch, node_level,
           scale, shift):
    flags = _edge_flags(edge_index, batch)
    w = jnp.stack([scale[0], scale[1] - scale[0],
                   shift[0], shift[1] - shift[0]], axis=1)
    lf = node_level.astype(jnp.float32).reshape(1, N)
    e2 = node_energy.reshape(1, N)
    q = _dense(w, lf, e2, node_attrs).reshape(N)
    return _mask_apply(flags, ptr, batch, q)

# --- scband reference (transcript-rebuilt; emitter-appended) ---
"""Pipeline reference for scband-scale-shift-17600775979368 (READ-ONLY COPY).

The authoritative reference and input builder live on the scoring server;
editing this copy changes nothing except your own understanding.
"""

import jax, jax.numpy as jnp
import numpy as np

N = 100000
E = 1600000
G = 256
Z = 10
L = 2

SCALE = [[1.05, 0.98, 1.02, 0.97, 1.10, 0.95, 1.03, 0.99, 1.08, 0.92],
         [1.02, 1.01, 0.99, 1.04, 0.96, 1.07, 0.94, 1.00, 1.03, 0.97]]
SHIFT = [[-0.12, 0.34, -0.56, 0.21, 0.08, -0.33, 0.45, -0.07, 0.19, -0.25],
         [0.05, -0.15, 0.22, -0.38, 0.11, 0.29, -0.41, 0.17, -0.09, 0.31]]


def setup_inputs(seed: int = 0) -> dict:
    key = jax.random.key(seed)
    k1, k2, k3, k4, k5, k6 = jax.random.split(key, 6)
    node_energy = jax.random.normal(k1, (N,), dtype=jnp.float32)
    node_attrs = jax.random.uniform(k2, (N, Z), dtype=jnp.float32)
    ptr = jnp.sort(jax.random.randint(k3, (G + 1,), 0, N, dtype=jnp.int32))
    edge_index = jax.random.randint(k4, (2, E), 0, N, dtype=jnp.int32)
    batch = jnp.sort(jax.random.randint(k5, (N,), 0, G, dtype=jnp.int32))
    node_level = jax.random.randint(k6, (N,), 0, L, dtype=jnp.int32)
    scale = jnp.array(SCALE, dtype=jnp.float32)
    shift = jnp.array(SHIFT, dtype=jnp.float32)
    return {
        'node_energy': node_energy,
        'node_attrs': node_attrs,
        'ptr': ptr,
        'edge_index': edge_index,
        'batch': batch,
        'node_level': node_level,
        'scale': scale,
        'shift': shift,
    }


def reference(node_energy, node_attrs, ptr, edge_index, batch, node_level, scale, shift):
    num_graphs = ptr.shape[0] - 1
    num_nodes = ptr[1:] - ptr[:-1]
    # edge_batch = batch[edge_index[1]]; per-graph edge counts via bincount
    edge_batch = jnp.take(batch, edge_index[1])
    num_edges = jnp.bincount(edge_batch, length=num_graphs)
    isolated_mask = (num_nodes == 1) & (num_edges == 0)
    # torch.isin(batch, where(isolated_mask)[0]) == isolated_mask[batch] since batch in [0, num_graphs)
    isolated_nodes = jnp.take(isolated_mask, batch)
    # scale branch: embedding-style gather of per-level scale rows by node_level
    node_scale = (node_attrs * jnp.take(scale, node_level, axis=0)).sum(axis=-1)
    node_scale = jnp.where(isolated_nodes, 0.0, node_scale)
    node_energy = node_energy * node_scale
    # shift branch
    node_shift = (node_attrs * jnp.take(shift, node_level, axis=0)).sum(axis=-1)
    node_shift = jnp.where(isolated_nodes, 0.0, node_shift)
    node_energy = node_energy + node_shift
    return node_energy

if __name__ == "__main__":
    import jax
    _d = setup_inputs()
    print(jax.jit(kernel)(*tuple(_d.values())))

</pallas_src>

<mosaic_0001>
#map = affine_map<(d0, d1) -> (0, 0)>
#map1 = affine_map<(d0, d1) -> (0)>
module attributes {stable_mosaic.version = 14 : i64} {
  func.func @_edge_flags(%arg0: i32, %arg1: i32, %arg2: memref<2x1600000xi32, #tpu.memory_space<hbm>>, %arg3: memref<100000xi32, #tpu.memory_space<hbm>>, %arg4: memref<8192xf32, #tpu.memory_space<hbm>>, %arg5: memref<100000xi32, #tpu.memory_space<vmem>>, %arg6: memref<2x2176xi32, #tpu.memory_space<vmem>>, %arg7: memref<2x2176xi32, #tpu.memory_space<vmem>>, %arg8: memref<256xf32, #tpu.memory_space<vmem>>, %arg9: memref<!tpu.dma_semaphore, #tpu.memory_space<semaphore_mem>>, %arg10: memref<!tpu.dma_semaphore, #tpu.memory_space<semaphore_mem>>, %arg11: memref<!tpu.dma_semaphore, #tpu.memory_space<semaphore_mem>>) attributes {dimension_semantics = [#tpu.dimension_semantics<core_parallel>, #tpu.dimension_semantics<subcore_parallel>], iteration_bounds = array<i64: 2, 16>, scalar_prefetch = 0 : i64, scratch_operands = 7 : i64, tpu.core_type = #tpu.core_type<sc_vector_subcore>, window_params = [{transform_indices = #map}, {transform_indices = #map1}, {transform_indices = #map1}]} {
    %mul3A = arith.constant 2 : i32
    %mul3A_0 = arith.muli %arg1, %mul3A : i32
    %add3A = arith.addi %mul3A_0, %arg0 : i32
    %mul3A_1 = arith.constant 50048 : i32
    %mul3A_2 = arith.muli %add3A, %mul3A_1 : i32
    %min3A = arith.constant 1549952 : i32
    %min3A_3 = arith.minsi %mul3A_2, %min3A : i32
    tpu.enqueue_dma source(%arg3 : memref<100000xi32, #tpu.memory_space<hbm>>) target(%arg5 : memref<100000xi32, #tpu.memory_space<vmem>>) target_semaphore(%arg11 : memref<!tpu.dma_semaphore, #tpu.memory_space<semaphore_mem>>)
    %dma_start3A = arith.constant 0 : i32
    %dma_start3A_4 = tpu.memref_slice %arg2[%dma_start3A, %min3A_3] : memref<2x1600000xi32, #tpu.memory_space<hbm>> -> memref<2x2176xi32, #tpu.memory_space<hbm>>
    %dma_start3A_5 = arith.constant 0 : i32
    %dma_start3A_6 = tpu.memref_slice %arg2[%dma_start3A_5, %min3A_3] : memref<2x1600000xi32, #tpu.memory_space<hbm>> -> memref<2x2176xi32, #tpu.memory_space<hbm>>
    tpu.enqueue_dma source(%dma_start3A_6 : memref<2x2176xi32, #tpu.memory_space<hbm>>) target(%arg6 : memref<2x2176xi32, #tpu.memory_space<vmem>>) target_semaphore(%arg9 : memref<!tpu.dma_semaphore, #tpu.memory_space<semaphore_mem>>)
    %broadcast_in_dim3A = arith.constant 0.000000e+00 : f32
    %broadcast_in_dim3A_7 = vector.broadcast %broadcast_in_dim3A : f32 to vector<16xf32>
    %swap3A = arith.constant 0 : index
    %swap3A_8 = tpu.vector_load %arg8[%swap3A] {strides = array<i32>} : memref<256xf32, #tpu.memory_space<vmem>>, vector<16xf32>,
    tpu.vector_store %arg8[%swap3A], %broadcast_in_dim3A_7 {strides = array<i32>} : memref<256xf32, #tpu.memory_space<vmem>>, vector<16xf32>,
    %swap3A_9 = arith.constant 16 : index
    %swap3A_10 = tpu.vector_load %arg8[%swap3A_9] {strides = array<i32>} : memref<256xf32, #tpu.memory_space<vmem>>, vector<16xf32>,
    tpu.vector_store %arg8[%swap3A_9], %broadcast_in_dim3A_7 {strides = array<i32>} : memref<256xf32, #tpu.memory_space<vmem>>, vector<16xf32>,
    %swap3A_11 = arith.constant 32 : index
    %swap3A_12 = tpu.vector_load %arg8[%swap3A_11] {strides = array<i32>} : memref<256xf32, #tpu.memory_space<vmem>>, vector<16xf32>,
    tpu.vector_store %arg8[%swap3A_11], %broadcast_in_dim3A_7 {strides = array<i32>} : memref<256xf32, #tpu.memory_space<vmem>>, vector<16xf32>,
    %swap3A_13 = arith.constant 48 : index
    %swap3A_14 = tpu.vector_load %arg8[%swap3A_13] {strides = array<i32>} : memref<256xf32, #tpu.memory_space<vmem>>, vector<16xf32>,
    tpu.vector_store %arg8[%swap3A_13], %broadcast_in_dim3A_7 {strides = array<i32>} : memref<256xf32, #tpu.memory_space<vmem>>, vector<16xf32>,
    %swap3A_15 = arith.constant 64 : index
    %swap3A_16 = tpu.vector_load %arg8[%swap3A_15] {strides = array<i32>} : memref<256xf32, #tpu.memory_space<vmem>>, vector<16xf32>,
    tpu.vector_store %arg8[%swap3A_15], %broadcast_in_dim3A_7 {strides = array<i32>} : memref<256xf32, #tpu.memory_space<vmem>>, vector<16xf32>,
    %swap3A_17 = arith.constant 80 : index
    %swap3A_18 = tpu.vector_load %arg8[%swap3A_17] {strides = array<i32>} : memref<256xf32, #tpu.memory_space<vmem>>, vector<16xf32>,
    tpu.vector_store %arg8[%swap3A_17], %broadcast_in_dim3A_7 {strides = array<i32>} : memref<256xf32, #tpu.memory_space<vmem>>, vector<16xf32>,
    %swap3A_19 = arith.constant 96 : index
    %swap3A_20 = tpu.vector_load %arg8[%swap3A_19] {strides = array<i32>} : memref<256xf32, #tpu.memory_space<vmem>>, vector<16xf32>,
    tpu.vector_store %arg8[%swap3A_19], %broadcast_in_dim3A_7 {strides = array<i32>} : memref<256xf32, #tpu.memory_space<vmem>>, vector<16xf32>,
    %swap3A_21 = arith.constant 112 : index
    %swap3A_22 = tpu.vector_load %arg8[%swap3A_21] {strides = array<i32>} : memref<256xf32, #tpu.memory_space<vmem>>, vector<16xf32>,
    tpu.vector_store %arg8[%swap3A_21], %broadcast_in_dim3A_7 {strides = array<i32>} : memref<256xf32, #tpu.memory_space<vmem>>, vector<16xf32>,
    %swap3A_23 = arith.constant 128 : index
    %swap3A_24 = tpu.vector_load %arg8[%swap3A_23] {strides = array<i32>} : memref<256xf32, #tpu.memory_space<vmem>>, vector<16xf32>,
    tpu.vector_store %arg8[%swap3A_23], %broadcast_in_dim3A_7 {strides = array<i32>} : memref<256xf32, #tpu.memory_space<vmem>>, vector<16xf32>,
    %swap3A_25 = arith.constant 144 : index
    %swap3A_26 = tpu.vector_load %arg8[%swap3A_25] {strides = array<i32>} : memref<256xf32, #tpu.memory_space<vmem>>, vector<16xf32>,
    tpu.vector_store %arg8[%swap3A_25], %broadcast_in_dim3A_7 {strides = array<i32>} : memref<256xf32, #tpu.memory_space<vmem>>, vector<16xf32>,
    %swap3A_27 = arith.constant 160 : index
    %swap3A_28 = tpu.vector_load %arg8[%swap3A_27] {strides = array<i32>} : memref<256xf32, #tpu.memory_space<vmem>>, vector<16xf32>,
    tpu.vector_store %arg8[%swap3A_27], %broadcast_in_dim3A_7 {strides = array<i32>} : memref<256xf32, #tpu.memory_space<vmem>>, vector<16xf32>,
    %swap3A_29 = arith.constant 176 : index
    %swap3A_30 = tpu.vector_load %arg8[%swap3A_29] {strides = array<i32>} : memref<256xf32, #tpu.memory_space<vmem>>, vector<16xf32>,
    tpu.vector_store %arg8[%swap3A_29], %broadcast_in_dim3A_7 {strides = array<i32>} : memref<256xf32, #tpu.memory_space<vmem>>, vector<16xf32>,
    %swap3A_31 = arith.constant 192 : index
    %swap3A_32 = tpu.vector_load %arg8[%swap3A_31] {strides = array<i32>} : memref<256xf32, #tpu.memory_space<vmem>>, vector<16xf32>,
    tpu.vector_store %arg8[%swap3A_31], %broadcast_in_dim3A_7 {strides = array<i32>} : memref<256xf32, #tpu.memory_space<vmem>>, vector<16xf32>,
    %swap3A_33 = arith.constant 208 : index
    %swap3A_34 = tpu.vector_load %arg8[%swap3A_33] {strides = array<i32>} : memref<256xf32, #tpu.memory_space<vmem>>, vector<16xf32>,
    tpu.vector_store %arg8[%swap3A_33], %broadcast_in_dim3A_7 {strides = array<i32>} : memref<256xf32, #tpu.memory_space<vmem>>, vector<16xf32>,
    %swap3A_35 = arith.constant 224 : index
    %swap3A_36 = tpu.vector_load %arg8[%swap3A_35] {strides = array<i32>} : memref<256xf32, #tpu.memory_space<vmem>>, vector<16xf32>,
    tpu.vector_store %arg8[%swap3A_35], %broadcast_in_dim3A_7 {strides = array<i32>} : memref<256xf32, #tpu.memory_space<vmem>>, vector<16xf32>,
    %swap3A_37 = arith.constant 240 : index
    %swap3A_38 = tpu.vector_load %arg8[%swap3A_37] {strides = array<i32>} : memref<256xf32, #tpu.memory_space<vmem>>, vector<16xf32>,
    tpu.vector_store %arg8[%swap3A_37], %broadcast_in_dim3A_7 {strides = array<i32>} : memref<256xf32, #tpu.memory_space<vmem>>, vector<16xf32>,
    %broadcast_in_dim3A_39 = arith.constant 1.000000e+00 : f32
    %broadcast_in_dim3A_40 = vector.broadcast %broadcast_in_dim3A_39 : f32 to vector<16xf32>
    tpu.wait_dma2 semaphore(%arg11 : memref<!tpu.dma_semaphore, #tpu.memory_space<semaphore_mem>>) src(%arg3 : memref<100000xi32, #tpu.memory_space<hbm>>) dst(%arg5 : memref<100000xi32, #tpu.memory_space<vmem>>)
    %add3A_41 = arith.constant 2176 : i32
    %add3A_42 = arith.addi %min3A_3, %add3A_41 : i32
    %dma_start3A_43 = arith.constant 0 : i32
    %dma_start3A_44 = tpu.memref_slice %arg2[%dma_start3A_43, %add3A_42] : memref<2x1600000xi32, #tpu.memory_space<hbm>> -> memref<2x2176xi32, #tpu.memory_space<hbm>>
    %dma_start3A_45 = arith.constant 0 : i32
    %dma_start3A_46 = tpu.memref_slice %arg2[%dma_start3A_45, %add3A_42] : memref<2x1600000xi32, #tpu.memory_space<hbm>> -> memref<2x2176xi32, #tpu.memory_space<hbm>>
    tpu.enqueue_dma source(%dma_start3A_46 : memref<2x2176xi32, #tpu.memory_space<hbm>>) target(%arg7 : memref<2x2176xi32, #tpu.memory_space<vmem>>) target_semaphore(%arg10 : memref<!tpu.dma_semaphore, #tpu.memory_space<semaphore_mem>>)
    %dma_wait3A = arith.constant 0 : i32
    %dma_wait3A_47 = tpu.memref_slice %arg2[%dma_wait3A, %min3A_3] : memref<2x1600000xi32, #tpu.memory_space<hbm>> -> memref<2x2176xi32, #tpu.memory_space<hbm>>
    %dma_wait3A_48 = arith.constant 0 : i32
    %dma_wait3A_49 = tpu.memref_slice %arg2[%dma_wait3A_48, %min3A_3] : memref<2x1600000xi32, #tpu.memory_space<hbm>> -> memref<2x2176xi32, #tpu.memory_space<hbm>>
    tpu.wait_dma2 semaphore(%arg9 : memref<!tpu.dma_semaphore, #tpu.memory_space<semaphore_mem>>) src(%dma_wait3A_49 : memref<2x2176xi32, #tpu.memory_space<hbm>>) dst(%arg6 : memref<2x2176xi32, #tpu.memory_space<vmem>>)
    %parallel_loop3A = arith.constant 0 : i32
    %parallel_loop3A_50 = arith.constant 136 : i32
    %parallel_loop3A_51 = arith.constant 1 : i32
    scf.for %parallel_loop3A_334 = %parallel_loop3A to %parallel_loop3A_50 step %parallel_loop3A_51  : i32 {
      %parallel_loop3A_335 = arith.constant 16 : i32
      %parallel_loop3A_336 = arith.muli %parallel_loop3A_334, %parallel_loop3A_335 : i32
      %parallel_loop3A_337 = arith.constant 1 : i32
      %parallel_loop3A_338 = arith.index_cast %parallel_loop3A_337 : i32 to index
      %parallel_loop3A_339 = arith.index_cast %parallel_loop3A_336 : i32 to index
      %parallel_loop3A_340 = tpu.vector_load %arg6[%parallel_loop3A_338, %parallel_loop3A_339] {strides = array<i32>} : memref<2x2176xi32, #tpu.memory_space<vmem>>, vector<16xi32>,
      %parallel_loop3A_341 = tpu.vector_load_idx %arg5[%parallel_loop3A_340] : memref<100000xi32, #tpu.memory_space<vmem>>[vector<16xi32>], vector<16xi32>,
      tpu.vector_store_idx %arg8[%parallel_loop3A_341], %broadcast_in_dim3A_40 : memref<256xf32, #tpu.memory_space<vmem>>[vector<16xi32>], vector<16xf32>,
    } {sc.loop_unroll_factor = 8 : i64, sc.parallel_access}
    %add3A_52 = arith.constant 4352 : i32
    %add3A_53 = arith.addi %min3A_3, %add3A_52 : i32
    %dma_start3A_54 = arith.constant 0 : i32
    %dma_start3A_55 = tpu.memref_slice %arg2[%dma_start3A_54, %add3A_53] : memref<2x1600000xi32, #tpu.memory_space<hbm>> -> memref<2x2176xi32, #tpu.memory_space<hbm>>
    %dma_start3A_56 = arith.constant 0 : i32
    %dma_start3A_57 = tpu.memref_slice %arg2[%dma_start3A_56, %add3A_53] : memref<2x1600000xi32, #tpu.memory_space<hbm>> -> memref<2x2176xi32, #tpu.memory_space<hbm>>
    tpu.enqueue_dma source(%dma_start3A_57 : memref<2x2176xi32, #tpu.memory_space<hbm>>) target(%arg6 : memref<2x2176xi32, #tpu.memory_space<vmem>>) target_semaphore(%arg9 : memref<!tpu.dma_semaphore, #tpu.memory_space<semaphore_mem>>)
    %dma_wait3A_58 = arith.constant 0 : i32
    %dma_wait3A_59 = tpu.memref_slice %arg2[%dma_wait3A_58, %add3A_42] : memref<2x1600000xi32, #tpu.memory_space<hbm>> -> memref<2x2176xi32, #tpu.memory_space<hbm>>
    %dma_wait3A_60 = arith.constant 0 : i32
    %dma_wait3A_61 = tpu.memref_slice %arg2[%dma_wait3A_60, %add3A_42] : memref<2x1600000xi32, #tpu.memory_space<hbm>> -> memref<2x2176xi32, #tpu.memory_space<hbm>>
    tpu.wait_dma2 semaphore(%arg10 : memref<!tpu.dma_semaphore, #tpu.memory_space<semaphore_mem>>) src(%dma_wait3A_61 : memref<2x2176xi32, #tpu.memory_space<hbm>>) dst(%arg7 : memref<2x2176xi32, #tpu.memory_space<vmem>>)
    %parallel_loop3A_62 = arith.constant 0 : i32
    %parallel_loop3A_63 = arith.constant 136 : i32
    %parallel_loop3A_64 = arith.constant 1 : i32
    scf.for %parallel_loop3A_334 = %parallel_loop3A_62 to %parallel_loop3A_63 step %parallel_loop3A_64  : i32 {
      %parallel_loop3A_335 = arith.constant 16 : i32
      %parallel_loop3A_336 = arith.muli %parallel_loop3A_334, %parallel_loop3A_335 : i32
      %parallel_loop3A_337 = arith.constant 1 : i32
      %parallel_loop3A_338 = arith.index_cast %parallel_loop3A_337 : i32 to index
      %parallel_loop3A_339 = arith.index_cast %parallel_loop3A_336 : i32 to index
      %parallel_loop3A_340 = tpu.vector_load %arg7[%parallel_loop3A_338, %parallel_loop3A_339] {strides = array<i32>} : memref<2x2176xi32, #tpu.memory_space<vmem>>, vector<16xi32>,
      %parallel_loop3A_341 = tpu.vector_load_idx %arg5[%parallel_loop3A_340] : memref<100000xi32, #tpu.memory_space<vmem>>[vector<16xi32>], vector<16xi32>,
      tpu.vector_store_idx %arg8[%parallel_loop3A_341], %broadcast_in_dim3A_40 : memref<256xf32, #tpu.memory_space<vmem>>[vector<16xi32>], vector<16xf32>,
    } {sc.loop_unroll_factor = 8 : i64, sc.parallel_access}
    %add3A_65 = arith.constant 6528 : i32
    %add3A_66 = arith.addi %min3A_3, %add3A_65 : i32
    %dma_start3A_67 = arith.constant 0 : i32
    %dma_start3A_68 = tpu.memref_slice %arg2[%dma_start3A_67, %add3A_66] : memref<2x1600000xi32, #tpu.memory_space<hbm>> -> memref<2x2176xi32, #tpu.memory_space<hbm>>
    %dma_start3A_69 = arith.constant 0 : i32
    %dma_start3A_70 = tpu.memref_slice %arg2[%dma_start3A_69, %add3A_66] : memref<2x1600000xi32, #tpu.memory_space<hbm>> -> memref<2x2176xi32, #tpu.memory_space<hbm>>
    tpu.enqueue_dma source(%dma_start3A_70 : memref<2x2176xi32, #tpu.memory_space<hbm>>) target(%arg7 : memref<2x2176xi32, #tpu.memory_space<vmem>>) target_semaphore(%arg10 : memref<!tpu.dma_semaphore, #tpu.memory_space<semaphore_mem>>)
    %dma_wait3A_71 = arith.constant 0 : i32
    %dma_wait3A_72 = tpu.memref_slice %arg2[%dma_wait3A_71, %add3A_53] : memref<2x1600000xi32, #tpu.memory_space<hbm>> -> memref<2x2176xi32, #tpu.memory_space<hbm>>
    %dma_wait3A_73 = arith.constant 0 : i32
    %dma_wait3A_74 = tpu.memref_slice %arg2[%dma_wait3A_73, %add3A_53] : memref<2x1600000xi32, #tpu.memory_space<hbm>> -> memref<2x2176xi32, #tpu.memory_space<hbm>>
    tpu.wait_dma2 semaphore(%arg9 : memref<!tpu.dma_semaphore, #tpu.memory_space<semaphore_mem>>) src(%dma_wait3A_74 : memref<2x2176xi32, #tpu.memory_space<hbm>>) dst(%arg6 : memref<2x2176xi32, #tpu.memory_space<vmem>>)
    %parallel_loop3A_75 = arith.constant 0 : i32
    %parallel_loop3A_76 = arith.constant 136 : i32
    %parallel_loop3A_77 = arith.constant 1 : i32
    scf.for %parallel_loop3A_334 = %parallel_loop3A_75 to %parallel_loop3A_76 step %parallel_loop3A_77  : i32 {
      %parallel_loop3A_335 = arith.constant 16 : i32
      %parallel_loop3A_336 = arith.muli %parallel_loop3A_334, %parallel_loop3A_335 : i32
      %parallel_loop3A_337 = arith.constant 1 : i32
      %parallel_loop3A_338 = arith.index_cast %parallel_loop3A_337 : i32 to index
      %parallel_loop3A_339 = arith.index_cast %parallel_loop3A_336 : i32 to index
      %parallel_loop3A_340 = tpu.vector_load %arg6[%parallel_loop3A_338, %parallel_loop3A_339] {strides = array<i32>} : memref<2x2176xi32, #tpu.memory_space<vmem>>, vector<16xi32>,
      %parallel_loop3A_341 = tpu.vector_load_idx %arg5[%parallel_loop3A_340] : memref<100000xi32, #tpu.memory_space<vmem>>[vector<16xi32>], vector<16xi32>,
      tpu.vector_store_idx %arg8[%parallel_loop3A_341], %broadcast_in_dim3A_40 : memref<256xf32, #tpu.memory_space<vmem>>[vector<16xi32>], vector<16xf32>,
    } {sc.loop_unroll_factor = 8 : i64, sc.parallel_access}
    %add3A_78 = arith.constant 8704 : i32
    %add3A_79 = arith.addi %min3A_3, %add3A_78 : i32
    %dma_start3A_80 = arith.constant 0 : i32
    %dma_start3A_81 = tpu.memref_slice %arg2[%dma_start3A_80, %add3A_79] : memref<2x1600000xi32, #tpu.memory_space<hbm>> -> memref<2x2176xi32, #tpu.memory_space<hbm>>
    %dma_start3A_82 = arith.constant 0 : i32
    %dma_start3A_83 = tpu.memref_slice %arg2[%dma_start3A_82, %add3A_79] : memref<2x1600000xi32, #tpu.memory_space<hbm>> -> memref<2x2176xi32, #tpu.memory_space<hbm>>
    tpu.enqueue_dma source(%dma_start3A_83 : memref<2x2176xi32, #tpu.memory_space<hbm>>) target(%arg6 : memref<2x2176xi32, #tpu.memory_space<vmem>>) target_semaphore(%arg9 : memref<!tpu.dma_semaphore, #tpu.memory_space<semaphore_mem>>)
    %dma_wait3A_84 = arith.constant 0 : i32
    %dma_wait3A_85 = tpu.memref_slice %arg2[%dma_wait3A_84, %add3A_66] : memref<2x1600000xi32, #tpu.memory_space<hbm>> -> memref<2x2176xi32, #tpu.memory_space<hbm>>
    %dma_wait3A_86 = arith.constant 0 : i32
    %dma_wait3A_87 = tpu.memref_slice %arg2[%dma_wait3A_86, %add3A_66] : memref<2x1600000xi32, #tpu.memory_space<hbm>> -> memref<2x2176xi32, #tpu.memory_space<hbm>>
    tpu.wait_dma2 semaphore(%arg10 : memref<!tpu.dma_semaphore, #tpu.memory_space<semaphore_mem>>) src(%dma_wait3A_87 : memref<2x2176xi32, #tpu.memory_space<hbm>>) dst(%arg7 : memref<2x2176xi32, #tpu.memory_space<vmem>>)
    %parallel_loop3A_88 = arith.constant 0 : i32
    %parallel_loop3A_89 = arith.constant 136 : i32
    %parallel_loop3A_90 = arith.constant 1 : i32
    scf.for %parallel_loop3A_334 = %parallel_loop3A_88 to %parallel_loop3A_89 step %parallel_loop3A_90  : i32 {
      %parallel_loop3A_335 = arith.constant 16 : i32
      %parallel_loop3A_336 = arith.muli %parallel_loop3A_334, %parallel_loop3A_335 : i32
      %parallel_loop3A_337 = arith.constant 1 : i32
      %parallel_loop3A_338 = arith.index_cast %parallel_loop3A_337 : i32 to index
      %parallel_loop3A_339 = arith.index_cast %parallel_loop3A_336 : i32 to index
      %parallel_loop3A_340 = tpu.vector_load %arg7[%parallel_loop3A_338, %parallel_loop3A_339] {strides = array<i32>} : memref<2x2176xi32, #tpu.memory_space<vmem>>, vector<16xi32>,
      %parallel_loop3A_341 = tpu.vector_load_idx %arg5[%parallel_loop3A_340] : memref<100000xi32, #tpu.memory_space<vmem>>[vector<16xi32>], vector<16xi32>,
      tpu.vector_store_idx %arg8[%parallel_loop3A_341], %broadcast_in_dim3A_40 : memref<256xf32, #tpu.memory_space<vmem>>[vector<16xi32>], vector<16xf32>,
    } {sc.loop_unroll_factor = 8 : i64, sc.parallel_access}
    %add3A_91 = arith.constant 10880 : i32
    %add3A_92 = arith.addi %min3A_3, %add3A_91 : i32
    %dma_start3A_93 = arith.constant 0 : i32
    %dma_start3A_94 = tpu.memref_slice %arg2[%dma_start3A_93, %add3A_92] : memref<2x1600000xi32, #tpu.memory_space<hbm>> -> memref<2x2176xi32, #tpu.memory_space<hbm>>
    %dma_start3A_95 = arith.constant 0 : i32
    %dma_start3A_96 = tpu.memref_slice %arg2[%dma_start3A_95, %add3A_92] : memref<2x1600000xi32, #tpu.memory_space<hbm>> -> memref<2x2176xi32, #tpu.memory_space<hbm>>
    tpu.enqueue_dma source(%dma_start3A_96 : memref<2x2176xi32, #tpu.memory_space<hbm>>) target(%arg7 : memref<2x2176xi32, #tpu.memory_space<vmem>>) target_semaphore(%arg10 : memref<!tpu.dma_semaphore, #tpu.memory_space<semaphore_mem>>)
    %dma_wait3A_97 = arith.constant 0 : i32
    %dma_wait3A_98 = tpu.memref_slice %arg2[%dma_wait3A_97, %add3A_79] : memref<2x1600000xi32, #tpu.memory_space<hbm>> -> memref<2x2176xi32, #tpu.memory_space<hbm>>
    %dma_wait3A_99 = arith.constant 0 : i32
    %dma_wait3A_100 = tpu.memref_slice %arg2[%dma_wait3A_99, %add3A_79] : memref<2x1600000xi32, #tpu.memory_space<hbm>> -> memref<2x2176xi32, #tpu.memory_space<hbm>>
    tpu.wait_dma2 semaphore(%arg9 : memref<!tpu.dma_semaphore, #tpu.memory_space<semaphore_mem>>) src(%dma_wait3A_100 : memref<2x2176xi32, #tpu.memory_space<hbm>>) dst(%arg6 : memref<2x2176xi32, #tpu.memory_space<vmem>>)
    %parallel_loop3A_101 = arith.constant 0 : i32
    %parallel_loop3A_102 = arith.constant 136 : i32
    %parallel_loop3A_103 = arith.constant 1 : i32
    scf.for %parallel_loop3A_334 = %parallel_loop3A_101 to %parallel_loop3A_102 step %parallel_loop3A_103  : i32 {
      %parallel_loop3A_335 = arith.constant 16 : i32
      %parallel_loop3A_336 = arith.muli %parallel_loop3A_334, %parallel_loop3A_335 : i32
      %parallel_loop3A_337 = arith.constant 1 : i32
      %parallel_loop3A_338 = arith.index_cast %parallel_loop3A_337 : i32 to index
      %parallel_loop3A_339 = arith.index_cast %parallel_loop3A_336 : i32 to index
      %parallel_loop3A_340 = tpu.vector_load %arg6[%parallel_loop3A_338, %parallel_loop3A_339] {strides = array<i32>} : memref<2x2176xi32, #tpu.memory_space<vmem>>, vector<16xi32>,
      %parallel_loop3A_341 = tpu.vector_load_idx %arg5[%parallel_loop3A_340] : memref<100000xi32, #tpu.memory_space<vmem>>[vector<16xi32>], vector<16xi32>,
      tpu.vector_store_idx %arg8[%parallel_loop3A_341], %broadcast_in_dim3A_40 : memref<256xf32, #tpu.memory_space<vmem>>[vector<16xi32>], vector<16xf32>,
    } {sc.loop_unroll_factor = 8 : i64, sc.parallel_access}
    %add3A_104 = arith.constant 13056 : i32
    %add3A_105 = arith.addi %min3A_3, %add3A_104 : i32
    %dma_start3A_106 = arith.constant 0 : i32
    %dma_start3A_107 = tpu.memref_slice %arg2[%dma_start3A_106, %add3A_105] : memref<2x1600000xi32, #tpu.memory_space<hbm>> -> memref<2x2176xi32, #tpu.memory_space<hbm>>
    %dma_start3A_108 = arith.constant 0 : i32
    %dma_start3A_109 = tpu.memref_slice %arg2[%dma_start3A_108, %add3A_105] : memref<2x1600000xi32, #tpu.memory_space<hbm>> -> memref<2x2176xi32, #tpu.memory_space<hbm>>
    tpu.enqueue_dma source(%dma_start3A_109 : memref<2x2176xi32, #tpu.memory_space<hbm>>) target(%arg6 : memref<2x2176xi32, #tpu.memory_space<vmem>>) target_semaphore(%arg9 : memref<!tpu.dma_semaphore, #tpu.memory_space<semaphore_mem>>)
    %dma_wait3A_110 = arith.constant 0 : i32
    %dma_wait3A_111 = tpu.memref_slice %arg2[%dma_wait3A_110, %add3A_92] : memref<2x1600000xi32, #tpu.memory_space<hbm>> -> memref<2x2176xi32, #tpu.memory_space<hbm>>
    %dma_wait3A_112 = arith.constant 0 : i32
    %dma_wait3A_113 = tpu.memref_slice %arg2[%dma_wait3A_112, %add3A_92] : memref<2x1600000xi32, #tpu.memory_space<hbm>> -> memref<2x2176xi32, #tpu.memory_space<hbm>>
    tpu.wait_dma2 semaphore(%arg10 : memref<!tpu.dma_semaphore, #tpu.memory_space<semaphore_mem>>) src(%dma_wait3A_113 : memref<2x2176xi32, #tpu.memory_space<hbm>>) dst(%arg7 : memref<2x2176xi32, #tpu.memory_space<vmem>>)
    %parallel_loop3A_114 = arith.constant 0 : i32
    %parallel_loop3A_115 = arith.constant 136 : i32
    %parallel_loop3A_116 = arith.constant 1 : i32
    scf.for %parallel_loop3A_334 = %parallel_loop3A_114 to %parallel_loop3A_115 step %parallel_loop3A_116  : i32 {
      %parallel_loop3A_335 = arith.constant 16 : i32
      %parallel_loop3A_336 = arith.muli %parallel_loop3A_334, %parallel_loop3A_335 : i32
      %parallel_loop3A_337 = arith.constant 1 : i32
      %parallel_loop3A_338 = arith.index_cast %parallel_loop3A_337 : i32 to index
      %parallel_loop3A_339 = arith.index_cast %parallel_loop3A_336 : i32 to index
      %parallel_loop3A_340 = tpu.vector_load %arg7[%parallel_loop3A_338, %parallel_loop3A_339] {strides = array<i32>} : memref<2x2176xi32, #tpu.memory_space<vmem>>, vector<16xi32>,
      %parallel_loop3A_341 = tpu.vector_load_idx %arg5[%parallel_loop3A_340] : memref<100000xi32, #tpu.memory_space<vmem>>[vector<16xi32>], vector<16xi32>,
      tpu.vector_store_idx %arg8[%parallel_loop3A_341], %broadcast_in_dim3A_40 : memref<256xf32, #tpu.memory_space<vmem>>[vector<16xi32>], vector<16xf32>,
    } {sc.loop_unroll_factor = 8 : i64, sc.parallel_access}
    %add3A_117 = arith.constant 15232 : i32
    %add3A_118 = arith.addi %min3A_3, %add3A_117 : i32
    %dma_start3A_119 = arith.constant 0 : i32
    %dma_start3A_120 = tpu.memref_slice %arg2[%dma_start3A_119, %add3A_118] : memref<2x1600000xi32, #tpu.memory_space<hbm>> -> memref<2x2176xi32, #tpu.memory_space<hbm>>
    %dma_start3A_121 = arith.constant 0 : i32
    %dma_start3A_122 = tpu.memref_slice %arg2[%dma_start3A_121, %add3A_118] : memref<2x1600000xi32, #tpu.memory_space<hbm>> -> memref<2x2176xi32, #tpu.memory_space<hbm>>
    tpu.enqueue_dma source(%dma_start3A_122 : memref<2x2176xi32, #tpu.memory_space<hbm>>) target(%arg7 : memref<2x2176xi32, #tpu.memory_space<vmem>>) target_semaphore(%arg10 : memref<!tpu.dma_semaphore, #tpu.memory_space<semaphore_mem>>)
    %dma_wait3A_123 = arith.constant 0 : i32
    %dma_wait3A_124 = tpu.memref_slice %arg2[%dma_wait3A_123, %add3A_105] : memref<2x1600000xi32, #tpu.memory_space<hbm>> -> memref<2x2176xi32, #tpu.memory_space<hbm>>
    %dma_wait3A_125 = arith.constant 0 : i32
    %dma_wait3A_126 = tpu.memref_slice %arg2[%dma_wait3A_125, %add3A_105] : memref<2x1600000xi32, #tpu.memory_space<hbm>> -> memref<2x2176xi32, #tpu.memory_space<hbm>>
    tpu.wait_dma2 semaphore(%arg9 : memref<!tpu.dma_semaphore, #tpu.memory_space<semaphore_mem>>) src(%dma_wait3A_126 : memref<2x2176xi32, #tpu.memory_space<hbm>>) dst(%arg6 : memref<2x2176xi32, #tpu.memory_space<vmem>>)
    %parallel_loop3A_127 = arith.constant 0 : i32
    %parallel_loop3A_128 = arith.constant 136 : i32
    %parallel_loop3A_129 = arith.constant 1 : i32
    scf.for %parallel_loop3A_334 = %parallel_loop3A_127 to %parallel_loop3A_128 step %parallel_loop3A_129  : i32 {
      %parallel_loop3A_335 = arith.constant 16 : i32
      %parallel_loop3A_336 = arith.muli %parallel_loop3A_334, %parallel_loop3A_335 : i32
      %parallel_loop3A_337 = arith.constant 1 : i32
      %parallel_loop3A_338 = arith.index_cast %parallel_loop3A_337 : i32 to index
      %parallel_loop3A_339 = arith.index_cast %parallel_loop3A_336 : i32 to index
      %parallel_loop3A_340 = tpu.vector_load %arg6[%parallel_loop3A_338, %parallel_loop3A_339] {strides = array<i32>} : memref<2x2176xi32, #tpu.memory_space<vmem>>, vector<16xi32>,
      %parallel_loop3A_341 = tpu.vector_load_idx %arg5[%parallel_loop3A_340] : memref<100000xi32, #tpu.memory_space<vmem>>[vector<16xi32>], vector<16xi32>,
      tpu.vector_store_idx %arg8[%parallel_loop3A_341], %broadcast_in_dim3A_40 : memref<256xf32, #tpu.memory_space<vmem>>[vector<16xi32>], vector<16xf32>,
    } {sc.loop_unroll_factor = 8 : i64, sc.parallel_access}
    %add3A_130 = arith.constant 17408 : i32
    %add3A_131 = arith.addi %min3A_3, %add3A_130 : i32
    %dma_start3A_132 = arith.constant 0 : i32
    %dma_start3A_133 = tpu.memref_slice %arg2[%dma_start3A_132, %add3A_131] : memref<2x1600000xi32, #tpu.memory_space<hbm>> -> memref<2x2176xi32, #tpu.memory_space<hbm>>
    %dma_start3A_134 = arith.constant 0 : i32
    %dma_start3A_135 = tpu.memref_slice %arg2[%dma_start3A_134, %add3A_131] : memref<2x1600000xi32, #tpu.memory_space<hbm>> -> memref<2x2176xi32, #tpu.memory_space<hbm>>
    tpu.enqueue_dma source(%dma_start3A_135 : memref<2x2176xi32, #tpu.memory_space<hbm>>) target(%arg6 : memref<2x2176xi32, #tpu.memory_space<vmem>>) target_semaphore(%arg9 : memref<!tpu.dma_semaphore, #tpu.memory_space<semaphore_mem>>)
    %dma_wait3A_136 = arith.constant 0 : i32
    %dma_wait3A_137 = tpu.memref_slice %arg2[%dma_wait3A_136, %add3A_118] : memref<2x1600000xi32, #tpu.memory_space<hbm>> -> memref<2x2176xi32, #tpu.memory_space<hbm>>
    %dma_wait3A_138 = arith.constant 0 : i32
    %dma_wait3A_139 = tpu.memref_slice %arg2[%dma_wait3A_138, %add3A_118] : memref<2x1600000xi32, #tpu.memory_space<hbm>> -> memref<2x2176xi32, #tpu.memory_space<hbm>>
    tpu.wait_dma2 semaphore(%arg10 : memref<!tpu.dma_semaphore, #tpu.memory_space<semaphore_mem>>) src(%dma_wait3A_139 : memref<2x2176xi32, #tpu.memory_space<hbm>>) dst(%arg7 : memref<2x2176xi32, #tpu.memory_space<vmem>>)
    %parallel_loop3A_140 = arith.constant 0 : i32
    %parallel_loop3A_141 = arith.constant 136 : i32
    %parallel_loop3A_142 = arith.constant 1 : i32
    scf.for %parallel_loop3A_334 = %parallel_loop3A_140 to %parallel_loop3A_141 step %parallel_loop3A_142  : i32 {
      %parallel_loop3A_335 = arith.constant 16 : i32
      %parallel_loop3A_336 = arith.muli %parallel_loop3A_334, %parallel_loop3A_335 : i32
      %parallel_loop3A_337 = arith.constant 1 : i32
      %parallel_loop3A_338 = arith.index_cast %parallel_loop3A_337 : i32 to index
      %parallel_loop3A_339 = arith.index_cast %parallel_loop3A_336 : i32 to index
      %parallel_loop3A_340 = tpu.vector_load %arg7[%parallel_loop3A_338, %parallel_loop3A_339] {strides = array<i32>} : memref<2x2176xi32, #tpu.memory_space<vmem>>, vector<16xi32>,
      %parallel_loop3A_341 = tpu.vector_load_idx %arg5[%parallel_loop3A_340] : memref<100000xi32, #tpu.memory_space<vmem>>[vector<16xi32>], vector<16xi32>,
      tpu.vector_store_idx %arg8[%parallel_loop3A_341], %broadcast_in_dim3A_40 : memref<256xf32, #tpu.memory_space<vmem>>[vector<16xi32>], vector<16xf32>,
    } {sc.loop_unroll_factor = 8 : i64, sc.parallel_access}
    %add3A_143 = arith.constant 19584 : i32
    %add3A_144 = arith.addi %min3A_3, %add3A_143 : i32
    %dma_start3A_145 = arith.constant 0 : i32
    %dma_start3A_146 = tpu.memref_slice %arg2[%dma_start3A_145, %add3A_144] : memref<2x1600000xi32, #tpu.memory_space<hbm>> -> memref<2x2176xi32, #tpu.memory_space<hbm>>
    %dma_start3A_147 = arith.constant 0 : i32
    %dma_start3A_148 = tpu.memref_slice %arg2[%dma_start3A_147, %add3A_144] : memref<2x1600000xi32, #tpu.memory_space<hbm>> -> memref<2x2176xi32, #tpu.memory_space<hbm>>
    tpu.enqueue_dma source(%dma_start3A_148 : memref<2x2176xi32, #tpu.memory_space<hbm>>) target(%arg7 : memref<2x2176xi32, #tpu.memory_space<vmem>>) target_semaphore(%arg10 : memref<!tpu.dma_semaphore, #tpu.memory_space<semaphore_mem>>)
    %dma_wait3A_149 = arith.constant 0 : i32
    %dma_wait3A_150 = tpu.memref_slice %arg2[%dma_wait3A_149, %add3A_131] : memref<2x1600000xi32, #tpu.memory_space<hbm>> -> memref<2x2176xi32, #tpu.memory_space<hbm>>
    %dma_wait3A_151 = arith.constant 0 : i32
    %dma_wait3A_152 = tpu.memref_slice %arg2[%dma_wait3A_151, %add3A_131] : memref<2x1600000xi32, #tpu.memory_space<hbm>> -> memref<2x2176xi32, #tpu.memory_space<hbm>>
    tpu.wait_dma2 semaphore(%arg9 : memref<!tpu.dma_semaphore, #tpu.memory_space<semaphore_mem>>) src(%dma_wait3A_152 : memref<2x2176xi32, #tpu.memory_space<hbm>>) dst(%arg6 : memref<2x2176xi32, #tpu.memory_space<vmem>>)
    %parallel_loop3A_153 = arith.constant 0 : i32
    %parallel_loop3A_154 = arith.constant 136 : i32
    %parallel_loop3A_155 = arith.constant 1 : i32
    scf.for %parallel_loop3A_334 = %parallel_loop3A_153 to %parallel_loop3A_154 step %parallel_loop3A_155  : i32 {
      %parallel_loop3A_335 = arith.constant 16 : i32
      %parallel_loop3A_336 = arith.muli %parallel_loop3A_334, %parallel_loop3A_335 : i32
      %parallel_loop3A_337 = arith.constant 1 : i32
      %parallel_loop3A_338 = arith.index_cast %parallel_loop3A_337 : i32 to index
      %parallel_loop3A_339 = arith.index_cast %parallel_loop3A_336 : i32 to index
      %parallel_loop3A_340 = tpu.vector_load %arg6[%parallel_loop3A_338, %parallel_loop3A_339] {strides = array<i32>} : memref<2x2176xi32, #tpu.memory_space<vmem>>, vector<16xi32>,
      %parallel_loop3A_341 = tpu.vector_load_idx %arg5[%parallel_loop3A_340] : memref<100000xi32, #tpu.memory_space<vmem>>[vector<16xi32>], vector<16xi32>,
      tpu.vector_store_idx %arg8[%parallel_loop3A_341], %broadcast_in_dim3A_40 : memref<256xf32, #tpu.memory_space<vmem>>[vector<16xi32>], vector<16xf32>,
    } {sc.loop_unroll_factor = 8 : i64, sc.parallel_access}
    %add3A_156 = arith.constant 21760 : i32
    %add3A_157 = arith.addi %min3A_3, %add3A_156 : i32
    %dma_start3A_158 = arith.constant 0 : i32
    %dma_start3A_159 = tpu.memref_slice %arg2[%dma_start3A_158, %add3A_157] : memref<2x1600000xi32, #tpu.memory_space<hbm>> -> memref<2x2176xi32, #tpu.memory_space<hbm>>
    %dma_start3A_160 = arith.constant 0 : i32
    %dma_start3A_161 = tpu.memref_slice %arg2[%dma_start3A_160, %add3A_157] : memref<2x1600000xi32, #tpu.memory_space<hbm>> -> memref<2x2176xi32, #tpu.memory_space<hbm>>
    tpu.enqueue_dma source(%dma_start3A_161 : memref<2x2176xi32, #tpu.memory_space<hbm>>) target(%arg6 : memref<2x2176xi32, #tpu.memory_space<vmem>>) target_semaphore(%arg9 : memref<!tpu.dma_semaphore, #tpu.memory_space<semaphore_mem>>)
    %dma_wait3A_162 = arith.constant 0 : i32
    %dma_wait3A_163 = tpu.memref_slice %arg2[%dma_wait3A_162, %add3A_144] : memref<2x1600000xi32, #tpu.memory_space<hbm>> -> memref<2x2176xi32, #tpu.memory_space<hbm>>
    %dma_wait3A_164 = arith.constant 0 : i32
    %dma_wait3A_165 = tpu.memref_slice %arg2[%dma_wait3A_164, %add3A_144] : memref<2x1600000xi32, #tpu.memory_space<hbm>> -> memref<2x2176xi32, #tpu.memory_space<hbm>>
    tpu.wait_dma2 semaphore(%arg10 : memref<!tpu.dma_semaphore, #tpu.memory_space<semaphore_mem>>) src(%dma_wait3A_165 : memref<2x2176xi32, #tpu.memory_space<hbm>>) dst(%arg7 : memref<2x2176xi32, #tpu.memory_space<vmem>>)
    %parallel_loop3A_166 = arith.constant 0 : i32
    %parallel_loop3A_167 = arith.constant 136 : i32
    %parallel_loop3A_168 = arith.constant 1 : i32
    scf.for %parallel_loop3A_334 = %parallel_loop3A_166 to %parallel_loop3A_167 step %parallel_loop3A_168  : i32 {
      %parallel_loop3A_335 = arith.constant 16 : i32
      %parallel_loop3A_336 = arith.muli %parallel_loop3A_334, %parallel_loop3A_335 : i32
      %parallel_loop3A_337 = arith.constant 1 : i32
      %parallel_loop3A_338 = arith.index_cast %parallel_loop3A_337 : i32 to index
      %parallel_loop3A_339 = arith.index_cast %parallel_loop3A_336 : i32 to index
      %parallel_loop3A_340 = tpu.vector_load %arg7[%parallel_loop3A_338, %parallel_loop3A_339] {strides = array<i32>} : memref<2x2176xi32, #tpu.memory_space<vmem>>, vector<16xi32>,
      %parallel_loop3A_341 = tpu.vector_load_idx %arg5[%parallel_loop3A_340] : memref<100000xi32, #tpu.memory_space<vmem>>[vector<16xi32>], vector<16xi32>,
      tpu.vector_store_idx %arg8[%parallel_loop3A_341], %broadcast_in_dim3A_40 : memref<256xf32, #tpu.memory_space<vmem>>[vector<16xi32>], vector<16xf32>,
    } {sc.loop_unroll_factor = 8 : i64, sc.parallel_access}
    %add3A_169 = arith.constant 23936 : i32
    %add3A_170 = arith.addi %min3A_3, %add3A_169 : i32
    %dma_start3A_171 = arith.constant 0 : i32
    %dma_start3A_172 = tpu.memref_slice %arg2[%dma_start3A_171, %add3A_170] : memref<2x1600000xi32, #tpu.memory_space<hbm>> -> memref<2x2176xi32, #tpu.memory_space<hbm>>
    %dma_start3A_173 = arith.constant 0 : i32
    %dma_start3A_174 = tpu.memref_slice %arg2[%dma_start3A_173, %add3A_170] : memref<2x1600000xi32, #tpu.memory_space<hbm>> -> memref<2x2176xi32, #tpu.memory_space<hbm>>
    tpu.enqueue_dma source(%dma_start3A_174 : memref<2x2176xi32, #tpu.memory_space<hbm>>) target(%arg7 : memref<2x2176xi32, #tpu.memory_space<vmem>>) target_semaphore(%arg10 : memref<!tpu.dma_semaphore, #tpu.memory_space<semaphore_mem>>)
    %dma_wait3A_175 = arith.constant 0 : i32
    %dma_wait3A_176 = tpu.memref_slice %arg2[%dma_wait3A_175, %add3A_157] : memref<2x1600000xi32, #tpu.memory_space<hbm>> -> memref<2x2176xi32, #tpu.memory_space<hbm>>
    %dma_wait3A_177 = arith.constant 0 : i32
    %dma_wait3A_178 = tpu.memref_slice %arg2[%dma_wait3A_177, %add3A_157] : memref<2x1600000xi32, #tpu.memory_space<hbm>> -> memref<2x2176xi32, #tpu.memory_space<hbm>>
    tpu.wait_dma2 semaphore(%arg9 : memref<!tpu.dma_semaphore, #tpu.memory_space<semaphore_mem>>) src(%dma_wait3A_178 : memref<2x2176xi32, #tpu.memory_space<hbm>>) dst(%arg6 : memref<2x2176xi32, #tpu.memory_space<vmem>>)
    %parallel_loop3A_179 = arith.constant 0 : i32
    %parallel_loop3A_180 = arith.constant 136 : i32
    %parallel_loop3A_181 = arith.constant 1 : i32
    scf.for %parallel_loop3A_334 = %parallel_loop3A_179 to %parallel_loop3A_180 step %parallel_loop3A_181  : i32 {
      %parallel_loop3A_335 = arith.constant 16 : i32
      %parallel_loop3A_336 = arith.muli %parallel_loop3A_334, %parallel_loop3A_335 : i32
      %parallel_loop3A_337 = arith.constant 1 : i32
      %parallel_loop3A_338 = arith.index_cast %parallel_loop3A_337 : i32 to index
      %parallel_loop3A_339 = arith.index_cast %parallel_loop3A_336 : i32 to index
      %parallel_loop3A_340 = tpu.vector_load %arg6[%parallel_loop3A_338, %parallel_loop3A_339] {strides = array<i32>} : memref<2x2176xi32, #tpu.memory_space<vmem>>, vector<16xi32>,
      %parallel_loop3A_341 = tpu.vector_load_idx %arg5[%parallel_loop3A_340] : memref<100000xi32, #tpu.memory_space<vmem>>[vector<16xi32>], vector<16xi32>,
      tpu.vector_store_idx %arg8[%parallel_loop3A_341], %broadcast_in_dim3A_40 : memref<256xf32, #tpu.memory_space<vmem>>[vector<16xi32>], vector<16xf32>,
    } {sc.loop_unroll_factor = 8 : i64, sc.parallel_access}
    %add3A_182 = arith.constant 26112 : i32
    %add3A_183 = arith.addi %min3A_3, %add3A_182 : i32
    %dma_start3A_184 = arith.constant 0 : i32
    %dma_start3A_185 = tpu.memref_slice %arg2[%dma_start3A_184, %add3A_183] : memref<2x1600000xi32, #tpu.memory_space<hbm>> -> memref<2x2176xi32, #tpu.memory_space<hbm>>
    %dma_start3A_186 = arith.constant 0 : i32
    %dma_start3A_187 = tpu.memref_slice %arg2[%dma_start3A_186, %add3A_183] : memref<2x1600000xi32, #tpu.memory_space<hbm>> -> memref<2x2176xi32, #tpu.memory_space<hbm>>
    tpu.enqueue_dma source(%dma_start3A_187 : memref<2x2176xi32, #tpu.memory_space<hbm>>) target(%arg6 : memref<2x2176xi32, #tpu.memory_space<vmem>>) target_semaphore(%arg9 : memref<!tpu.dma_semaphore, #tpu.memory_space<semaphore_mem>>)
    %dma_wait3A_188 = arith.constant 0 : i32
    %dma_wait3A_189 = tpu.memref_slice %arg2[%dma_wait3A_188, %add3A_170] : memref<2x1600000xi32, #tpu.memory_space<hbm>> -> memref<2x2176xi32, #tpu.memory_space<hbm>>
    %dma_wait3A_190 = arith.constant 0 : i32
    %dma_wait3A_191 = tpu.memref_slice %arg2[%dma_wait3A_190, %add3A_170] : memref<2x1600000xi32, #tpu.memory_space<hbm>> -> memref<2x2176xi32, #tpu.memory_space<hbm>>
    tpu.wait_dma2 semaphore(%arg10 : memref<!tpu.dma_semaphore, #tpu.memory_space<semaphore_mem>>) src(%dma_wait3A_191 : memref<2x2176xi32, #tpu.memory_space<hbm>>) dst(%arg7 : memref<2x2176xi32, #tpu.memory_space<vmem>>)
    %parallel_loop3A_192 = arith.constant 0 : i32
    %parallel_loop3A_193 = arith.constant 136 : i32
    %parallel_loop3A_194 = arith.constant 1 : i32
    scf.for %parallel_loop3A_334 = %parallel_loop3A_192 to %parallel_loop3A_193 step %parallel_loop3A_194  : i32 {
      %parallel_loop3A_335 = arith.constant 16 : i32
      %parallel_loop3A_336 = arith.muli %parallel_loop3A_334, %parallel_loop3A_335 : i32
      %parallel_loop3A_337 = arith.constant 1 : i32
      %parallel_loop3A_338 = arith.index_cast %parallel_loop3A_337 : i32 to index
      %parallel_loop3A_339 = arith.index_cast %parallel_loop3A_336 : i32 to index
      %parallel_loop3A_340 = tpu.vector_load %arg7[%parallel_loop3A_338, %parallel_loop3A_339] {strides = array<i32>} : memref<2x2176xi32, #tpu.memory_space<vmem>>, vector<16xi32>,
      %parallel_loop3A_341 = tpu.vector_load_idx %arg5[%parallel_loop3A_340] : memref<100000xi32, #tpu.memory_space<vmem>>[vector<16xi32>], vector<16xi32>,
      tpu.vector_store_idx %arg8[%parallel_loop3A_341], %broadcast_in_dim3A_40 : memref<256xf32, #tpu.memory_space<vmem>>[vector<16xi32>], vector<16xf32>,
    } {sc.loop_unroll_factor = 8 : i64, sc.parallel_access}
    %add3A_195 = arith.constant 28288 : i32
    %add3A_196 = arith.addi %min3A_3, %add3A_195 : i32
    %dma_start3A_197 = arith.constant 0 : i32
    %dma_start3A_198 = tpu.memref_slice %arg2[%dma_start3A_197, %add3A_196] : memref<2x1600000xi32, #tpu.memory_space<hbm>> -> memref<2x2176xi32, #tpu.memory_space<hbm>>
    %dma_start3A_199 = arith.constant 0 : i32
    %dma_start3A_200 = tpu.memref_slice %arg2[%dma_start3A_199, %add3A_196] : memref<2x1600000xi32, #tpu.memory_space<hbm>> -> memref<2x2176xi32, #tpu.memory_space<hbm>>
    tpu.enqueue_dma source(%dma_start3A_200 : memref<2x2176xi32, #tpu.memory_space<hbm>>) target(%arg7 : memref<2x2176xi32, #tpu.memory_space<vmem>>) target_semaphore(%arg10 : memref<!tpu.dma_semaphore, #tpu.memory_space<semaphore_mem>>)
    %dma_wait3A_201 = arith.constant 0 : i32
    %dma_wait3A_202 = tpu.memref_slice %arg2[%dma_wait3A_201, %add3A_183] : memref<2x1600000xi32, #tpu.memory_space<hbm>> -> memref<2x2176xi32, #tpu.memory_space<hbm>>
    %dma_wait3A_203 = arith.constant 0 : i32
    %dma_wait3A_204 = tpu.memref_slice %arg2[%dma_wait3A_203, %add3A_183] : memref<2x1600000xi32, #tpu.memory_space<hbm>> -> memref<2x2176xi32, #tpu.memory_space<hbm>>
    tpu.wait_dma2 semaphore(%arg9 : memref<!tpu.dma_semaphore, #tpu.memory_space<semaphore_mem>>) src(%dma_wait3A_204 : memref<2x2176xi32, #tpu.memory_space<hbm>>) dst(%arg6 : memref<2x2176xi32, #tpu.memory_space<vmem>>)
    %parallel_loop3A_205 = arith.constant 0 : i32
    %parallel_loop3A_206 = arith.constant 136 : i32
    %parallel_loop3A_207 = arith.constant 1 : i32
    scf.for %parallel_loop3A_334 = %parallel_loop3A_205 to %parallel_loop3A_206 step %parallel_loop3A_207  : i32 {
      %parallel_loop3A_335 = arith.constant 16 : i32
      %parallel_loop3A_336 = arith.muli %parallel_loop3A_334, %parallel_loop3A_335 : i32
      %parallel_loop3A_337 = arith.constant 1 : i32
      %parallel_loop3A_338 = arith.index_cast %parallel_loop3A_337 : i32 to index
      %parallel_loop3A_339 = arith.index_cast %parallel_loop3A_336 : i32 to index
      %parallel_loop3A_340 = tpu.vector_load %arg6[%parallel_loop3A_338, %parallel_loop3A_339] {strides = array<i32>} : memref<2x2176xi32, #tpu.memory_space<vmem>>, vector<16xi32>,
      %parallel_loop3A_341 = tpu.vector_load_idx %arg5[%parallel_loop3A_340] : memref<100000xi32, #tpu.memory_space<vmem>>[vector<16xi32>], vector<16xi32>,
      tpu.vector_store_idx %arg8[%parallel_loop3A_341], %broadcast_in_dim3A_40 : memref<256xf32, #tpu.memory_space<vmem>>[vector<16xi32>], vector<16xf32>,
    } {sc.loop_unroll_factor = 8 : i64, sc.parallel_access}
    %add3A_208 = arith.constant 30464 : i32
    %add3A_209 = arith.addi %min3A_3, %add3A_208 : i32
    %dma_start3A_210 = arith.constant 0 : i32
    %dma_start3A_211 = tpu.memref_slice %arg2[%dma_start3A_210, %add3A_209] : memref<2x1600000xi32, #tpu.memory_space<hbm>> -> memref<2x2176xi32, #tpu.memory_space<hbm>>
    %dma_start3A_212 = arith.constant 0 : i32
    %dma_start3A_213 = tpu.memref_slice %arg2[%dma_start3A_212, %add3A_209] : memref<2x1600000xi32, #tpu.memory_space<hbm>> -> memref<2x2176xi32, #tpu.memory_space<hbm>>
    tpu.enqueue_dma source(%dma_start3A_213 : memref<2x2176xi32, #tpu.memory_space<hbm>>) target(%arg6 : memref<2x2176xi32, #tpu.memory_space<vmem>>) target_semaphore(%arg9 : memref<!tpu.dma_semaphore, #tpu.memory_space<semaphore_mem>>)
    %dma_wait3A_214 = arith.constant 0 : i32
    %dma_wait3A_215 = tpu.memref_slice %arg2[%dma_wait3A_214, %add3A_196] : memref<2x1600000xi32, #tpu.memory_space<hbm>> -> memref<2x2176xi32, #tpu.memory_space<hbm>>
    %dma_wait3A_216 = arith.constant 0 : i32
    %dma_wait3A_217 = tpu.memref_slice %arg2[%dma_wait3A_216, %add3A_196] : memref<2x1600000xi32, #tpu.memory_space<hbm>> -> memref<2x2176xi32, #tpu.memory_space<hbm>>
    tpu.wait_dma2 semaphore(%arg10 : memref<!tpu.dma_semaphore, #tpu.memory_space<semaphore_mem>>) src(%dma_wait3A_217 : memref<2x2176xi32, #tpu.memory_space<hbm>>) dst(%arg7 : memref<2x2176xi32, #tpu.memory_space<vmem>>)
    %parallel_loop3A_218 = arith.constant 0 : i32
    %parallel_loop3A_219 = arith.constant 136 : i32
    %parallel_loop3A_220 = arith.constant 1 : i32
    scf.for %parallel_loop3A_334 = %parallel_loop3A_218 to %parallel_loop3A_219 step %parallel_loop3A_220  : i32 {
      %parallel_loop3A_335 = arith.constant 16 : i32
      %parallel_loop3A_336 = arith.muli %parallel_loop3A_334, %parallel_loop3A_335 : i32
      %parallel_loop3A_337 = arith.constant 1 : i32
      %parallel_loop3A_338 = arith.index_cast %parallel_loop3A_337 : i32 to index
      %parallel_loop3A_339 = arith.index_cast %parallel_loop3A_336 : i32 to index
      %parallel_loop3A_340 = tpu.vector_load %arg7[%parallel_loop3A_338, %parallel_loop3A_339] {strides = array<i32>} : memref<2x2176xi32, #tpu.memory_space<vmem>>, vector<16xi32>,
      %parallel_loop3A_341 = tpu.vector_load_idx %arg5[%parallel_loop3A_340] : memref<100000xi32, #tpu.memory_space<vmem>>[vector<16xi32>], vector<16xi32>,
      tpu.vector_store_idx %arg8[%parallel_loop3A_341], %broadcast_in_dim3A_40 : memref<256xf32, #tpu.memory_space<vmem>>[vector<16xi32>], vector<16xf32>,
    } {sc.loop_unroll_factor = 8 : i64, sc.parallel_access}
    %add3A_221 = arith.constant 32640 : i32
    %add3A_222 = arith.addi %min3A_3, %add3A_221 : i32
    %dma_start3A_223 = arith.constant 0 : i32
    %dma_start3A_224 = tpu.memref_slice %arg2[%dma_start3A_223, %add3A_222] : memref<2x1600000xi32, #tpu.memory_space<hbm>> -> memref<2x2176xi32, #tpu.memory_space<hbm>>
    %dma_start3A_225 = arith.constant 0 : i32
    %dma_start3A_226 = tpu.memref_slice %arg2[%dma_start3A_225, %add3A_222] : memref<2x1600000xi32, #tpu.memory_space<hbm>> -> memref<2x2176xi32, #tpu.memory_space<hbm>>
    tpu.enqueue_dma source(%dma_start3A_226 : memref<2x2176xi32, #tpu.memory_space<hbm>>) target(%arg7 : memref<2x2176xi32, #tpu.memory_space<vmem>>) target_semaphore(%arg10 : memref<!tpu.dma_semaphore, #tpu.memory_space<semaphore_mem>>)
    %dma_wait3A_227 = arith.constant 0 : i32
    %dma_wait3A_228 = tpu.memref_slice %arg2[%dma_wait3A_227, %add3A_209] : memref<2x1600000xi32, #tpu.memory_space<hbm>> -> memref<2x2176xi32, #tpu.memory_space<hbm>>
    %dma_wait3A_229 = arith.constant 0 : i32
    %dma_wait3A_230 = tpu.memref_slice %arg2[%dma_wait3A_229, %add3A_209] : memref<2x1600000xi32, #tpu.memory_space<hbm>> -> memref<2x2176xi32, #tpu.memory_space<hbm>>
    tpu.wait_dma2 semaphore(%arg9 : memref<!tpu.dma_semaphore, #tpu.memory_space<semaphore_mem>>) src(%dma_wait3A_230 : memref<2x2176xi32, #tpu.memory_space<hbm>>) dst(%arg6 : memref<2x2176xi32, #tpu.memory_space<vmem>>)
    %parallel_loop3A_231 = arith.constant 0 : i32
    %parallel_loop3A_232 = arith.constant 136 : i32
    %parallel_loop3A_233 = arith.constant 1 : i32
    scf.for %parallel_loop3A_334 = %parallel_loop3A_231 to %parallel_loop3A_232 step %parallel_loop3A_233  : i32 {
      %parallel_loop3A_335 = arith.constant 16 : i32
      %parallel_loop3A_336 = arith.muli %parallel_loop3A_334, %parallel_loop3A_335 : i32
      %parallel_loop3A_337 = arith.constant 1 : i32
      %parallel_loop3A_338 = arith.index_cast %parallel_loop3A_337 : i32 to index
      %parallel_loop3A_339 = arith.index_cast %parallel_loop3A_336 : i32 to index
      %parallel_loop3A_340 = tpu.vector_load %arg6[%parallel_loop3A_338, %parallel_loop3A_339] {strides = array<i32>} : memref<2x2176xi32, #tpu.memory_space<vmem>>, vector<16xi32>,
      %parallel_loop3A_341 = tpu.vector_load_idx %arg5[%parallel_loop3A_340] : memref<100000xi32, #tpu.memory_space<vmem>>[vector<16xi32>], vector<16xi32>,
      tpu.vector_store_idx %arg8[%parallel_loop3A_341], %broadcast_in_dim3A_40 : memref<256xf32, #tpu.memory_space<vmem>>[vector<16xi32>], vector<16xf32>,
    } {sc.loop_unroll_factor = 8 : i64, sc.parallel_access}
    %add3A_234 = arith.constant 34816 : i32
    %add3A_235 = arith.addi %min3A_3, %add3A_234 : i32
    %dma_start3A_236 = arith.constant 0 : i32
    %dma_start3A_237 = tpu.memref_slice %arg2[%dma_start3A_236, %add3A_235] : memref<2x1600000xi32, #tpu.memory_space<hbm>> -> memref<2x2176xi32, #tpu.memory_space<hbm>>
    %dma_start3A_238 = arith.constant 0 : i32
    %dma_start3A_239 = tpu.memref_slice %arg2[%dma_start3A_238, %add3A_235] : memref<2x1600000xi32, #tpu.memory_space<hbm>> -> memref<2x2176xi32, #tpu.memory_space<hbm>>
    tpu.enqueue_dma source(%dma_start3A_239 : memref<2x2176xi32, #tpu.memory_space<hbm>>) target(%arg6 : memref<2x2176xi32, #tpu.memory_space<vmem>>) target_semaphore(%arg9 : memref<!tpu.dma_semaphore, #tpu.memory_space<semaphore_mem>>)
    %dma_wait3A_240 = arith.constant 0 : i32
    %dma_wait3A_241 = tpu.memref_slice %arg2[%dma_wait3A_240, %add3A_222] : memref<2x1600000xi32, #tpu.memory_space<hbm>> -> memref<2x2176xi32, #tpu.memory_space<hbm>>
    %dma_wait3A_242 = arith.constant 0 : i32
    %dma_wait3A_243 = tpu.memref_slice %arg2[%dma_wait3A_242, %add3A_222] : memref<2x1600000xi32, #tpu.memory_space<hbm>> -> memref<2x2176xi32, #tpu.memory_space<hbm>>
    tpu.wait_dma2 semaphore(%arg10 : memref<!tpu.dma_semaphore, #tpu.memory_space<semaphore_mem>>) src(%dma_wait3A_243 : memref<2x2176xi32, #tpu.memory_space<hbm>>) dst(%arg7 : memref<2x2176xi32, #tpu.memory_space<vmem>>)
    %parallel_loop3A_244 = arith.constant 0 : i32
    %parallel_loop3A_245 = arith.constant 136 : i32
    %parallel_loop3A_246 = arith.constant 1 : i32
    scf.for %parallel_loop3A_334 = %parallel_loop3A_244 to %parallel_loop3A_245 step %parallel_loop3A_246  : i32 {
      %parallel_loop3A_335 = arith.constant 16 : i32
      %parallel_loop3A_336 = arith.muli %parallel_loop3A_334, %parallel_loop3A_335 : i32
      %parallel_loop3A_337 = arith.constant 1 : i32
      %parallel_loop3A_338 = arith.index_cast %parallel_loop3A_337 : i32 to index
      %parallel_loop3A_339 = arith.index_cast %parallel_loop3A_336 : i32 to index
      %parallel_loop3A_340 = tpu.vector_load %arg7[%parallel_loop3A_338, %parallel_loop3A_339] {strides = array<i32>} : memref<2x2176xi32, #tpu.memory_space<vmem>>, vector<16xi32>,
      %parallel_loop3A_341 = tpu.vector_load_idx %arg5[%parallel_loop3A_340] : memref<100000xi32, #tpu.memory_space<vmem>>[vector<16xi32>], vector<16xi32>,
      tpu.vector_store_idx %arg8[%parallel_loop3A_341], %broadcast_in_dim3A_40 : memref<256xf32, #tpu.memory_space<vmem>>[vector<16xi32>], vector<16xf32>,
    } {sc.loop_unroll_factor = 8 : i64, sc.parallel_access}
    %add3A_247 = arith.constant 36992 : i32
    %add3A_248 = arith.addi %min3A_3, %add3A_247 : i32
    %dma_start3A_249 = arith.constant 0 : i32
    %dma_start3A_250 = tpu.memref_slice %arg2[%dma_start3A_249, %add3A_248] : memref<2x1600000xi32, #tpu.memory_space<hbm>> -> memref<2x2176xi32, #tpu.memory_space<hbm>>
    %dma_start3A_251 = arith.constant 0 : i32
    %dma_start3A_252 = tpu.memref_slice %arg2[%dma_start3A_251, %add3A_248] : memref<2x1600000xi32, #tpu.memory_space<hbm>> -> memref<2x2176xi32, #tpu.memory_space<hbm>>
    tpu.enqueue_dma source(%dma_start3A_252 : memref<2x2176xi32, #tpu.memory_space<hbm>>) target(%arg7 : memref<2x2176xi32, #tpu.memory_space<vmem>>) target_semaphore(%arg10 : memref<!tpu.dma_semaphore, #tpu.memory_space<semaphore_mem>>)
    %dma_wait3A_253 = arith.constant 0 : i32
    %dma_wait3A_254 = tpu.memref_slice %arg2[%dma_wait3A_253, %add3A_235] : memref<2x1600000xi32, #tpu.memory_space<hbm>> -> memref<2x2176xi32, #tpu.memory_space<hbm>>
    %dma_wait3A_255 = arith.constant 0 : i32
    %dma_wait3A_256 = tpu.memref_slice %arg2[%dma_wait3A_255, %add3A_235] : memref<2x1600000xi32, #tpu.memory_space<hbm>> -> memref<2x2176xi32, #tpu.memory_space<hbm>>
    tpu.wait_dma2 semaphore(%arg9 : memref<!tpu.dma_semaphore, #tpu.memory_space<semaphore_mem>>) src(%dma_wait3A_256 : memref<2x2176xi32, #tpu.memory_space<hbm>>) dst(%arg6 : memref<2x2176xi32, #tpu.memory_space<vmem>>)
    %parallel_loop3A_257 = arith.constant 0 : i32
    %parallel_loop3A_258 = arith.constant 136 : i32
    %parallel_loop3A_259 = arith.constant 1 : i32
    scf.for %parallel_loop3A_334 = %parallel_loop3A_257 to %parallel_loop3A_258 step %parallel_loop3A_259  : i32 {
      %parallel_loop3A_335 = arith.constant 16 : i32
      %parallel_loop3A_336 = arith.muli %parallel_loop3A_334, %parallel_loop3A_335 : i32
      %parallel_loop3A_337 = arith.constant 1 : i32
      %parallel_loop3A_338 = arith.index_cast %parallel_loop3A_337 : i32 to index
      %parallel_loop3A_339 = arith.index_cast %parallel_loop3A_336 : i32 to index
      %parallel_loop3A_340 = tpu.vector_load %arg6[%parallel_loop3A_338, %parallel_loop3A_339] {strides = array<i32>} : memref<2x2176xi32, #tpu.memory_space<vmem>>, vector<16xi32>,
      %parallel_loop3A_341 = tpu.vector_load_idx %arg5[%parallel_loop3A_340] : memref<100000xi32, #tpu.memory_space<vmem>>[vector<16xi32>], vector<16xi32>,
      tpu.vector_store_idx %arg8[%parallel_loop3A_341], %broadcast_in_dim3A_40 : memref<256xf32, #tpu.memory_space<vmem>>[vector<16xi32>], vector<16xf32>,
    } {sc.loop_unroll_factor = 8 : i64, sc.parallel_access}
    %add3A_260 = arith.constant 39168 : i32
    %add3A_261 = arith.addi %min3A_3, %add3A_260 : i32
    %dma_start3A_262 = arith.constant 0 : i32
    %dma_start3A_263 = tpu.memref_slice %arg2[%dma_start3A_262, %add3A_261] : memref<2x1600000xi32, #tpu.memory_space<hbm>> -> memref<2x2176xi32, #tpu.memory_space<hbm>>
    %dma_start3A_264 = arith.constant 0 : i32
    %dma_start3A_265 = tpu.memref_slice %arg2[%dma_start3A_264, %add3A_261] : memref<2x1600000xi32, #tpu.memory_space<hbm>> -> memref<2x2176xi32, #tpu.memory_space<hbm>>
    tpu.enqueue_dma source(%dma_start3A_265 : memref<2x2176xi32, #tpu.memory_space<hbm>>) target(%arg6 : memref<2x2176xi32, #tpu.memory_space<vmem>>) target_semaphore(%arg9 : memref<!tpu.dma_semaphore, #tpu.memory_space<semaphore_mem>>)
    %dma_wait3A_266 = arith.constant 0 : i32
    %dma_wait3A_267 = tpu.memref_slice %arg2[%dma_wait3A_266, %add3A_248] : memref<2x1600000xi32, #tpu.memory_space<hbm>> -> memref<2x2176xi32, #tpu.memory_space<hbm>>
    %dma_wait3A_268 = arith.constant 0 : i32
    %dma_wait3A_269 = tpu.memref_slice %arg2[%dma_wait3A_268, %add3A_248] : memref<2x1600000xi32, #tpu.memory_space<hbm>> -> memref<2x2176xi32, #tpu.memory_space<hbm>>
    tpu.wait_dma2 semaphore(%arg10 : memref<!tpu.dma_semaphore, #tpu.memory_space<semaphore_mem>>) src(%dma_wait3A_269 : memref<2x2176xi32, #tpu.memory_space<hbm>>) dst(%arg7 : memref<2x2176xi32, #tpu.memory_space<vmem>>)
    %parallel_loop3A_270 = arith.constant 0 : i32
    %parallel_loop3A_271 = arith.constant 136 : i32
    %parallel_loop3A_272 = arith.constant 1 : i32
    scf.for %parallel_loop3A_334 = %parallel_loop3A_270 to %parallel_loop3A_271 step %parallel_loop3A_272  : i32 {
      %parallel_loop3A_335 = arith.constant 16 : i32
      %parallel_loop3A_336 = arith.muli %parallel_loop3A_334, %parallel_loop3A_335 : i32
      %parallel_loop3A_337 = arith.constant 1 : i32
      %parallel_loop3A_338 = arith.index_cast %parallel_loop3A_337 : i32 to index
      %parallel_loop3A_339 = arith.index_cast %parallel_loop3A_336 : i32 to index
      %parallel_loop3A_340 = tpu.vector_load %arg7[%parallel_loop3A_338, %parallel_loop3A_339] {strides = array<i32>} : memref<2x2176xi32, #tpu.memory_space<vmem>>, vector<16xi32>,
      %parallel_loop3A_341 = tpu.vector_load_idx %arg5[%parallel_loop3A_340] : memref<100000xi32, #tpu.memory_space<vmem>>[vector<16xi32>], vector<16xi32>,
      tpu.vector_store_idx %arg8[%parallel_loop3A_341], %broadcast_in_dim3A_40 : memref<256xf32, #tpu.memory_space<vmem>>[vector<16xi32>], vector<16xf32>,
    } {sc.loop_unroll_factor = 8 : i64, sc.parallel_access}
    %add3A_273 = arith.constant 41344 : i32
    %add3A_274 = arith.addi %min3A_3, %add3A_273 : i32
    %dma_start3A_275 = arith.constant 0 : i32
    %dma_start3A_276 = tpu.memref_slice %arg2[%dma_start3A_275, %add3A_274] : memref<2x1600000xi32, #tpu.memory_space<hbm>> -> memref<2x2176xi32, #tpu.memory_space<hbm>>
    %dma_start3A_277 = arith.constant 0 : i32
    %dma_start3A_278 = tpu.memref_slice %arg2[%dma_start3A_277, %add3A_274] : memref<2x1600000xi32, #tpu.memory_space<hbm>> -> memref<2x2176xi32, #tpu.memory_space<hbm>>
    tpu.enqueue_dma source(%dma_start3A_278 : memref<2x2176xi32, #tpu.memory_space<hbm>>) target(%arg7 : memref<2x2176xi32, #tpu.memory_space<vmem>>) target_semaphore(%arg10 : memref<!tpu.dma_semaphore, #tpu.memory_space<semaphore_mem>>)
    %dma_wait3A_279 = arith.constant 0 : i32
    %dma_wait3A_280 = tpu.memref_slice %arg2[%dma_wait3A_279, %add3A_261] : memref<2x1600000xi32, #tpu.memory_space<hbm>> -> memref<2x2176xi32, #tpu.memory_space<hbm>>
    %dma_wait3A_281 = arith.constant 0 : i32
    %dma_wait3A_282 = tpu.memref_slice %arg2[%dma_wait3A_281, %add3A_261] : memref<2x1600000xi32, #tpu.memory_space<hbm>> -> memref<2x2176xi32, #tpu.memory_space<hbm>>
    tpu.wait_dma2 semaphore(%arg9 : memref<!tpu.dma_semaphore, #tpu.memory_space<semaphore_mem>>) src(%dma_wait3A_282 : memref<2x2176xi32, #tpu.memory_space<hbm>>) dst(%arg6 : memref<2x2176xi32, #tpu.memory_space<vmem>>)
    %parallel_loop3A_283 = arith.constant 0 : i32
    %parallel_loop3A_284 = arith.constant 136 : i32
    %parallel_loop3A_285 = arith.constant 1 : i32
    scf.for %parallel_loop3A_334 = %parallel_loop3A_283 to %parallel_loop3A_284 step %parallel_loop3A_285  : i32 {
      %parallel_loop3A_335 = arith.constant 16 : i32
      %parallel_loop3A_336 = arith.muli %parallel_loop3A_334, %parallel_loop3A_335 : i32
      %parallel_loop3A_337 = arith.constant 1 : i32
      %parallel_loop3A_338 = arith.index_cast %parallel_loop3A_337 : i32 to index
      %parallel_loop3A_339 = arith.index_cast %parallel_loop3A_336 : i32 to index
      %parallel_loop3A_340 = tpu.vector_load %arg6[%parallel_loop3A_338, %parallel_loop3A_339] {strides = array<i32>} : memref<2x2176xi32, #tpu.memory_space<vmem>>, vector<16xi32>,
      %parallel_loop3A_341 = tpu.vector_load_idx %arg5[%parallel_loop3A_340] : memref<100000xi32, #tpu.memory_space<vmem>>[vector<16xi32>], vector<16xi32>,
      tpu.vector_store_idx %arg8[%parallel_loop3A_341], %broadcast_in_dim3A_40 : memref<256xf32, #tpu.memory_space<vmem>>[vector<16xi32>], vector<16xf32>,
    } {sc.loop_unroll_factor = 8 : i64, sc.parallel_access}
    %add3A_286 = arith.constant 43520 : i32
    %add3A_287 = arith.addi %min3A_3, %add3A_286 : i32
    %dma_start3A_288 = arith.constant 0 : i32
    %dma_start3A_289 = tpu.memref_slice %arg2[%dma_start3A_288, %add3A_287] : memref<2x1600000xi32, #tpu.memory_space<hbm>> -> memref<2x2176xi32, #tpu.memory_space<hbm>>
    %dma_start3A_290 = arith.constant 0 : i32
    %dma_start3A_291 = tpu.memref_slice %arg2[%dma_start3A_290, %add3A_287] : memref<2x1600000xi32, #tpu.memory_space<hbm>> -> memref<2x2176xi32, #tpu.memory_space<hbm>>
    tpu.enqueue_dma source(%dma_start3A_291 : memref<2x2176xi32, #tpu.memory_space<hbm>>) target(%arg6 : memref<2x2176xi32, #tpu.memory_space<vmem>>) target_semaphore(%arg9 : memref<!tpu.dma_semaphore, #tpu.memory_space<semaphore_mem>>)
    %dma_wait3A_292 = arith.constant 0 : i32
    %dma_wait3A_293 = tpu.memref_slice %arg2[%dma_wait3A_292, %add3A_274] : memref<2x1600000xi32, #tpu.memory_space<hbm>> -> memref<2x2176xi32, #tpu.memory_space<hbm>>
    %dma_wait3A_294 = arith.constant 0 : i32
    %dma_wait3A_295 = tpu.memref_slice %arg2[%dma_wait3A_294, %add3A_274] : memref<2x1600000xi32, #tpu.memory_space<hbm>> -> memref<2x2176xi32, #tpu.memory_space<hbm>>
    tpu.wait_dma2 semaphore(%arg10 : memref<!tpu.dma_semaphore, #tpu.memory_space<semaphore_mem>>) src(%dma_wait3A_295 : memref<2x2176xi32, #tpu.memory_space<hbm>>) dst(%arg7 : memref<2x2176xi32, #tpu.memory_space<vmem>>)
    %parallel_loop3A_296 = arith.constant 0 : i32
    %parallel_loop3A_297 = arith.constant 136 : i32
    %parallel_loop3A_298 = arith.constant 1 : i32
    scf.for %parallel_loop3A_334 = %parallel_loop3A_296 to %parallel_loop3A_297 step %parallel_loop3A_298  : i32 {
      %parallel_loop3A_335 = arith.constant 16 : i32
      %parallel_loop3A_336 = arith.muli %parallel_loop3A_334, %parallel_loop3A_335 : i32
      %parallel_loop3A_337 = arith.constant 1 : i32
      %parallel_loop3A_338 = arith.index_cast %parallel_loop3A_337 : i32 to index
      %parallel_loop3A_339 = arith.index_cast %parallel_loop3A_336 : i32 to index
      %parallel_loop3A_340 = tpu.vector_load %arg7[%parallel_loop3A_338, %parallel_loop3A_339] {strides = array<i32>} : memref<2x2176xi32, #tpu.memory_space<vmem>>, vector<16xi32>,
      %parallel_loop3A_341 = tpu.vector_load_idx %arg5[%parallel_loop3A_340] : memref<100000xi32, #tpu.memory_space<vmem>>[vector<16xi32>], vector<16xi32>,
      tpu.vector_store_idx %arg8[%parallel_loop3A_341], %broadcast_in_dim3A_40 : memref<256xf32, #tpu.memory_space<vmem>>[vector<16xi32>], vector<16xf32>,
    } {sc.loop_unroll_factor = 8 : i64, sc.parallel_access}
    %add3A_299 = arith.constant 45696 : i32
    %add3A_300 = arith.addi %min3A_3, %add3A_299 : i32
    %dma_start3A_301 = arith.constant 0 : i32
    %dma_start3A_302 = tpu.memref_slice %arg2[%dma_start3A_301, %add3A_300] : memref<2x1600000xi32, #tpu.memory_space<hbm>> -> memref<2x2176xi32, #tpu.memory_space<hbm>>
    %dma_start3A_303 = arith.constant 0 : i32
    %dma_start3A_304 = tpu.memref_slice %arg2[%dma_start3A_303, %add3A_300] : memref<2x1600000xi32, #tpu.memory_space<hbm>> -> memref<2x2176xi32, #tpu.memory_space<hbm>>
    tpu.enqueue_dma source(%dma_start3A_304 : memref<2x2176xi32, #tpu.memory_space<hbm>>) target(%arg7 : memref<2x2176xi32, #tpu.memory_space<vmem>>) target_semaphore(%arg10 : memref<!tpu.dma_semaphore, #tpu.memory_space<semaphore_mem>>)
    %dma_wait3A_305 = arith.constant 0 : i32
    %dma_wait3A_306 = tpu.memref_slice %arg2[%dma_wait3A_305, %add3A_287] : memref<2x1600000xi32, #tpu.memory_space<hbm>> -> memref<2x2176xi32, #tpu.memory_space<hbm>>
    %dma_wait3A_307 = arith.constant 0 : i32
    %dma_wait3A_308 = tpu.memref_slice %arg2[%dma_wait3A_307, %add3A_287] : memref<2x1600000xi32, #tpu.memory_space<hbm>> -> memref<2x2176xi32, #tpu.memory_space<hbm>>
    tpu.wait_dma2 semaphore(%arg9 : memref<!tpu.dma_semaphore, #tpu.memory_space<semaphore_mem>>) src(%dma_wait3A_308 : memref<2x2176xi32, #tpu.memory_space<hbm>>) dst(%arg6 : memref<2x2176xi32, #tpu.memory_space<vmem>>)
    %parallel_loop3A_309 = arith.constant 0 : i32
    %parallel_loop3A_310 = arith.constant 136 : i32
    %parallel_loop3A_311 = arith.constant 1 : i32
    scf.for %parallel_loop3A_334 = %parallel_loop3A_309 to %parallel_loop3A_310 step %parallel_loop3A_311  : i32 {
      %parallel_loop3A_335 = arith.constant 16 : i32
      %parallel_loop3A_336 = arith.muli %parallel_loop3A_334, %parallel_loop3A_335 : i32
      %parallel_loop3A_337 = arith.constant 1 : i32
      %parallel_loop3A_338 = arith.index_cast %parallel_loop3A_337 : i32 to index
      %parallel_loop3A_339 = arith.index_cast %parallel_loop3A_336 : i32 to index
      %parallel_loop3A_340 = tpu.vector_load %arg6[%parallel_loop3A_338, %parallel_loop3A_339] {strides = array<i32>} : memref<2x2176xi32, #tpu.memory_space<vmem>>, vector<16xi32>,
      %parallel_loop3A_341 = tpu.vector_load_idx %arg5[%parallel_loop3A_340] : memref<100000xi32, #tpu.memory_space<vmem>>[vector<16xi32>], vector<16xi32>,
      tpu.vector_store_idx %arg8[%parallel_loop3A_341], %broadcast_in_dim3A_40 : memref<256xf32, #tpu.memory_space<vmem>>[vector<16xi32>], vector<16xf32>,
    } {sc.loop_unroll_factor = 8 : i64, sc.parallel_access}
    %add3A_312 = arith.constant 47872 : i32
    %add3A_313 = arith.addi %min3A_3, %add3A_312 : i32
    %dma_start3A_314 = arith.constant 0 : i32
    %dma_start3A_315 = tpu.memref_slice %arg2[%dma_start3A_314, %add3A_313] : memref<2x1600000xi32, #tpu.memory_space<hbm>> -> memref<2x2176xi32, #tpu.memory_space<hbm>>
    %dma_start3A_316 = arith.constant 0 : i32
    %dma_start3A_317 = tpu.memref_slice %arg2[%dma_start3A_316, %add3A_313] : memref<2x1600000xi32, #tpu.memory_space<hbm>> -> memref<2x2176xi32, #tpu.memory_space<hbm>>
    tpu.enqueue_dma source(%dma_start3A_317 : memref<2x2176xi32, #tpu.memory_space<hbm>>) target(%arg6 : memref<2x2176xi32, #tpu.memory_space<vmem>>) target_semaphore(%arg9 : memref<!tpu.dma_semaphore, #tpu.memory_space<semaphore_mem>>)
    %dma_wait3A_318 = arith.constant 0 : i32
    %dma_wait3A_319 = tpu.memref_slice %arg2[%dma_wait3A_318, %add3A_300] : memref<2x1600000xi32, #tpu.memory_space<hbm>> -> memref<2x2176xi32, #tpu.memory_space<hbm>>
    %dma_wait3A_320 = arith.constant 0 : i32
    %dma_wait3A_321 = tpu.memref_slice %arg2[%dma_wait3A_320, %add3A_300] : memref<2x1600000xi32, #tpu.memory_space<hbm>> -> memref<2x2176xi32, #tpu.memory_space<hbm>>
    tpu.wait_dma2 semaphore(%arg10 : memref<!tpu.dma_semaphore, #tpu.memory_space<semaphore_mem>>) src(%dma_wait3A_321 : memref<2x2176xi32, #tpu.memory_space<hbm>>) dst(%arg7 : memref<2x2176xi32, #tpu.memory_space<vmem>>)
    %parallel_loop3A_322 = arith.constant 0 : i32
    %parallel_loop3A_323 = arith.constant 136 : i32
    %parallel_loop3A_324 = arith.constant 1 : i32
    scf.for %parallel_loop3A_334 = %parallel_loop3A_322 to %parallel_loop3A_323 step %parallel_loop3A_324  : i32 {
      %parallel_loop3A_335 = arith.constant 16 : i32
      %parallel_loop3A_336 = arith.muli %parallel_loop3A_334, %parallel_loop3A_335 : i32
      %parallel_loop3A_337 = arith.constant 1 : i32
      %parallel_loop3A_338 = arith.index_cast %parallel_loop3A_337 : i32 to index
      %parallel_loop3A_339 = arith.index_cast %parallel_loop3A_336 : i32 to index
      %parallel_loop3A_340 = tpu.vector_load %arg7[%parallel_loop3A_338, %parallel_loop3A_339] {strides = array<i32>} : memref<2x2176xi32, #tpu.memory_space<vmem>>, vector<16xi32>,
      %parallel_loop3A_341 = tpu.vector_load_idx %arg5[%parallel_loop3A_340] : memref<100000xi32, #tpu.memory_space<vmem>>[vector<16xi32>], vector<16xi32>,
      tpu.vector_store_idx %arg8[%parallel_loop3A_341], %broadcast_in_dim3A_40 : memref<256xf32, #tpu.memory_space<vmem>>[vector<16xi32>], vector<16xf32>,
    } {sc.loop_unroll_factor = 8 : i64, sc.parallel_access}
    %dma_wait3A_325 = arith.constant 0 : i32
    %dma_wait3A_326 = tpu.memref_slice %arg2[%dma_wait3A_325, %add3A_313] : memref<2x1600000xi32, #tpu.memory_space<hbm>> -> memref<2x2176xi32, #tpu.memory_space<hbm>>
    %dma_wait3A_327 = arith.constant 0 : i32
    %dma_wait3A_328 = tpu.memref_slice %arg2[%dma_wait3A_327, %add3A_313] : memref<2x1600000xi32, #tpu.memory_space<hbm>> -> memref<2x2176xi32, #tpu.memory_space<hbm>>
    tpu.wait_dma2 semaphore(%arg9 : memref<!tpu.dma_semaphore, #tpu.memory_space<semaphore_mem>>) src(%dma_wait3A_328 : memref<2x2176xi32, #tpu.memory_space<hbm>>) dst(%arg6 : memref<2x2176xi32, #tpu.memory_space<vmem>>)
    %parallel_loop3A_329 = arith.constant 0 : i32
    %parallel_loop3A_330 = arith.constant 136 : i32
    %parallel_loop3A_331 = arith.constant 1 : i32
    scf.for %parallel_loop3A_334 = %parallel_loop3A_329 to %parallel_loop3A_330 step %parallel_loop3A_331  : i32 {
      %parallel_loop3A_335 = arith.constant 16 : i32
      %parallel_loop3A_336 = arith.muli %parallel_loop3A_334, %parallel_loop3A_335 : i32
      %parallel_loop3A_337 = arith.constant 1 : i32
      %parallel_loop3A_338 = arith.index_cast %parallel_loop3A_337 : i32 to index
      %parallel_loop3A_339 = arith.index_cast %parallel_loop3A_336 : i32 to index
      %parallel_loop3A_340 = tpu.vector_load %arg6[%parallel_loop3A_338, %parallel_loop3A_339] {strides = array<i32>} : memref<2x2176xi32, #tpu.memory_space<vmem>>, vector<16xi32>,
      %parallel_loop3A_341 = tpu.vector_load_idx %arg5[%parallel_loop3A_340] : memref<100000xi32, #tpu.memory_space<vmem>>[vector<16xi32>], vector<16xi32>,
      tpu.vector_store_idx %arg8[%parallel_loop3A_341], %broadcast_in_dim3A_40 : memref<256xf32, #tpu.memory_space<vmem>>[vector<16xi32>], vector<16xf32>,
    } {sc.loop_unroll_factor = 8 : i64, sc.parallel_access}
    %mul3A_332 = arith.constant 256 : i32
    %mul3A_333 = arith.muli %add3A, %mul3A_332 : i32
    "tpu.region"() ({
      %run_scoped3A = tpu.sem_alloc : memref<!tpu.dma_semaphore, #tpu.memory_space<semaphore_mem>>
      %dma_start3A_334 = tpu.memref_slice %arg4[%mul3A_333] : memref<8192xf32, #tpu.memory_space<hbm>> -> memref<256xf32, #tpu.memory_space<hbm>>
      %dma_start3A_335 = tpu.memref_slice %arg4[%mul3A_333] : memref<8192xf32, #tpu.memory_space<hbm>> -> memref<256xf32, #tpu.memory_space<hbm>>
      tpu.enqueue_dma source(%arg8 : memref<256xf32, #tpu.memory_space<vmem>>) target(%dma_start3A_335 : memref<256xf32, #tpu.memory_space<hbm>>) target_semaphore(%run_scoped3A : memref<!tpu.dma_semaphore, #tpu.memory_space<semaphore_mem>>)
      %dma_wait3A_336 = tpu.memref_slice %arg4[%mul3A_333] : memref<8192xf32, #tpu.memory_space<hbm>> -> memref<256xf32, #tpu.memory_space<hbm>>
      %dma_wait3A_337 = tpu.memref_slice %arg4[%mul3A_333] : memref<8192xf32, #tpu.memory_space<hbm>> -> memref<256xf32, #tpu.memory_space<hbm>>
      tpu.wait_dma2 semaphore(%run_scoped3A : memref<!tpu.dma_semaphore, #tpu.memory_space<semaphore_mem>>) src(%arg8 : memref<256xf32, #tpu.memory_space<vmem>>) dst(%dma_wait3A_337 : memref<256xf32, #tpu.memory_space<hbm>>)
      tpu.yield
    }) : () -> ()
    return
  }
}

#map = affine_map<(d0, d1) -> (0)>
module attributes {stable_mosaic.version = 14 : i64} {
  func.func @_mask_apply(%arg0: i32, %arg1: i32, %arg2: memref<8192xf32, #tpu.memory_space<hbm>>, %arg3: memref<257xi32, #tpu.memory_space<hbm>>, %arg4: memref<100000xi32, #tpu.memory_space<hbm>>, %arg5: memref<100000xf32, #tpu.memory_space<hbm>>, %arg6: memref<100000xf32, #tpu.memory_space<hbm>>, %arg7: memref<8192xf32, #tpu.memory_space<vmem>>, %arg8: memref<257xi32, #tpu.memory_space<vmem>>, %arg9: memref<256xf32, #tpu.memory_space<vmem>>, %arg10: memref<3136xi32, #tpu.memory_space<vmem>>, %arg11: memref<3136xf32, #tpu.memory_space<vmem>>, %arg12: memref<3136xf32, #tpu.memory_space<vmem>>) attributes {dimension_semantics = [#tpu.dimension_semantics<core_parallel>, #tpu.dimension_semantics<subcore_parallel>], iteration_bounds = array<i64: 2, 16>, scalar_prefetch = 0 : i64, scratch_operands = 6 : i64, tpu.core_type = #tpu.core_type<sc_vector_subcore>, window_params = [{transform_indices = #map}, {transform_indices = #map}, {transform_indices = #map}, {transform_indices = #map}, {transform_indices = #map}]} {
    %mul3A = arith.constant 2 : i32
    %mul3A_0 = arith.muli %arg1, %mul3A : i32
    %add3A = arith.addi %mul3A_0, %arg0 : i32
    %mul3A_1 = arith.constant 3136 : i32
    %mul3A_2 = arith.muli %add3A, %mul3A_1 : i32
    %min3A = arith.constant 96864 : i32
    %min3A_3 = arith.minsi %mul3A_2, %min3A : i32
    "tpu.region"() ({
      %run_scoped3A = tpu.sem_alloc : memref<!tpu.dma_semaphore, #tpu.memory_space<semaphore_mem>>
      tpu.enqueue_dma source(%arg2 : memref<8192xf32, #tpu.memory_space<hbm>>) target(%arg7 : memref<8192xf32, #tpu.memory_space<vmem>>) target_semaphore(%run_scoped3A : memref<!tpu.dma_semaphore, #tpu.memory_space<semaphore_mem>>)
      tpu.wait_dma2 semaphore(%run_scoped3A : memref<!tpu.dma_semaphore, #tpu.memory_space<semaphore_mem>>) src(%arg2 : memref<8192xf32, #tpu.memory_space<hbm>>) dst(%arg7 : memref<8192xf32, #tpu.memory_space<vmem>>)
      tpu.yield
    }) : () -> ()
    "tpu.region"() ({
      %run_scoped3A = tpu.sem_alloc : memref<!tpu.dma_semaphore, #tpu.memory_space<semaphore_mem>>
      tpu.enqueue_dma source(%arg3 : memref<257xi32, #tpu.memory_space<hbm>>) target(%arg8 : memref<257xi32, #tpu.memory_space<vmem>>) target_semaphore(%run_scoped3A : memref<!tpu.dma_semaphore, #tpu.memory_space<semaphore_mem>>)
      tpu.wait_dma2 semaphore(%run_scoped3A : memref<!tpu.dma_semaphore, #tpu.memory_space<semaphore_mem>>) src(%arg3 : memref<257xi32, #tpu.memory_space<hbm>>) dst(%arg8 : memref<257xi32, #tpu.memory_space<vmem>>)
      tpu.yield
    }) : () -> ()
    "tpu.region"() ({
      %run_scoped3A = tpu.sem_alloc : memref<!tpu.dma_semaphore, #tpu.memory_space<semaphore_mem>>
      %dma_start3A = tpu.memref_slice %arg4[%min3A_3] : memref<100000xi32, #tpu.memory_space<hbm>> -> memref<3136xi32, #tpu.memory_space<hbm>>
      %dma_start3A_430 = tpu.memref_slice %arg4[%min3A_3] : memref<100000xi32, #tpu.memory_space<hbm>> -> memref<3136xi32, #tpu.memory_space<hbm>>
      tpu.enqueue_dma source(%dma_start3A_430 : memref<3136xi32, #tpu.memory_space<hbm>>) target(%arg10 : memref<3136xi32, #tpu.memory_space<vmem>>) target_semaphore(%run_scoped3A : memref<!tpu.dma_semaphore, #tpu.memory_space<semaphore_mem>>)
      %dma_wait3A = tpu.memref_slice %arg4[%min3A_3] : memref<100000xi32, #tpu.memory_space<hbm>> -> memref<3136xi32, #tpu.memory_space<hbm>>
      %dma_wait3A_431 = tpu.memref_slice %arg4[%min3A_3] : memref<100000xi32, #tpu.memory_space<hbm>> -> memref<3136xi32, #tpu.memory_space<hbm>>
      tpu.wait_dma2 semaphore(%run_scoped3A : memref<!tpu.dma_semaphore, #tpu.memory_space<semaphore_mem>>) src(%dma_wait3A_431 : memref<3136xi32, #tpu.memory_space<hbm>>) dst(%arg10 : memref<3136xi32, #tpu.memory_space<vmem>>)
      tpu.yield
    }) : () -> ()
    "tpu.region"() ({
      %run_scoped3A = tpu.sem_alloc : memref<!tpu.dma_semaphore, #tpu.memory_space<semaphore_mem>>
      %dma_start3A = tpu.memref_slice %arg5[%min3A_3] : memref<100000xf32, #tpu.memory_space<hbm>> -> memref<3136xf32, #tpu.memory_space<hbm>>
      %dma_start3A_430 = tpu.memref_slice %arg5[%min3A_3] : memref<100000xf32, #tpu.memory_space<hbm>> -> memref<3136xf32, #tpu.memory_space<hbm>>
      tpu.enqueue_dma source(%dma_start3A_430 : memref<3136xf32, #tpu.memory_space<hbm>>) target(%arg11 : memref<3136xf32, #tpu.memory_space<vmem>>) target_semaphore(%run_scoped3A : memref<!tpu.dma_semaphore, #tpu.memory_space<semaphore_mem>>)
      %dma_wait3A = tpu.memref_slice %arg5[%min3A_3] : memref<100000xf32, #tpu.memory_space<hbm>> -> memref<3136xf32, #tpu.memory_space<hbm>>
      %dma_wait3A_431 = tpu.memref_slice %arg5[%min3A_3] : memref<100000xf32, #tpu.memory_space<hbm>> -> memref<3136xf32, #tpu.memory_space<hbm>>
      tpu.wait_dma2 semaphore(%run_scoped3A : memref<!tpu.dma_semaphore, #tpu.memory_space<semaphore_mem>>) src(%dma_wait3A_431 : memref<3136xf32, #tpu.memory_space<hbm>>) dst(%arg11 : memref<3136xf32, #tpu.memory_space<vmem>>)
      tpu.yield
    }) : () -> ()
    %broadcast_in_dim3A = arith.constant 0.000000e+00 : f32
    %broadcast_in_dim3A_4 = vector.broadcast %broadcast_in_dim3A : f32 to vector<16xf32>
    %iota3A = tpu.iota {dimensions = array<i32: 0>} : vector<16xi32>
    %scan3A = arith.constant 0 : i32
    %scan3A_5 = arith.constant 32 : i32
    %scan3A_6 = arith.addi %scan3A, %scan3A_5 : i32
    %scan3A_7 = arith.constant 1 : i32
    %scan3A_8 = scf.for %scan3A_430 = %scan3A to %scan3A_6 step %scan3A_7 iter_args(%scan3A_431 = %broadcast_in_dim3A_4) -> (vector<16xf32>)  : i32 {
      %mul3A_432 = arith.constant 256 : i32
      %mul3A_433 = arith.muli %scan3A_430, %mul3A_432 : i32
      %add3A_434 = arith.constant 0 : i32
      %add3A_435 = arith.addi %mul3A_433, %add3A_434 : i32
      %get3A_436 = arith.index_cast %add3A_435 : i32 to index
      %get3A_437 = tpu.vector_load %arg7[%get3A_436] {strides = array<i32>} : memref<8192xf32, #tpu.memory_space<vmem>>, vector<16xf32>,
      %add3A_438 = arith.addf %scan3A_431, %get3A_437 : vector<16xf32>
      scf.yield %add3A_438 : vector<16xf32>
    }
    %scan3A_9 = arith.constant 32 : i32
    %add3A_10 = arith.constant 1 : i32
    %add3A_11 = vector.broadcast %add3A_10 : i32 to vector<16xi32>
    %add3A_12 = arith.addi %iota3A, %add3A_11 : vector<16xi32>
    %gather3A = tpu.vector_load_idx %arg8[%add3A_12] : memref<257xi32, #tpu.memory_space<vmem>>[vector<16xi32>], vector<16xi32>,
    %get3A = arith.constant 0 : index
    %get3A_13 = tpu.vector_load %arg8[%get3A] {strides = array<i32>} : memref<257xi32, #tpu.memory_space<vmem>>, vector<16xi32>,
    %sub3A = arith.subi %gather3A, %get3A_13 : vector<16xi32>
    %eq3A = arith.constant 1 : i32
    %eq3A_14 = vector.broadcast %eq3A : i32 to vector<16xi32>
    %eq3A_15 = arith.cmpi eq, %sub3A, %eq3A_14 : vector<16xi32>
    %eq3A_16 = arith.constant 0.000000e+00 : f32
    %eq3A_17 = vector.broadcast %eq3A_16 : f32 to vector<16xf32>
    %eq3A_18 = arith.cmpf oeq, %scan3A_8, %eq3A_17 : vector<16xf32>
    %and3A = arith.andi %eq3A_15, %eq3A_18 : vector<16xi1>
    %jit3A = arith.constant 0.000000e+00 : f32
    %jit3A_19 = arith.constant 1.000000e+00 : f32
    %broadcast_in_dim3A_20 = vector.broadcast %jit3A : f32 to vector<16xf32>
    %broadcast_in_dim3A_21 = vector.broadcast %jit3A_19 : f32 to vector<16xf32>
    %select_n3A = arith.select %and3A, %broadcast_in_dim3A_20, %broadcast_in_dim3A_21 : vector<16xi1>, vector<16xf32>
    %swap3A = arith.constant 0 : index
    %swap3A_22 = tpu.vector_load %arg9[%swap3A] {strides = array<i32>} : memref<256xf32, #tpu.memory_space<vmem>>, vector<16xf32>,
    tpu.vector_store %arg9[%swap3A], %select_n3A {strides = array<i32>} : memref<256xf32, #tpu.memory_space<vmem>>, vector<16xf32>,
    %scan3A_23 = arith.constant 0 : i32
    %scan3A_24 = arith.constant 32 : i32
    %scan3A_25 = arith.addi %scan3A_23, %scan3A_24 : i32
    %scan3A_26 = arith.constant 1 : i32
    %scan3A_27 = scf.for %scan3A_430 = %scan3A_23 to %scan3A_25 step %scan3A_26 iter_args(%scan3A_431 = %broadcast_in_dim3A_4) -> (vector<16xf32>)  : i32 {
      %mul3A_432 = arith.constant 256 : i32
      %mul3A_433 = arith.muli %scan3A_430, %mul3A_432 : i32
      %add3A_434 = arith.constant 16 : i32
      %add3A_435 = arith.addi %mul3A_433, %add3A_434 : i32
      %get3A_436 = arith.index_cast %add3A_435 : i32 to index
      %get3A_437 = tpu.vector_load %arg7[%get3A_436] {strides = array<i32>} : memref<8192xf32, #tpu.memory_space<vmem>>, vector<16xf32>,
      %add3A_438 = arith.addf %scan3A_431, %get3A_437 : vector<16xf32>
      scf.yield %add3A_438 : vector<16xf32>
    }
    %scan3A_28 = arith.constant 32 : i32
    %add3A_29 = arith.constant 17 : i32
    %add3A_30 = vector.broadcast %add3A_29 : i32 to vector<16xi32>
    %add3A_31 = arith.addi %iota3A, %add3A_30 : vector<16xi32>
    %gather3A_32 = tpu.vector_load_idx %arg8[%add3A_31] : memref<257xi32, #tpu.memory_space<vmem>>[vector<16xi32>], vector<16xi32>,
    %get3A_33 = arith.constant 16 : index
    %get3A_34 = tpu.vector_load %arg8[%get3A_33] {strides = array<i32>} : memref<257xi32, #tpu.memory_space<vmem>>, vector<16xi32>,
    %sub3A_35 = arith.subi %gather3A_32, %get3A_34 : vector<16xi32>
    %eq3A_36 = arith.constant 1 : i32
    %eq3A_37 = vector.broadcast %eq3A_36 : i32 to vector<16xi32>
    %eq3A_38 = arith.cmpi eq, %sub3A_35, %eq3A_37 : vector<16xi32>
    %eq3A_39 = arith.constant 0.000000e+00 : f32
    %eq3A_40 = vector.broadcast %eq3A_39 : f32 to vector<16xf32>
    %eq3A_41 = arith.cmpf oeq, %scan3A_27, %eq3A_40 : vector<16xf32>
    %and3A_42 = arith.andi %eq3A_38, %eq3A_41 : vector<16xi1>
    %jit3A_43 = arith.constant 0.000000e+00 : f32
    %jit3A_44 = arith.constant 1.000000e+00 : f32
    %broadcast_in_dim3A_45 = vector.broadcast %jit3A_43 : f32 to vector<16xf32>
    %broadcast_in_dim3A_46 = vector.broadcast %jit3A_44 : f32 to vector<16xf32>
    %select_n3A_47 = arith.select %and3A_42, %broadcast_in_dim3A_45, %broadcast_in_dim3A_46 : vector<16xi1>, vector<16xf32>
    %swap3A_48 = arith.constant 16 : index
    %swap3A_49 = tpu.vector_load %arg9[%swap3A_48] {strides = array<i32>} : memref<256xf32, #tpu.memory_space<vmem>>, vector<16xf32>,
    tpu.vector_store %arg9[%swap3A_48], %select_n3A_47 {strides = array<i32>} : memref<256xf32, #tpu.memory_space<vmem>>, vector<16xf32>,
    %scan3A_50 = arith.constant 0 : i32
    %scan3A_51 = arith.constant 32 : i32
    %scan3A_52 = arith.addi %scan3A_50, %scan3A_51 : i32
    %scan3A_53 = arith.constant 1 : i32
    %scan3A_54 = scf.for %scan3A_430 = %scan3A_50 to %scan3A_52 step %scan3A_53 iter_args(%scan3A_431 = %broadcast_in_dim3A_4) -> (vector<16xf32>)  : i32 {
      %mul3A_432 = arith.constant 256 : i32
      %mul3A_433 = arith.muli %scan3A_430, %mul3A_432 : i32
      %add3A_434 = arith.constant 32 : i32
      %add3A_435 = arith.addi %mul3A_433, %add3A_434 : i32
      %get3A_436 = arith.index_cast %add3A_435 : i32 to index
      %get3A_437 = tpu.vector_load %arg7[%get3A_436] {strides = array<i32>} : memref<8192xf32, #tpu.memory_space<vmem>>, vector<16xf32>,
      %add3A_438 = arith.addf %scan3A_431, %get3A_437 : vector<16xf32>
      scf.yield %add3A_438 : vector<16xf32>
    }
    %scan3A_55 = arith.constant 32 : i32
    %add3A_56 = arith.constant 33 : i32
    %add3A_57 = vector.broadcast %add3A_56 : i32 to vector<16xi32>
    %add3A_58 = arith.addi %iota3A, %add3A_57 : vector<16xi32>
    %gather3A_59 = tpu.vector_load_idx %arg8[%add3A_58] : memref<257xi32, #tpu.memory_space<vmem>>[vector<16xi32>], vector<16xi32>,
    %get3A_60 = arith.constant 32 : index
    %get3A_61 = tpu.vector_load %arg8[%get3A_60] {strides = array<i32>} : memref<257xi32, #tpu.memory_space<vmem>>, vector<16xi32>,
    %sub3A_62 = arith.subi %gather3A_59, %get3A_61 : vector<16xi32>
    %eq3A_63 = arith.constant 1 : i32
    %eq3A_64 = vector.broadcast %eq3A_63 : i32 to vector<16xi32>
    %eq3A_65 = arith.cmpi eq, %sub3A_62, %eq3A_64 : vector<16xi32>
    %eq3A_66 = arith.constant 0.000000e+00 : f32
    %eq3A_67 = vector.broadcast %eq3A_66 : f32 to vector<16xf32>
    %eq3A_68 = arith.cmpf oeq, %scan3A_54, %eq3A_67 : vector<16xf32>
    %and3A_69 = arith.andi %eq3A_65, %eq3A_68 : vector<16xi1>
    %jit3A_70 = arith.constant 0.000000e+00 : f32
    %jit3A_71 = arith.constant 1.000000e+00 : f32
    %broadcast_in_dim3A_72 = vector.broadcast %jit3A_70 : f32 to vector<16xf32>
    %broadcast_in_dim3A_73 = vector.broadcast %jit3A_71 : f32 to vector<16xf32>
    %select_n3A_74 = arith.select %and3A_69, %broadcast_in_dim3A_72, %broadcast_in_dim3A_73 : vector<16xi1>, vector<16xf32>
    %swap3A_75 = arith.constant 32 : index
    %swap3A_76 = tpu.vector_load %arg9[%swap3A_75] {strides = array<i32>} : memref<256xf32, #tpu.memory_space<vmem>>, vector<16xf32>,
    tpu.vector_store %arg9[%swap3A_75], %select_n3A_74 {strides = array<i32>} : memref<256xf32, #tpu.memory_space<vmem>>, vector<16xf32>,
    %scan3A_77 = arith.constant 0 : i32
    %scan3A_78 = arith.constant 32 : i32
    %scan3A_79 = arith.addi %scan3A_77, %scan3A_78 : i32
    %scan3A_80 = arith.constant 1 : i32
    %scan3A_81 = scf.for %scan3A_430 = %scan3A_77 to %scan3A_79 step %scan3A_80 iter_args(%scan3A_431 = %broadcast_in_dim3A_4) -> (vector<16xf32>)  : i32 {
      %mul3A_432 = arith.constant 256 : i32
      %mul3A_433 = arith.muli %scan3A_430, %mul3A_432 : i32
      %add3A_434 = arith.constant 48 : i32
      %add3A_435 = arith.addi %mul3A_433, %add3A_434 : i32
      %get3A_436 = arith.index_cast %add3A_435 : i32 to index
      %get3A_437 = tpu.vector_load %arg7[%get3A_436] {strides = array<i32>} : memref<8192xf32, #tpu.memory_space<vmem>>, vector<16xf32>,
      %add3A_438 = arith.addf %scan3A_431, %get3A_437 : vector<16xf32>
      scf.yield %add3A_438 : vector<16xf32>
    }
    %scan3A_82 = arith.constant 32 : i32
    %add3A_83 = arith.constant 49 : i32
    %add3A_84 = vector.broadcast %add3A_83 : i32 to vector<16xi32>
    %add3A_85 = arith.addi %iota3A, %add3A_84 : vector<16xi32>
    %gather3A_86 = tpu.vector_load_idx %arg8[%add3A_85] : memref<257xi32, #tpu.memory_space<vmem>>[vector<16xi32>], vector<16xi32>,
    %get3A_87 = arith.constant 48 : index
    %get3A_88 = tpu.vector_load %arg8[%get3A_87] {strides = array<i32>} : memref<257xi32, #tpu.memory_space<vmem>>, vector<16xi32>,
    %sub3A_89 = arith.subi %gather3A_86, %get3A_88 : vector<16xi32>
    %eq3A_90 = arith.constant 1 : i32
    %eq3A_91 = vector.broadcast %eq3A_90 : i32 to vector<16xi32>
    %eq3A_92 = arith.cmpi eq, %sub3A_89, %eq3A_91 : vector<16xi32>
    %eq3A_93 = arith.constant 0.000000e+00 : f32
    %eq3A_94 = vector.broadcast %eq3A_93 : f32 to vector<16xf32>
    %eq3A_95 = arith.cmpf oeq, %scan3A_81, %eq3A_94 : vector<16xf32>
    %and3A_96 = arith.andi %eq3A_92, %eq3A_95 : vector<16xi1>
    %jit3A_97 = arith.constant 0.000000e+00 : f32
    %jit3A_98 = arith.constant 1.000000e+00 : f32
    %broadcast_in_dim3A_99 = vector.broadcast %jit3A_97 : f32 to vector<16xf32>
    %broadcast_in_dim3A_100 = vector.broadcast %jit3A_98 : f32 to vector<16xf32>
    %select_n3A_101 = arith.select %and3A_96, %broadcast_in_dim3A_99, %broadcast_in_dim3A_100 : vector<16xi1>, vector<16xf32>
    %swap3A_102 = arith.constant 48 : index
    %swap3A_103 = tpu.vector_load %arg9[%swap3A_102] {strides = array<i32>} : memref<256xf32, #tpu.memory_space<vmem>>, vector<16xf32>,
    tpu.vector_store %arg9[%swap3A_102], %select_n3A_101 {strides = array<i32>} : memref<256xf32, #tpu.memory_space<vmem>>, vector<16xf32>,
    %scan3A_104 = arith.constant 0 : i32
    %scan3A_105 = arith.constant 32 : i32
    %scan3A_106 = arith.addi %scan3A_104, %scan3A_105 : i32
    %scan3A_107 = arith.constant 1 : i32
    %scan3A_108 = scf.for %scan3A_430 = %scan3A_104 to %scan3A_106 step %scan3A_107 iter_args(%scan3A_431 = %broadcast_in_dim3A_4) -> (vector<16xf32>)  : i32 {
      %mul3A_432 = arith.constant 256 : i32
      %mul3A_433 = arith.muli %scan3A_430, %mul3A_432 : i32
      %add3A_434 = arith.constant 64 : i32
      %add3A_435 = arith.addi %mul3A_433, %add3A_434 : i32
      %get3A_436 = arith.index_cast %add3A_435 : i32 to index
      %get3A_437 = tpu.vector_load %arg7[%get3A_436] {strides = array<i32>} : memref<8192xf32, #tpu.memory_space<vmem>>, vector<16xf32>,
      %add3A_438 = arith.addf %scan3A_431, %get3A_437 : vector<16xf32>
      scf.yield %add3A_438 : vector<16xf32>
    }
    %scan3A_109 = arith.constant 32 : i32
    %add3A_110 = arith.constant 65 : i32
    %add3A_111 = vector.broadcast %add3A_110 : i32 to vector<16xi32>
    %add3A_112 = arith.addi %iota3A, %add3A_111 : vector<16xi32>
    %gather3A_113 = tpu.vector_load_idx %arg8[%add3A_112] : memref<257xi32, #tpu.memory_space<vmem>>[vector<16xi32>], vector<16xi32>,
    %get3A_114 = arith.constant 64 : index
    %get3A_115 = tpu.vector_load %arg8[%get3A_114] {strides = array<i32>} : memref<257xi32, #tpu.memory_space<vmem>>, vector<16xi32>,
    %sub3A_116 = arith.subi %gather3A_113, %get3A_115 : vector<16xi32>
    %eq3A_117 = arith.constant 1 : i32
    %eq3A_118 = vector.broadcast %eq3A_117 : i32 to vector<16xi32>
    %eq3A_119 = arith.cmpi eq, %sub3A_116, %eq3A_118 : vector<16xi32>
    %eq3A_120 = arith.constant 0.000000e+00 : f32
    %eq3A_121 = vector.broadcast %eq3A_120 : f32 to vector<16xf32>
    %eq3A_122 = arith.cmpf oeq, %scan3A_108, %eq3A_121 : vector<16xf32>
    %and3A_123 = arith.andi %eq3A_119, %eq3A_122 : vector<16xi1>
    %jit3A_124 = arith.constant 0.000000e+00 : f32
    %jit3A_125 = arith.constant 1.000000e+00 : f32
    %broadcast_in_dim3A_126 = vector.broadcast %jit3A_124 : f32 to vector<16xf32>
    %broadcast_in_dim3A_127 = vector.broadcast %jit3A_125 : f32 to vector<16xf32>
    %select_n3A_128 = arith.select %and3A_123, %broadcast_in_dim3A_126, %broadcast_in_dim3A_127 : vector<16xi1>, vector<16xf32>
    %swap3A_129 = arith.constant 64 : index
    %swap3A_130 = tpu.vector_load %arg9[%swap3A_129] {strides = array<i32>} : memref<256xf32, #tpu.memory_space<vmem>>, vector<16xf32>,
    tpu.vector_store %arg9[%swap3A_129], %select_n3A_128 {strides = array<i32>} : memref<256xf32, #tpu.memory_space<vmem>>, vector<16xf32>,
    %scan3A_131 = arith.constant 0 : i32
    %scan3A_132 = arith.constant 32 : i32
    %scan3A_133 = arith.addi %scan3A_131, %scan3A_132 : i32
    %scan3A_134 = arith.constant 1 : i32
    %scan3A_135 = scf.for %scan3A_430 = %scan3A_131 to %scan3A_133 step %scan3A_134 iter_args(%scan3A_431 = %broadcast_in_dim3A_4) -> (vector<16xf32>)  : i32 {
      %mul3A_432 = arith.constant 256 : i32
      %mul3A_433 = arith.muli %scan3A_430, %mul3A_432 : i32
      %add3A_434 = arith.constant 80 : i32
      %add3A_435 = arith.addi %mul3A_433, %add3A_434 : i32
      %get3A_436 = arith.index_cast %add3A_435 : i32 to index
      %get3A_437 = tpu.vector_load %arg7[%get3A_436] {strides = array<i32>} : memref<8192xf32, #tpu.memory_space<vmem>>, vector<16xf32>,
      %add3A_438 = arith.addf %scan3A_431, %get3A_437 : vector<16xf32>
      scf.yield %add3A_438 : vector<16xf32>
    }
    %scan3A_136 = arith.constant 32 : i32
    %add3A_137 = arith.constant 81 : i32
    %add3A_138 = vector.broadcast %add3A_137 : i32 to vector<16xi32>
    %add3A_139 = arith.addi %iota3A, %add3A_138 : vector<16xi32>
    %gather3A_140 = tpu.vector_load_idx %arg8[%add3A_139] : memref<257xi32, #tpu.memory_space<vmem>>[vector<16xi32>], vector<16xi32>,
    %get3A_141 = arith.constant 80 : index
    %get3A_142 = tpu.vector_load %arg8[%get3A_141] {strides = array<i32>} : memref<257xi32, #tpu.memory_space<vmem>>, vector<16xi32>,
    %sub3A_143 = arith.subi %gather3A_140, %get3A_142 : vector<16xi32>
    %eq3A_144 = arith.constant 1 : i32
    %eq3A_145 = vector.broadcast %eq3A_144 : i32 to vector<16xi32>
    %eq3A_146 = arith.cmpi eq, %sub3A_143, %eq3A_145 : vector<16xi32>
    %eq3A_147 = arith.constant 0.000000e+00 : f32
    %eq3A_148 = vector.broadcast %eq3A_147 : f32 to vector<16xf32>
    %eq3A_149 = arith.cmpf oeq, %scan3A_135, %eq3A_148 : vector<16xf32>
    %and3A_150 = arith.andi %eq3A_146, %eq3A_149 : vector<16xi1>
    %jit3A_151 = arith.constant 0.000000e+00 : f32
    %jit3A_152 = arith.constant 1.000000e+00 : f32
    %broadcast_in_dim3A_153 = vector.broadcast %jit3A_151 : f32 to vector<16xf32>
    %broadcast_in_dim3A_154 = vector.broadcast %jit3A_152 : f32 to vector<16xf32>
    %select_n3A_155 = arith.select %and3A_150, %broadcast_in_dim3A_153, %broadcast_in_dim3A_154 : vector<16xi1>, vector<16xf32>
    %swap3A_156 = arith.constant 80 : index
    %swap3A_157 = tpu.vector_load %arg9[%swap3A_156] {strides = array<i32>} : memref<256xf32, #tpu.memory_space<vmem>>, vector<16xf32>,
    tpu.vector_store %arg9[%swap3A_156], %select_n3A_155 {strides = array<i32>} : memref<256xf32, #tpu.memory_space<vmem>>, vector<16xf32>,
    %scan3A_158 = arith.constant 0 : i32
    %scan3A_159 = arith.constant 32 : i32
    %scan3A_160 = arith.addi %scan3A_158, %scan3A_159 : i32
    %scan3A_161 = arith.constant 1 : i32
    %scan3A_162 = scf.for %scan3A_430 = %scan3A_158 to %scan3A_160 step %scan3A_161 iter_args(%scan3A_431 = %broadcast_in_dim3A_4) -> (vector<16xf32>)  : i32 {
      %mul3A_432 = arith.constant 256 : i32
      %mul3A_433 = arith.muli %scan3A_430, %mul3A_432 : i32
      %add3A_434 = arith.constant 96 : i32
      %add3A_435 = arith.addi %mul3A_433, %add3A_434 : i32
      %get3A_436 = arith.index_cast %add3A_435 : i32 to index
      %get3A_437 = tpu.vector_load %arg7[%get3A_436] {strides = array<i32>} : memref<8192xf32, #tpu.memory_space<vmem>>, vector<16xf32>,
      %add3A_438 = arith.addf %scan3A_431, %get3A_437 : vector<16xf32>
      scf.yield %add3A_438 : vector<16xf32>
    }
    %scan3A_163 = arith.constant 32 : i32
    %add3A_164 = arith.constant 97 : i32
    %add3A_165 = vector.broadcast %add3A_164 : i32 to vector<16xi32>
    %add3A_166 = arith.addi %iota3A, %add3A_165 : vector<16xi32>
    %gather3A_167 = tpu.vector_load_idx %arg8[%add3A_166] : memref<257xi32, #tpu.memory_space<vmem>>[vector<16xi32>], vector<16xi32>,
    %get3A_168 = arith.constant 96 : index
    %get3A_169 = tpu.vector_load %arg8[%get3A_168] {strides = array<i32>} : memref<257xi32, #tpu.memory_space<vmem>>, vector<16xi32>,
    %sub3A_170 = arith.subi %gather3A_167, %get3A_169 : vector<16xi32>
    %eq3A_171 = arith.constant 1 : i32
    %eq3A_172 = vector.broadcast %eq3A_171 : i32 to vector<16xi32>
    %eq3A_173 = arith.cmpi eq, %sub3A_170, %eq3A_172 : vector<16xi32>
    %eq3A_174 = arith.constant 0.000000e+00 : f32
    %eq3A_175 = vector.broadcast %eq3A_174 : f32 to vector<16xf32>
    %eq3A_176 = arith.cmpf oeq, %scan3A_162, %eq3A_175 : vector<16xf32>
    %and3A_177 = arith.andi %eq3A_173, %eq3A_176 : vector<16xi1>
    %jit3A_178 = arith.constant 0.000000e+00 : f32
    %jit3A_179 = arith.constant 1.000000e+00 : f32
    %broadcast_in_dim3A_180 = vector.broadcast %jit3A_178 : f32 to vector<16xf32>
    %broadcast_in_dim3A_181 = vector.broadcast %jit3A_179 : f32 to vector<16xf32>
    %select_n3A_182 = arith.select %and3A_177, %broadcast_in_dim3A_180, %broadcast_in_dim3A_181 : vector<16xi1>, vector<16xf32>
    %swap3A_183 = arith.constant 96 : index
    %swap3A_184 = tpu.vector_load %arg9[%swap3A_183] {strides = array<i32>} : memref<256xf32, #tpu.memory_space<vmem>>, vector<16xf32>,
    tpu.vector_store %arg9[%swap3A_183], %select_n3A_182 {strides = array<i32>} : memref<256xf32, #tpu.memory_space<vmem>>, vector<16xf32>,
    %scan3A_185 = arith.constant 0 : i32
    %scan3A_186 = arith.constant 32 : i32
    %scan3A_187 = arith.addi %scan3A_185, %scan3A_186 : i32
    %scan3A_188 = arith.constant 1 : i32
    %scan3A_189 = scf.for %scan3A_430 = %scan3A_185 to %scan3A_187 step %scan3A_188 iter_args(%scan3A_431 = %broadcast_in_dim3A_4) -> (vector<16xf32>)  : i32 {
      %mul3A_432 = arith.constant 256 : i32
      %mul3A_433 = arith.muli %scan3A_430, %mul3A_432 : i32
      %add3A_434 = arith.constant 112 : i32
      %add3A_435 = arith.addi %mul3A_433, %add3A_434 : i32
      %get3A_436 = arith.index_cast %add3A_435 : i32 to index
      %get3A_437 = tpu.vector_load %arg7[%get3A_436] {strides = array<i32>} : memref<8192xf32, #tpu.memory_space<vmem>>, vector<16xf32>,
      %add3A_438 = arith.addf %scan3A_431, %get3A_437 : vector<16xf32>
      scf.yield %add3A_438 : vector<16xf32>
    }
    %scan3A_190 = arith.constant 32 : i32
    %add3A_191 = arith.constant 113 : i32
    %add3A_192 = vector.broadcast %add3A_191 : i32 to vector<16xi32>
    %add3A_193 = arith.addi %iota3A, %add3A_192 : vector<16xi32>
    %gather3A_194 = tpu.vector_load_idx %arg8[%add3A_193] : memref<257xi32, #tpu.memory_space<vmem>>[vector<16xi32>], vector<16xi32>,
    %get3A_195 = arith.constant 112 : index
    %get3A_196 = tpu.vector_load %arg8[%get3A_195] {strides = array<i32>} : memref<257xi32, #tpu.memory_space<vmem>>, vector<16xi32>,
    %sub3A_197 = arith.subi %gather3A_194, %get3A_196 : vector<16xi32>
    %eq3A_198 = arith.constant 1 : i32
    %eq3A_199 = vector.broadcast %eq3A_198 : i32 to vector<16xi32>
    %eq3A_200 = arith.cmpi eq, %sub3A_197, %eq3A_199 : vector<16xi32>
    %eq3A_201 = arith.constant 0.000000e+00 : f32
    %eq3A_202 = vector.broadcast %eq3A_201 : f32 to vector<16xf32>
    %eq3A_203 = arith.cmpf oeq, %scan3A_189, %eq3A_202 : vector<16xf32>
    %and3A_204 = arith.andi %eq3A_200, %eq3A_203 : vector<16xi1>
    %jit3A_205 = arith.constant 0.000000e+00 : f32
    %jit3A_206 = arith.constant 1.000000e+00 : f32
    %broadcast_in_dim3A_207 = vector.broadcast %jit3A_205 : f32 to vector<16xf32>
    %broadcast_in_dim3A_208 = vector.broadcast %jit3A_206 : f32 to vector<16xf32>
    %select_n3A_209 = arith.select %and3A_204, %broadcast_in_dim3A_207, %broadcast_in_dim3A_208 : vector<16xi1>, vector<16xf32>
    %swap3A_210 = arith.constant 112 : index
    %swap3A_211 = tpu.vector_load %arg9[%swap3A_210] {strides = array<i32>} : memref<256xf32, #tpu.memory_space<vmem>>, vector<16xf32>,
    tpu.vector_store %arg9[%swap3A_210], %select_n3A_209 {strides = array<i32>} : memref<256xf32, #tpu.memory_space<vmem>>, vector<16xf32>,
    %scan3A_212 = arith.constant 0 : i32
    %scan3A_213 = arith.constant 32 : i32
    %scan3A_214 = arith.addi %scan3A_212, %scan3A_213 : i32
    %scan3A_215 = arith.constant 1 : i32
    %scan3A_216 = scf.for %scan3A_430 = %scan3A_212 to %scan3A_214 step %scan3A_215 iter_args(%scan3A_431 = %broadcast_in_dim3A_4) -> (vector<16xf32>)  : i32 {
      %mul3A_432 = arith.constant 256 : i32
      %mul3A_433 = arith.muli %scan3A_430, %mul3A_432 : i32
      %add3A_434 = arith.constant 128 : i32
      %add3A_435 = arith.addi %mul3A_433, %add3A_434 : i32
      %get3A_436 = arith.index_cast %add3A_435 : i32 to index
      %get3A_437 = tpu.vector_load %arg7[%get3A_436] {strides = array<i32>} : memref<8192xf32, #tpu.memory_space<vmem>>, vector<16xf32>,
      %add3A_438 = arith.addf %scan3A_431, %get3A_437 : vector<16xf32>
      scf.yield %add3A_438 : vector<16xf32>
    }
    %scan3A_217 = arith.constant 32 : i32
    %add3A_218 = arith.constant 129 : i32
    %add3A_219 = vector.broadcast %add3A_218 : i32 to vector<16xi32>
    %add3A_220 = arith.addi %iota3A, %add3A_219 : vector<16xi32>
    %gather3A_221 = tpu.vector_load_idx %arg8[%add3A_220] : memref<257xi32, #tpu.memory_space<vmem>>[vector<16xi32>], vector<16xi32>,
    %get3A_222 = arith.constant 128 : index
    %get3A_223 = tpu.vector_load %arg8[%get3A_222] {strides = array<i32>} : memref<257xi32, #tpu.memory_space<vmem>>, vector<16xi32>,
    %sub3A_224 = arith.subi %gather3A_221, %get3A_223 : vector<16xi32>
    %eq3A_225 = arith.constant 1 : i32
    %eq3A_226 = vector.broadcast %eq3A_225 : i32 to vector<16xi32>
    %eq3A_227 = arith.cmpi eq, %sub3A_224, %eq3A_226 : vector<16xi32>
    %eq3A_228 = arith.constant 0.000000e+00 : f32
    %eq3A_229 = vector.broadcast %eq3A_228 : f32 to vector<16xf32>
    %eq3A_230 = arith.cmpf oeq, %scan3A_216, %eq3A_229 : vector<16xf32>
    %and3A_231 = arith.andi %eq3A_227, %eq3A_230 : vector<16xi1>
    %jit3A_232 = arith.constant 0.000000e+00 : f32
    %jit3A_233 = arith.constant 1.000000e+00 : f32
    %broadcast_in_dim3A_234 = vector.broadcast %jit3A_232 : f32 to vector<16xf32>
    %broadcast_in_dim3A_235 = vector.broadcast %jit3A_233 : f32 to vector<16xf32>
    %select_n3A_236 = arith.select %and3A_231, %broadcast_in_dim3A_234, %broadcast_in_dim3A_235 : vector<16xi1>, vector<16xf32>
    %swap3A_237 = arith.constant 128 : index
    %swap3A_238 = tpu.vector_load %arg9[%swap3A_237] {strides = array<i32>} : memref<256xf32, #tpu.memory_space<vmem>>, vector<16xf32>,
    tpu.vector_store %arg9[%swap3A_237], %select_n3A_236 {strides = array<i32>} : memref<256xf32, #tpu.memory_space<vmem>>, vector<16xf32>,
    %scan3A_239 = arith.constant 0 : i32
    %scan3A_240 = arith.constant 32 : i32
    %scan3A_241 = arith.addi %scan3A_239, %scan3A_240 : i32
    %scan3A_242 = arith.constant 1 : i32
    %scan3A_243 = scf.for %scan3A_430 = %scan3A_239 to %scan3A_241 step %scan3A_242 iter_args(%scan3A_431 = %broadcast_in_dim3A_4) -> (vector<16xf32>)  : i32 {
      %mul3A_432 = arith.constant 256 : i32
      %mul3A_433 = arith.muli %scan3A_430, %mul3A_432 : i32
      %add3A_434 = arith.constant 144 : i32
      %add3A_435 = arith.addi %mul3A_433, %add3A_434 : i32
      %get3A_436 = arith.index_cast %add3A_435 : i32 to index
      %get3A_437 = tpu.vector_load %arg7[%get3A_436] {strides = array<i32>} : memref<8192xf32, #tpu.memory_space<vmem>>, vector<16xf32>,
      %add3A_438 = arith.addf %scan3A_431, %get3A_437 : vector<16xf32>
      scf.yield %add3A_438 : vector<16xf32>
    }
    %scan3A_244 = arith.constant 32 : i32
    %add3A_245 = arith.constant 145 : i32
    %add3A_246 = vector.broadcast %add3A_245 : i32 to vector<16xi32>
    %add3A_247 = arith.addi %iota3A, %add3A_246 : vector<16xi32>
    %gather3A_248 = tpu.vector_load_idx %arg8[%add3A_247] : memref<257xi32, #tpu.memory_space<vmem>>[vector<16xi32>], vector<16xi32>,
    %get3A_249 = arith.constant 144 : index
    %get3A_250 = tpu.vector_load %arg8[%get3A_249] {strides = array<i32>} : memref<257xi32, #tpu.memory_space<vmem>>, vector<16xi32>,
    %sub3A_251 = arith.subi %gather3A_248, %get3A_250 : vector<16xi32>
    %eq3A_252 = arith.constant 1 : i32
    %eq3A_253 = vector.broadcast %eq3A_252 : i32 to vector<16xi32>
    %eq3A_254 = arith.cmpi eq, %sub3A_251, %eq3A_253 : vector<16xi32>
    %eq3A_255 = arith.constant 0.000000e+00 : f32
    %eq3A_256 = vector.broadcast %eq3A_255 : f32 to vector<16xf32>
    %eq3A_257 = arith.cmpf oeq, %scan3A_243, %eq3A_256 : vector<16xf32>
    %and3A_258 = arith.andi %eq3A_254, %eq3A_257 : vector<16xi1>
    %jit3A_259 = arith.constant 0.000000e+00 : f32
    %jit3A_260 = arith.constant 1.000000e+00 : f32
    %broadcast_in_dim3A_261 = vector.broadcast %jit3A_259 : f32 to vector<16xf32>
    %broadcast_in_dim3A_262 = vector.broadcast %jit3A_260 : f32 to vector<16xf32>
    %select_n3A_263 = arith.select %and3A_258, %broadcast_in_dim3A_261, %broadcast_in_dim3A_262 : vector<16xi1>, vector<16xf32>
    %swap3A_264 = arith.constant 144 : index
    %swap3A_265 = tpu.vector_load %arg9[%swap3A_264] {strides = array<i32>} : memref<256xf32, #tpu.memory_space<vmem>>, vector<16xf32>,
    tpu.vector_store %arg9[%swap3A_264], %select_n3A_263 {strides = array<i32>} : memref<256xf32, #tpu.memory_space<vmem>>, vector<16xf32>,
    %scan3A_266 = arith.constant 0 : i32
    %scan3A_267 = arith.constant 32 : i32
    %scan3A_268 = arith.addi %scan3A_266, %scan3A_267 : i32
    %scan3A_269 = arith.constant 1 : i32
    %scan3A_270 = scf.for %scan3A_430 = %scan3A_266 to %scan3A_268 step %scan3A_269 iter_args(%scan3A_431 = %broadcast_in_dim3A_4) -> (vector<16xf32>)  : i32 {
      %mul3A_432 = arith.constant 256 : i32
      %mul3A_433 = arith.muli %scan3A_430, %mul3A_432 : i32
      %add3A_434 = arith.constant 160 : i32
      %add3A_435 = arith.addi %mul3A_433, %add3A_434 : i32
      %get3A_436 = arith.index_cast %add3A_435 : i32 to index
      %get3A_437 = tpu.vector_load %arg7[%get3A_436] {strides = array<i32>} : memref<8192xf32, #tpu.memory_space<vmem>>, vector<16xf32>,
      %add3A_438 = arith.addf %scan3A_431, %get3A_437 : vector<16xf32>
      scf.yield %add3A_438 : vector<16xf32>
    }
    %scan3A_271 = arith.constant 32 : i32
    %add3A_272 = arith.constant 161 : i32
    %add3A_273 = vector.broadcast %add3A_272 : i32 to vector<16xi32>
    %add3A_274 = arith.addi %iota3A, %add3A_273 : vector<16xi32>
    %gather3A_275 = tpu.vector_load_idx %arg8[%add3A_274] : memref<257xi32, #tpu.memory_space<vmem>>[vector<16xi32>], vector<16xi32>,
    %get3A_276 = arith.constant 160 : index
    %get3A_277 = tpu.vector_load %arg8[%get3A_276] {strides = array<i32>} : memref<257xi32, #tpu.memory_space<vmem>>, vector<16xi32>,
    %sub3A_278 = arith.subi %gather3A_275, %get3A_277 : vector<16xi32>
    %eq3A_279 = arith.constant 1 : i32
    %eq3A_280 = vector.broadcast %eq3A_279 : i32 to vector<16xi32>
    %eq3A_281 = arith.cmpi eq, %sub3A_278, %eq3A_280 : vector<16xi32>
    %eq3A_282 = arith.constant 0.000000e+00 : f32
    %eq3A_283 = vector.broadcast %eq3A_282 : f32 to vector<16xf32>
    %eq3A_284 = arith.cmpf oeq, %scan3A_270, %eq3A_283 : vector<16xf32>
    %and3A_285 = arith.andi %eq3A_281, %eq3A_284 : vector<16xi1>
    %jit3A_286 = arith.constant 0.000000e+00 : f32
    %jit3A_287 = arith.constant 1.000000e+00 : f32
    %broadcast_in_dim3A_288 = vector.broadcast %jit3A_286 : f32 to vector<16xf32>
    %broadcast_in_dim3A_289 = vector.broadcast %jit3A_287 : f32 to vector<16xf32>
    %select_n3A_290 = arith.select %and3A_285, %broadcast_in_dim3A_288, %broadcast_in_dim3A_289 : vector<16xi1>, vector<16xf32>
    %swap3A_291 = arith.constant 160 : index
    %swap3A_292 = tpu.vector_load %arg9[%swap3A_291] {strides = array<i32>} : memref<256xf32, #tpu.memory_space<vmem>>, vector<16xf32>,
    tpu.vector_store %arg9[%swap3A_291], %select_n3A_290 {strides = array<i32>} : memref<256xf32, #tpu.memory_space<vmem>>, vector<16xf32>,
    %scan3A_293 = arith.constant 0 : i32
    %scan3A_294 = arith.constant 32 : i32
    %scan3A_295 = arith.addi %scan3A_293, %scan3A_294 : i32
    %scan3A_296 = arith.constant 1 : i32
    %scan3A_297 = scf.for %scan3A_430 = %scan3A_293 to %scan3A_295 step %scan3A_296 iter_args(%scan3A_431 = %broadcast_in_dim3A_4) -> (vector<16xf32>)  : i32 {
      %mul3A_432 = arith.constant 256 : i32
      %mul3A_433 = arith.muli %scan3A_430, %mul3A_432 : i32
      %add3A_434 = arith.constant 176 : i32
      %add3A_435 = arith.addi %mul3A_433, %add3A_434 : i32
      %get3A_436 = arith.index_cast %add3A_435 : i32 to index
      %get3A_437 = tpu.vector_load %arg7[%get3A_436] {strides = array<i32>} : memref<8192xf32, #tpu.memory_space<vmem>>, vector<16xf32>,
      %add3A_438 = arith.addf %scan3A_431, %get3A_437 : vector<16xf32>
      scf.yield %add3A_438 : vector<16xf32>
    }
    %scan3A_298 = arith.constant 32 : i32
    %add3A_299 = arith.constant 177 : i32
    %add3A_300 = vector.broadcast %add3A_299 : i32 to vector<16xi32>
    %add3A_301 = arith.addi %iota3A, %add3A_300 : vector<16xi32>
    %gather3A_302 = tpu.vector_load_idx %arg8[%add3A_301] : memref<257xi32, #tpu.memory_space<vmem>>[vector<16xi32>], vector<16xi32>,
    %get3A_303 = arith.constant 176 : index
    %get3A_304 = tpu.vector_load %arg8[%get3A_303] {strides = array<i32>} : memref<257xi32, #tpu.memory_space<vmem>>, vector<16xi32>,
    %sub3A_305 = arith.subi %gather3A_302, %get3A_304 : vector<16xi32>
    %eq3A_306 = arith.constant 1 : i32
    %eq3A_307 = vector.broadcast %eq3A_306 : i32 to vector<16xi32>
    %eq3A_308 = arith.cmpi eq, %sub3A_305, %eq3A_307 : vector<16xi32>
    %eq3A_309 = arith.constant 0.000000e+00 : f32
    %eq3A_310 = vector.broadcast %eq3A_309 : f32 to vector<16xf32>
    %eq3A_311 = arith.cmpf oeq, %scan3A_297, %eq3A_310 : vector<16xf32>
    %and3A_312 = arith.andi %eq3A_308, %eq3A_311 : vector<16xi1>
    %jit3A_313 = arith.constant 0.000000e+00 : f32
    %jit3A_314 = arith.constant 1.000000e+00 : f32
    %broadcast_in_dim3A_315 = vector.broadcast %jit3A_313 : f32 to vector<16xf32>
    %broadcast_in_dim3A_316 = vector.broadcast %jit3A_314 : f32 to vector<16xf32>
    %select_n3A_317 = arith.select %and3A_312, %broadcast_in_dim3A_315, %broadcast_in_dim3A_316 : vector<16xi1>, vector<16xf32>
    %swap3A_318 = arith.constant 176 : index
    %swap3A_319 = tpu.vector_load %arg9[%swap3A_318] {strides = array<i32>} : memref<256xf32, #tpu.memory_space<vmem>>, vector<16xf32>,
    tpu.vector_store %arg9[%swap3A_318], %select_n3A_317 {strides = array<i32>} : memref<256xf32, #tpu.memory_space<vmem>>, vector<16xf32>,
    %scan3A_320 = arith.constant 0 : i32
    %scan3A_321 = arith.constant 32 : i32
    %scan3A_322 = arith.addi %scan3A_320, %scan3A_321 : i32
    %scan3A_323 = arith.constant 1 : i32
    %scan3A_324 = scf.for %scan3A_430 = %scan3A_320 to %scan3A_322 step %scan3A_323 iter_args(%scan3A_431 = %broadcast_in_dim3A_4) -> (vector<16xf32>)  : i32 {
      %mul3A_432 = arith.constant 256 : i32
      %mul3A_433 = arith.muli %scan3A_430, %mul3A_432 : i32
      %add3A_434 = arith.constant 192 : i32
      %add3A_435 = arith.addi %mul3A_433, %add3A_434 : i32
      %get3A_436 = arith.index_cast %add3A_435 : i32 to index
      %get3A_437 = tpu.vector_load %arg7[%get3A_436] {strides = array<i32>} : memref<8192xf32, #tpu.memory_space<vmem>>, vector<16xf32>,
      %add3A_438 = arith.addf %scan3A_431, %get3A_437 : vector<16xf32>
      scf.yield %add3A_438 : vector<16xf32>
    }
    %scan3A_325 = arith.constant 32 : i32
    %add3A_326 = arith.constant 193 : i32
    %add3A_327 = vector.broadcast %add3A_326 : i32 to vector<16xi32>
    %add3A_328 = arith.addi %iota3A, %add3A_327 : vector<16xi32>
    %gather3A_329 = tpu.vector_load_idx %arg8[%add3A_328] : memref<257xi32, #tpu.memory_space<vmem>>[vector<16xi32>], vector<16xi32>,
    %get3A_330 = arith.constant 192 : index
    %get3A_331 = tpu.vector_load %arg8[%get3A_330] {strides = array<i32>} : memref<257xi32, #tpu.memory_space<vmem>>, vector<16xi32>,
    %sub3A_332 = arith.subi %gather3A_329, %get3A_331 : vector<16xi32>
    %eq3A_333 = arith.constant 1 : i32
    %eq3A_334 = vector.broadcast %eq3A_333 : i32 to vector<16xi32>
    %eq3A_335 = arith.cmpi eq, %sub3A_332, %eq3A_334 : vector<16xi32>
    %eq3A_336 = arith.constant 0.000000e+00 : f32
    %eq3A_337 = vector.broadcast %eq3A_336 : f32 to vector<16xf32>
    %eq3A_338 = arith.cmpf oeq, %scan3A_324, %eq3A_337 : vector<16xf32>
    %and3A_339 = arith.andi %eq3A_335, %eq3A_338 : vector<16xi1>
    %jit3A_340 = arith.constant 0.000000e+00 : f32
    %jit3A_341 = arith.constant 1.000000e+00 : f32
    %broadcast_in_dim3A_342 = vector.broadcast %jit3A_340 : f32 to vector<16xf32>
    %broadcast_in_dim3A_343 = vector.broadcast %jit3A_341 : f32 to vector<16xf32>
    %select_n3A_344 = arith.select %and3A_339, %broadcast_in_dim3A_342, %broadcast_in_dim3A_343 : vector<16xi1>, vector<16xf32>
    %swap3A_345 = arith.constant 192 : index
    %swap3A_346 = tpu.vector_load %arg9[%swap3A_345] {strides = array<i32>} : memref<256xf32, #tpu.memory_space<vmem>>, vector<16xf32>,
    tpu.vector_store %arg9[%swap3A_345], %select_n3A_344 {strides = array<i32>} : memref<256xf32, #tpu.memory_space<vmem>>, vector<16xf32>,
    %scan3A_347 = arith.constant 0 : i32
    %scan3A_348 = arith.constant 32 : i32
    %scan3A_349 = arith.addi %scan3A_347, %scan3A_348 : i32
    %scan3A_350 = arith.constant 1 : i32
    %scan3A_351 = scf.for %scan3A_430 = %scan3A_347 to %scan3A_349 step %scan3A_350 iter_args(%scan3A_431 = %broadcast_in_dim3A_4) -> (vector<16xf32>)  : i32 {
      %mul3A_432 = arith.constant 256 : i32
      %mul3A_433 = arith.muli %scan3A_430, %mul3A_432 : i32
      %add3A_434 = arith.constant 208 : i32
      %add3A_435 = arith.addi %mul3A_433, %add3A_434 : i32
      %get3A_436 = arith.index_cast %add3A_435 : i32 to index
      %get3A_437 = tpu.vector_load %arg7[%get3A_436] {strides = array<i32>} : memref<8192xf32, #tpu.memory_space<vmem>>, vector<16xf32>,
      %add3A_438 = arith.addf %scan3A_431, %get3A_437 : vector<16xf32>
      scf.yield %add3A_438 : vector<16xf32>
    }
    %scan3A_352 = arith.constant 32 : i32
    %add3A_353 = arith.constant 209 : i32
    %add3A_354 = vector.broadcast %add3A_353 : i32 to vector<16xi32>
    %add3A_355 = arith.addi %iota3A, %add3A_354 : vector<16xi32>
    %gather3A_356 = tpu.vector_load_idx %arg8[%add3A_355] : memref<257xi32, #tpu.memory_space<vmem>>[vector<16xi32>], vector<16xi32>,
    %get3A_357 = arith.constant 208 : index
    %get3A_358 = tpu.vector_load %arg8[%get3A_357] {strides = array<i32>} : memref<257xi32, #tpu.memory_space<vmem>>, vector<16xi32>,
    %sub3A_359 = arith.subi %gather3A_356, %get3A_358 : vector<16xi32>
    %eq3A_360 = arith.constant 1 : i32
    %eq3A_361 = vector.broadcast %eq3A_360 : i32 to vector<16xi32>
    %eq3A_362 = arith.cmpi eq, %sub3A_359, %eq3A_361 : vector<16xi32>
    %eq3A_363 = arith.constant 0.000000e+00 : f32
    %eq3A_364 = vector.broadcast %eq3A_363 : f32 to vector<16xf32>
    %eq3A_365 = arith.cmpf oeq, %scan3A_351, %eq3A_364 : vector<16xf32>
    %and3A_366 = arith.andi %eq3A_362, %eq3A_365 : vector<16xi1>
    %jit3A_367 = arith.constant 0.000000e+00 : f32
    %jit3A_368 = arith.constant 1.000000e+00 : f32
    %broadcast_in_dim3A_369 = vector.broadcast %jit3A_367 : f32 to vector<16xf32>
    %broadcast_in_dim3A_370 = vector.broadcast %jit3A_368 : f32 to vector<16xf32>
    %select_n3A_371 = arith.select %and3A_366, %broadcast_in_dim3A_369, %broadcast_in_dim3A_370 : vector<16xi1>, vector<16xf32>
    %swap3A_372 = arith.constant 208 : index
    %swap3A_373 = tpu.vector_load %arg9[%swap3A_372] {strides = array<i32>} : memref<256xf32, #tpu.memory_space<vmem>>, vector<16xf32>,
    tpu.vector_store %arg9[%swap3A_372], %select_n3A_371 {strides = array<i32>} : memref<256xf32, #tpu.memory_space<vmem>>, vector<16xf32>,
    %scan3A_374 = arith.constant 0 : i32
    %scan3A_375 = arith.constant 32 : i32
    %scan3A_376 = arith.addi %scan3A_374, %scan3A_375 : i32
    %scan3A_377 = arith.constant 1 : i32
    %scan3A_378 = scf.for %scan3A_430 = %scan3A_374 to %scan3A_376 step %scan3A_377 iter_args(%scan3A_431 = %broadcast_in_dim3A_4) -> (vector<16xf32>)  : i32 {
      %mul3A_432 = arith.constant 256 : i32
      %mul3A_433 = arith.muli %scan3A_430, %mul3A_432 : i32
      %add3A_434 = arith.constant 224 : i32
      %add3A_435 = arith.addi %mul3A_433, %add3A_434 : i32
      %get3A_436 = arith.index_cast %add3A_435 : i32 to index
      %get3A_437 = tpu.vector_load %arg7[%get3A_436] {strides = array<i32>} : memref<8192xf32, #tpu.memory_space<vmem>>, vector<16xf32>,
      %add3A_438 = arith.addf %scan3A_431, %get3A_437 : vector<16xf32>
      scf.yield %add3A_438 : vector<16xf32>
    }
    %scan3A_379 = arith.constant 32 : i32
    %add3A_380 = arith.constant 225 : i32
    %add3A_381 = vector.broadcast %add3A_380 : i32 to vector<16xi32>
    %add3A_382 = arith.addi %iota3A, %add3A_381 : vector<16xi32>
    %gather3A_383 = tpu.vector_load_idx %arg8[%add3A_382] : memref<257xi32, #tpu.memory_space<vmem>>[vector<16xi32>], vector<16xi32>,
    %get3A_384 = arith.constant 224 : index
    %get3A_385 = tpu.vector_load %arg8[%get3A_384] {strides = array<i32>} : memref<257xi32, #tpu.memory_space<vmem>>, vector<16xi32>,
    %sub3A_386 = arith.subi %gather3A_383, %get3A_385 : vector<16xi32>
    %eq3A_387 = arith.constant 1 : i32
    %eq3A_388 = vector.broadcast %eq3A_387 : i32 to vector<16xi32>
    %eq3A_389 = arith.cmpi eq, %sub3A_386, %eq3A_388 : vector<16xi32>
    %eq3A_390 = arith.constant 0.000000e+00 : f32
    %eq3A_391 = vector.broadcast %eq3A_390 : f32 to vector<16xf32>
    %eq3A_392 = arith.cmpf oeq, %scan3A_378, %eq3A_391 : vector<16xf32>
    %and3A_393 = arith.andi %eq3A_389, %eq3A_392 : vector<16xi1>
    %jit3A_394 = arith.constant 0.000000e+00 : f32
    %jit3A_395 = arith.constant 1.000000e+00 : f32
    %broadcast_in_dim3A_396 = vector.broadcast %jit3A_394 : f32 to vector<16xf32>
    %broadcast_in_dim3A_397 = vector.broadcast %jit3A_395 : f32 to vector<16xf32>
    %select_n3A_398 = arith.select %and3A_393, %broadcast_in_dim3A_396, %broadcast_in_dim3A_397 : vector<16xi1>, vector<16xf32>
    %swap3A_399 = arith.constant 224 : index
    %swap3A_400 = tpu.vector_load %arg9[%swap3A_399] {strides = array<i32>} : memref<256xf32, #tpu.memory_space<vmem>>, vector<16xf32>,
    tpu.vector_store %arg9[%swap3A_399], %select_n3A_398 {strides = array<i32>} : memref<256xf32, #tpu.memory_space<vmem>>, vector<16xf32>,
    %scan3A_401 = arith.constant 0 : i32
    %scan3A_402 = arith.constant 32 : i32
    %scan3A_403 = arith.addi %scan3A_401, %scan3A_402 : i32
    %scan3A_404 = arith.constant 1 : i32
    %scan3A_405 = scf.for %scan3A_430 = %scan3A_401 to %scan3A_403 step %scan3A_404 iter_args(%scan3A_431 = %broadcast_in_dim3A_4) -> (vector<16xf32>)  : i32 {
      %mul3A_432 = arith.constant 256 : i32
      %mul3A_433 = arith.muli %scan3A_430, %mul3A_432 : i32
      %add3A_434 = arith.constant 240 : i32
      %add3A_435 = arith.addi %mul3A_433, %add3A_434 : i32
      %get3A_436 = arith.index_cast %add3A_435 : i32 to index
      %get3A_437 = tpu.vector_load %arg7[%get3A_436] {strides = array<i32>} : memref<8192xf32, #tpu.memory_space<vmem>>, vector<16xf32>,
      %add3A_438 = arith.addf %scan3A_431, %get3A_437 : vector<16xf32>
      scf.yield %add3A_438 : vector<16xf32>
    }
    %scan3A_406 = arith.constant 32 : i32
    %add3A_407 = arith.constant 241 : i32
    %add3A_408 = vector.broadcast %add3A_407 : i32 to vector<16xi32>
    %add3A_409 = arith.addi %iota3A, %add3A_408 : vector<16xi32>
    %gather3A_410 = tpu.vector_load_idx %arg8[%add3A_409] : memref<257xi32, #tpu.memory_space<vmem>>[vector<16xi32>], vector<16xi32>,
    %get3A_411 = arith.constant 240 : index
    %get3A_412 = tpu.vector_load %arg8[%get3A_411] {strides = array<i32>} : memref<257xi32, #tpu.memory_space<vmem>>, vector<16xi32>,
    %sub3A_413 = arith.subi %gather3A_410, %get3A_412 : vector<16xi32>
    %eq3A_414 = arith.constant 1 : i32
    %eq3A_415 = vector.broadcast %eq3A_414 : i32 to vector<16xi32>
    %eq3A_416 = arith.cmpi eq, %sub3A_413, %eq3A_415 : vector<16xi32>
    %eq3A_417 = arith.constant 0.000000e+00 : f32
    %eq3A_418 = vector.broadcast %eq3A_417 : f32 to vector<16xf32>
    %eq3A_419 = arith.cmpf oeq, %scan3A_405, %eq3A_418 : vector<16xf32>
    %and3A_420 = arith.andi %eq3A_416, %eq3A_419 : vector<16xi1>
    %jit3A_421 = arith.constant 0.000000e+00 : f32
    %jit3A_422 = arith.constant 1.000000e+00 : f32
    %broadcast_in_dim3A_423 = vector.broadcast %jit3A_421 : f32 to vector<16xf32>
    %broadcast_in_dim3A_424 = vector.broadcast %jit3A_422 : f32 to vector<16xf32>
    %select_n3A_425 = arith.select %and3A_420, %broadcast_in_dim3A_423, %broadcast_in_dim3A_424 : vector<16xi1>, vector<16xf32>
    %swap3A_426 = arith.constant 240 : index
    %swap3A_427 = tpu.vector_load %arg9[%swap3A_426] {strides = array<i32>} : memref<256xf32, #tpu.memory_space<vmem>>, vector<16xf32>,
    tpu.vector_store %arg9[%swap3A_426], %select_n3A_425 {strides = array<i32>} : memref<256xf32, #tpu.memory_space<vmem>>, vector<16xf32>,
    %parallel_loop3A = arith.constant 0 : i32
    %parallel_loop3A_428 = arith.constant 196 : i32
    %parallel_loop3A_429 = arith.constant 1 : i32
    scf.for %parallel_loop3A_430 = %parallel_loop3A to %parallel_loop3A_428 step %parallel_loop3A_429  : i32 {
      %parallel_loop3A_431 = arith.constant 16 : i32
      %parallel_loop3A_432 = arith.muli %parallel_loop3A_430, %parallel_loop3A_431 : i32
      %parallel_loop3A_433 = arith.index_cast %parallel_loop3A_432 : i32 to index
      %parallel_loop3A_434 = tpu.vector_load %arg10[%parallel_loop3A_433] {strides = array<i32>} : memref<3136xi32, #tpu.memory_space<vmem>>, vector<16xi32>,
      %parallel_loop3A_435 = tpu.vector_load_idx %arg9[%parallel_loop3A_434] : memref<256xf32, #tpu.memory_space<vmem>>[vector<16xi32>], vector<16xf32>,
      %parallel_loop3A_436 = arith.index_cast %parallel_loop3A_432 : i32 to index
      %parallel_loop3A_437 = tpu.vector_load %arg11[%parallel_loop3A_436] {strides = array<i32>} : memref<3136xf32, #tpu.memory_space<vmem>>, vector<16xf32>,
      %parallel_loop3A_438 = arith.mulf %parallel_loop3A_435, %parallel_loop3A_437 : vector<16xf32>
      %parallel_loop3A_439 = arith.index_cast %parallel_loop3A_432 : i32 to index
      %parallel_loop3A_440 = tpu.vector_load %arg12[%parallel_loop3A_439] {strides = array<i32>} : memref<3136xf32, #tpu.memory_space<vmem>>, vector<16xf32>,
      tpu.vector_store %arg12[%parallel_loop3A_439], %parallel_loop3A_438 {strides = array<i32>} : memref<3136xf32, #tpu.memory_space<vmem>>, vector<16xf32>,
    } {sc.loop_unroll_factor = 4 : i64, sc.parallel_access}
    "tpu.region"() ({
      %run_scoped3A = tpu.sem_alloc : memref<!tpu.dma_semaphore, #tpu.memory_space<semaphore_mem>>
      %dma_start3A = tpu.memref_slice %arg6[%min3A_3] : memref<100000xf32, #tpu.memory_space<hbm>> -> memref<3136xf32, #tpu.memory_space<hbm>>
      %dma_start3A_430 = tpu.memref_slice %arg6[%min3A_3] : memref<100000xf32, #tpu.memory_space<hbm>> -> memref<3136xf32, #tpu.memory_space<hbm>>
      tpu.enqueue_dma source(%arg12 : memref<3136xf32, #tpu.memory_space<vmem>>) target(%dma_start3A_430 : memref<3136xf32, #tpu.memory_space<hbm>>) target_semaphore(%run_scoped3A : memref<!tpu.dma_semaphore, #tpu.memory_space<semaphore_mem>>)
      %dma_wait3A = tpu.memref_slice %arg6[%min3A_3] : memref<100000xf32, #tpu.memory_space<hbm>> -> memref<3136xf32, #tpu.memory_space<hbm>>
      %dma_wait3A_431 = tpu.memref_slice %arg6[%min3A_3] : memref<100000xf32, #tpu.memory_space<hbm>> -> memref<3136xf32, #tpu.memory_space<hbm>>
      tpu.wait_dma2 semaphore(%run_scoped3A : memref<!tpu.dma_semaphore, #tpu.memory_space<semaphore_mem>>) src(%arg12 : memref<3136xf32, #tpu.memory_space<vmem>>) dst(%dma_wait3A_431 : memref<3136xf32, #tpu.memory_space<hbm>>)
      tpu.yield
    }) : () -> ()
    return
  }
}

module attributes {stable_mosaic.version = 14 : i64} {
  func.func @_dense_body(%arg0: i32, %arg1: memref<10x4xf32, #tpu.memory_space<vmem>>, %arg2: memref<1x8192xf32, #tpu.memory_space<vmem>>, %arg3: memref<1x8192xf32, #tpu.memory_space<vmem>>, %arg4: memref<8192x10xf32, #tpu.memory_space<vmem>>, %arg5: memref<1x8192xf32, #tpu.memory_space<vmem>>) attributes {dimension_semantics = [#tpu.dimension_semantics<arbitrary>], iteration_bounds = array<i64: 13>, scalar_prefetch = 0 : i64, scratch_operands = 0 : i64, tpu.core_type = #tpu.core_type<tc>, window_params = [{pipeline_mode = #tpu.pipeline_mode<synchronous>, transform_indices = @transform_0, window_bounds = array<i64: 10, 4>}, {transform_indices = @transform_1, window_bounds = array<i64: 1, 8192>}, {transform_indices = @transform_2, window_bounds = array<i64: 1, 8192>}, {transform_indices = @transform_3, window_bounds = array<i64: 8192, 10>}, {transform_indices = @transform_4, window_bounds = array<i64: 1, 8192>}]} {
    %get3A = arith.constant 0 : index
    %get3A_0 = arith.constant 0 : index
    %get3A_1 = vector.load %arg1[%get3A, %get3A_0] : memref<10x4xf32, #tpu.memory_space<vmem>>, vector<10x4xf32>
    %get3A_2 = arith.constant 0 : index
    %get3A_3 = arith.constant 0 : index
    %get3A_4 = vector.load %arg4[%get3A_2, %get3A_3] : memref<8192x10xf32, #tpu.memory_space<vmem>>, vector<8192x10xf32>
    %dot_general3A = arith.constant dense<0.000000e+00> : vector<4x8192xf32>
    %dot_general3A_5 = tpu.matmul %get3A_1, %get3A_4, %dot_general3A {dimension_numbers = #tpu.dot_dimension_numbers<[0], [1], [1], [0], [0, 1, 1, 0], [], []>, precision = #tpu.contract_precision<fp32>, transpose_lhs_hint = false} : vector<10x4xf32>, vector<8192x10xf32>, vector<4x8192xf32> -> vector<4x8192xf32>
    %get3A_6 = arith.constant 0 : index
    %get3A_7 = arith.constant 0 : index
    %get3A_8 = vector.load %arg2[%get3A_6, %get3A_7] : memref<1x8192xf32, #tpu.memory_space<vmem>>, vector<1x8192xf32>
    %slice3A = vector.extract_strided_slice %dot_general3A_5 {offsets = [0, 0], sizes = [1, 8192], strides = [1, 1]} : vector<4x8192xf32> to vector<1x8192xf32>
    %slice3A_9 = vector.extract_strided_slice %dot_general3A_5 {offsets = [1, 0], sizes = [1, 8192], strides = [1, 1]} : vector<4x8192xf32> to vector<1x8192xf32>
    %mul3A = arith.mulf %get3A_8, %slice3A_9 : vector<1x8192xf32>
    %add3A = arith.addf %slice3A, %mul3A : vector<1x8192xf32>
    %slice3A_10 = vector.extract_strided_slice %dot_general3A_5 {offsets = [2, 0], sizes = [1, 8192], strides = [1, 1]} : vector<4x8192xf32> to vector<1x8192xf32>
    %slice3A_11 = vector.extract_strided_slice %dot_general3A_5 {offsets = [3, 0], sizes = [1, 8192], strides = [1, 1]} : vector<4x8192xf32> to vector<1x8192xf32>
    %mul3A_12 = arith.mulf %get3A_8, %slice3A_11 : vector<1x8192xf32>
    %add3A_13 = arith.addf %slice3A_10, %mul3A_12 : vector<1x8192xf32>
    %get3A_14 = arith.constant 0 : index
    %get3A_15 = arith.constant 0 : index
    %get3A_16 = vector.load %arg3[%get3A_14, %get3A_15] : memref<1x8192xf32, #tpu.memory_space<vmem>>, vector<1x8192xf32>
    %mul3A_17 = arith.mulf %get3A_16, %add3A : vector<1x8192xf32>
    %add3A_18 = arith.addf %mul3A_17, %add3A_13 : vector<1x8192xf32>
    %swap3A = arith.constant 0 : index
    %swap3A_19 = arith.constant 0 : index
    %swap3A_20 = vector.load %arg5[%swap3A, %swap3A_19] : memref<1x8192xf32, #tpu.memory_space<vmem>>, vector<1x8192xf32>
    tpu.vector_store %arg5[%swap3A, %swap3A_19], %add3A_18 {strides = array<i32>} : memref<1x8192xf32, #tpu.memory_space<vmem>>, vector<1x8192xf32>,
    return
  }
  func.func @transform_0(%arg0: i32) -> (i32, i32) {
    %c0_i32 = arith.constant 0 : i32
    %c0_i32_0 = arith.constant 0 : i32
    %c0_i32_1 = arith.constant 0 : i32
    return %c0_i32, %c0_i32_0 : i32, i32
  }
  func.func @transform_1(%arg0: i32) -> (i32, i32) {
    %c0_i32 = arith.constant 0 : i32
    %c0_i32_0 = arith.constant 0 : i32
    return %c0_i32, %arg0 : i32, i32
  }
  func.func @transform_2(%arg0: i32) -> (i32, i32) {
    %c0_i32 = arith.constant 0 : i32
    %c0_i32_0 = arith.constant 0 : i32
    return %c0_i32, %arg0 : i32, i32
  }
  func.func @transform_3(%arg0: i32) -> (i32, i32) {
    %c0_i32 = arith.constant 0 : i32
    %c0_i32_0 = arith.constant 0 : i32
    return %arg0, %c0_i32 : i32, i32
  }
  func.func @transform_4(%arg0: i32) -> (i32, i32) {
    %c0_i32 = arith.constant 0 : i32
    %c0_i32_0 = arith.constant 0 : i32
    return %c0_i32, %arg0 : i32, i32
  }
}

</mosaic_0001>

<sc_bundles>
// kernel: kernel.5.cloned.1.call-start
scs
__scs_entry_jumppad:
0x0: {  	(pc) =	sbr.rel $0x88, $3  }
0x1: {  	(tag) =	ssettag $0x0;
	lr =	simm.s32 $0x1  }
0x2: {  	[smem:$0x3F99] =	sst lr;
	_ =	strace $0xD0000000  }
0x3: {  	_ = 	snop  }
0x4: {  	_ = 	snop  }
0x5: {  	_ = 	snop  }
0x6: {  	_ = 	snop  }
0x7: {  	_ = 	snop  }
__scs_overlays_trampoline_lowered:
0x8: {  	[smem:$0x3FA8] =	sst s0  }
0x9: {  	[smem:$0x3FA9] =	sst s1  }
0xa: {  	[smem:$0x3FAA] =	sst s2  }
0xb: {  	[smem:$0x3FAB] =	sst s3  }
0xc: {  	[smem:$0x3FAC] =	sst s4  }
0xd: {  	[smem:$0x3FAD] =	sst s5  }
0xe: {  	[smem:$0x3FAE] =	sst s6  }
0xf: {  	[smem:$0x3FAF] =	sst s7  }
0x10: {  	[smem:$0x3FB0] =	sst s8  }
0x11: {  	[smem:$0x3FB1] =	sst s9;
	s0 =	simm.s32 @!p0 $0x0  }
0x12: {  	s1 =	sld [smem:$0x3F97];
	s0 =	simm.s32 @p0 $0x1  }
0x13: {  	[smem:$0x3FB2] =	sst s0;
	s0 =	simm.s32 @!p1 $0x0  }
0x14: {  	s2 =	sld [smem:$0x3F96];
	s0 =	simm.s32 @p1 $0x1  }
0x15: {  	[smem:$0x3FB3] =	sst s0;
	s0 =	simm.s32 @!p2 $0x0  }
0x16: {  	s3 =	sld [smem:$0x3FDB];
	s0 =	simm.s32 @p2 $0x1  }
0x17: {  	s4 =	simm.s32 $0x1BF5;
	[smem:$0x3FB5] =	sst s0  }
0x18: {  	s0 =	sld [smem:$0x3F98];
	_ =	swait.ge [sflag:s4], $0x0  }
0x19: {  	s7 =	sld [smem:$0x3F99]  }
0x1a: {  	s8 =	sadd.s32 $0xFFFFE003, lr  }
0x1b: {  	s9 =	sadd.s32 $0xFFFFFEF7, lr;
	s5 =	simm.s32 $0xFFFFFFFF;
	p2 =	slt.u32 s8, $0xFFFFF086  }
0x1c: {  	p1 =	slt.u32 s9, $0xF7A;
	s5 =	simm.s32 @!p2 $0x0  }
0x1d: {  	s5 =	simm.s32 @p1 $0x1;
	p0 =	seq.s32 s7, s2  }
0x1e: {  	s7 =	smul.u32 @!p0 $0xF7A, s2;
	p2 =	seq.s32 @!p0 s5, $0x0  }
0x1f: {  	s9 =	smul.u32 $0xF7A, s1;
	s8 =	simm.s32 @!p0 $0x1BF5;
	p2 =	por !p2, p0  }
0x20: {  	[sflag:s8] =	ssyncset.s32 @!p0 $0xFFFFF086;
	s6 =	sadd.s32 @!p0 s3, s7;
	s7 =	simm.s32 @!p0 $0x108  }
0x21: {  	s3 =	sadd.s32 s3, s9;
	s6 =	sadd.s32 @!p0 $0x88, s6;
	s7 =	simm.s32 @p2 $0x1082  }
0x22: {  	[simem:s7], [sflag:s8] =	dma.local @!p0 [hbm:s6], $0xF7A  }
0x23: {  	s9 =	sor.u32 $0xD0000000, s2;
	s6 =	simm.s32 $0x108;
	_ =	swait.ge @!p0 [sflag:s8], $0x0  }
0x24: {  	s3 =	sadd.s32 $0x88, s3;
	s6 =	simm.s32 @!p1 $0x1082;
	[sflag:s4] =	ssyncset.s32 $0xFFFFF086  }
0x25: {  	[simem:s6], [sflag:s4] =	dma.local [hbm:s3], $0xF7A  }
0x26: {  	[smem:$0x3F99] =	sst s1;
	(tag) =	ssettag s2;
	_ =	strace s9  }
0x27: {  	s1 =	sld [smem:$0x3FA9]  }
0x28: {  	s2 =	sld [smem:$0x3FAA]  }
0x29: {  	s4 =	sld [smem:$0x3FAC]  }
0x2a: {  	p0 =	seq.s32 s5, $0x0;
	s5 =	sld [smem:$0x3FAD]  }
0x2b: {  	s6 =	sld [smem:$0x3FAE]  }
0x2c: {  	s7 =	sld [smem:$0x3FAF]  }
0x2d: {  	s3 =	simm.s32 $0x108;
	s8 =	sld [smem:$0x3FB0]  }
0x2e: {  	s3 =	simm.s32 @!p0 $0x1082;
	s9 =	sld [smem:$0x3FB1]  }
0x2f: {  	lr =	sadd.s32 s0, s3;
	s0 =	sld [smem:$0x3FA8]  }
0x30: {  	s3 =	sld [smem:$0x3FAB]  }
0x31: {  	[smem:$0x3FB4] =	sst s10  }
0x32: {  	s10 =	sld [smem:$0x3FB2];
	_ =	sdelay $0x3  }
0x33: {  	p0 =	seq.s32 s10, $0x1;
	s10 =	sld [smem:$0x3FB4];
	_ =	sdelay $0x3  }
0x34: {  	[smem:$0x3FB4] =	sst s10  }
0x35: {  	s10 =	sld [smem:$0x3FB3];
	_ =	sdelay $0x3  }
0x36: {  	p1 =	seq.s32 s10, $0x1;
	s10 =	sld [smem:$0x3FB4];
	_ =	sdelay $0x3  }
0x37: {  	[smem:$0x3FB4] =	sst s10  }
0x38: {  	s10 =	sld [smem:$0x3FB5]  }
0x39: {  	_ = 	snop;
	(pc) =	sbr.ind lr, $3  }
0x3a: {  	_ = 	snop  }
0x3b: {  	_ = 	snop  }
0x3c: {  	p2 =	seq.s32 s10, $0x1;
	s10 =	sld [smem:$0x3FB4]  }
0x3d: {  	_ =	shalt  }
0x3e: {  	_ =	shalt  }
0x3f: {  	_ =	shalt  }
0x40: {  	_ =	shalt  }
0x41: {  	_ =	shalt  }
0x42: {  	_ =	shalt  }
0x43: {  	_ =	shalt  }
0x44: {  	_ =	shalt  }
0x45: {  	_ =	shalt  }
0x46: {  	_ =	shalt  }
0x47: {  	_ =	shalt  }
0x48: {  	_ =	shalt  }
0x49: {  	_ =	shalt  }
0x4a: {  	_ =	shalt  }
0x4b: {  	_ =	shalt  }
0x4c: {  	_ =	shalt  }
0x4d: {  	_ =	shalt  }
0x4e: {  	_ =	shalt  }
0x4f: {  	_ =	shalt  }
0x50: {  	_ =	shalt  }
0x51: {  	_ =	shalt  }
0x52: {  	_ =	shalt  }
0x53: {  	_ =	shalt  }
0x54: {  	_ =	shalt  }
0x55: {  	_ =	shalt  }
0x56: {  	_ =	shalt  }
0x57: {  	_ =	shalt  }
0x58: {  	_ =	shalt  }
0x59: {  	_ =	shalt  }
0x5a: {  	_ =	shalt  }
0x5b: {  	_ =	shalt  }
0x5c: {  	_ =	shalt  }
0x5d: {  	_ =	shalt  }
0x5e: {  	_ =	shalt  }
0x5f: {  	_ =	shalt  }
0x60: {  	_ =	shalt  }
0x61: {  	_ =	shalt  }
0x62: {  	_ =	shalt  }
0x63: {  	_ =	shalt  }
0x64: {  	_ =	shalt  }
0x65: {  	_ =	shalt  }
0x66: {  	_ =	shalt  }
0x67: {  	_ =	shalt  }
0x68: {  	_ =	shalt  }
0x69: {  	_ =	shalt  }
0x6a: {  	_ =	shalt  }
0x6b: {  	_ =	shalt  }
0x6c: {  	_ =	shalt  }
0x6d: {  	_ =	shalt  }
0x6e: {  	_ =	shalt  }
0x6f: {  	_ =	shalt  }
0x70: {  	_ =	shalt  }
0x71: {  	_ =	shalt  }
0x72: {  	_ =	shalt  }
0x73: {  	_ =	shalt  }
0x74: {  	_ =	shalt  }
0x75: {  	_ =	shalt  }
0x76: {  	_ =	shalt  }
0x77: {  	_ =	shalt  }
0x78: {  	_ =	shalt  }
0x79: {  	_ =	shalt  }
0x7a: {  	_ =	shalt  }
0x7b: {  	_ =	shalt  }
0x7c: {  	_ =	shalt  }
0x7d: {  	_ =	shalt  }
0x7e: {  	_ =	shalt  }
0x7f: {  	_ =	shalt  }
0x80: {  	_ =	shalt  }
0x81: {  	_ =	shalt  }
0x82: {  	_ =	shalt  }
0x83: {  	_ =	shalt  }
0x84: {  	_ =	shalt  }
0x85: {  	_ =	shalt  }
0x86: {  	_ =	shalt  }
0x87: {  	_ =	shalt  }
.Lfunc_end0:
.L_simem_size_0:
called_computation_lowered:
.L_overlay_start_0:
0x88: {  	s2 =	sld [smem:$0x3FD9]  }
0x89: {  	s3 =	sld [smem:$0x3FFE];
	_ =	sdelay $0x1  }
0x8a: {  	s1 =	srdreg.scid  }
0x8b: {  	s0 =	sand.u32 $0x1, s1  }
0x8c: {  	s17 =	sshll.u32 s0, $0xA;
	s2 =	sadd.s32 s3, s2  }
0x8d: {  	s2 =	sadd.s32 s2, s17  }
0x8e: {  	[smem:$0x3FC0] =	sst s2  }
0x8f: {  	_ = 	snop  }
0x90: {  	s2 =	sld [smem:$0x3FC6]  }
0x91: {  	s18 =	sld [smem:$0x3FC5];
	(tm) =	ssettm $0x1  }
0x92: {  	s4 =	sld [smem:$0x3FFB];
	_ =	sdelay $0x3  }
0x93: {  	_ =	strace s4  }
0x94: {  	s4 =	sld [smem:$0x3FFC];
	_ =	sdelay $0x3  }
0x95: {  	_ =	strace s4  }
0x96: {  	s4 =	sld [smem:$0x3FFD];
	_ =	sdelay $0x3  }
0x97: {  	_ =	strace s4  }
0x98: {  	_ =	strace $0x8FFFFFFF  }
0x99: {  	s19 =	sld [smem:$0x3FDB];
	_ =	sdelay $0x1  }
0x9a: {  	s5 =	simm.s32 $_scs_section_size  }
0x9b: {  	s6 =	simm.s32 $_size__tile_overlayer_lowered;
	s7 =	simm.s32 $_tile_overlayer_lowered  }
0x9c: {  	s22 =	simm.s32 $0x1BFF;
	s21 =	sshll.u32 s7, $0x1;
	s4 =	sadd.s32 s5, s19  }
0x9d: {  	s8 =	simm.s32 $0x0;
	s20 =	sshll.u32 s6, $0x1;
	s6 =	sadd.s32 s21, s4  }
0x9e: {  	[timem:s8], [sflag:s22] =	dma.local [hbm:s6], s20  }
0x9f: {  	_ =	swait.ge [sflag:s22], s20  }
0xa0: {  	s5 =	ssub.s32 $0x0, s20;
	[sflag:s22] =	ssyncset.done $0x0  }
0xa1: {  	[sflag:s22] =	ssyncadd.s32 s5;
	_ =	sdelay $0x1  }
0xa2: {  	s23 =	simm.s32 $0x1B8B  }
0xa3: {  	_ =	swait.ge [sflag:s23], $0x1  }
0xa4: {  	[sflag:s23] =	ssyncset.done $0x0  }
0xa5: {  	s25 =	simm.s32 $0x1B8E;
	s24 =	sld [smem:$0x3FFE];
	[sflag:s23] =	ssyncadd.s32 $0xFFFFFFFF  }
0xa6: {  	s26 =	simm.s32 $execute0_lowered;
	[smem:$0x3FD2] =	sst s25  }
0xa7: {  	s6 =	sshll.u32 s26, $0x1;
	_ =	strace $0x80000046;
	[dreg:$0x1] =	wrdreg $0xFFFFFFFF  }
0xa8: {  	s28 =	simm.s32 $_size_execute0_lowered;
	s4 =	sadd.s32 s4, s6;
	[dreg:$0x0] =	wrdreg $0x0  }
0xa9: {  	s6 =	sshll.u32 s28, $0x1;
	[dreg:$0x2] =	wrdreg s4  }
0xaa: {  	[dreg:$0x3] =	wrdreg s6  }
0xab: {  	[dreg:$0x4] =	wrdreg $0xC0  }
0xac: {  	_ =	task [dreg:s8], $0x5FFFF  }
0xad: {  	[dreg:$0x1] =	wrdreg $0xFFFFFFFF  }
0xae: {  	[dreg:$0x0] =	wrdreg $0x60  }
0xaf: {  	[dreg:$0x2] =	wrdreg s2  }
0xb0: {  	[dreg:$0x3] =	wrdreg s18  }
0xb1: {  	[dreg:$0x4] =	wrdreg s24  }
0xb2: {  	[dreg:$0x5] =	wrdreg $0x9  }
0xb3: {  	_ =	task.clear_ibuf [dreg:s8], $0x6FFFF;
	_ =	strace $0x90000046  }
0xb4: {  	s29 =	simm.s32 $0x9;
	_ =	strace $0x80000048  }
0xb5: {  	_ =	swait.ge [sflag:s29], $0x1  }
0xb6: {  	[sflag:s29] =	ssyncadd.s32 $0xFFFFFFFF  }
0xb7: {  	_ =	strace $0x90000048  }
0xb8: {  	_ =	sfence  }
0xb9: {  	s30 =	sld [smem:$0x0];
	_ =	sdelay $0x2  }
0xba: {  	s31 =	sshll.u32 s1, $0xD;
	s1 =	sshrl.u32 s1, $0x2  }
0xbb: {  	s3 =	sand.u32 $0x4000, s31;
	s1 =	sadd.s32 s1, s30  }
0xbc: {  	s0 =	sor.u32 s3, s0;
	s1 =	sshll.u32 s1, $0x11  }
0xbd: {  	s0 =	sor.u32 s1, s0  }
0xbe: {  	s0 =	sadd.s32 $0x8F2B, s0  }
0xbf: {  	[sflag:s0] =	ssyncadd.remote.s32 $0x1  }
0xc0: {  	_ =	sfence.sel $0xFFFF  }
0xc1: {  	[dreg:$0x0] =	wrdreg $0xFFFFFFFF;
	(pc) =	sbr.abs _section_cstart, $3  }
0xc2: {  	[dreg:$0x1] =	wrdreg $0xFFFFFFFF  }
0xc3: {  	_ =	task.clear_ibuf [dreg:s8], $0x2FFFF;
	_ =	strace $0x9FFFFFFF  }
0xc4: {  	(tm) =	ssettm $0x7FFFFFFF  }
0xc5: {  	_ =	shalt  }
tec
execute0_lowered:
.L_overlay_start_1:
0x0: {  	(tag) =	ssettag $0x1  }
0x1: {  	s0 =	rddreg [dreg:$0x0];
	s1 =	srdreg.scid  }
0x2: {  	s2 =	stileid.u32;
	s4 =	rddreg [dreg:$0x2];
	s3 =	simm.s32 $0x0  }
0x3: {  	s30 =	simm.s32 $0x18700;
	s1 =	sand.u32 $0x1, s1;
	s2 =	sshll.u32 s2, $0x1  }
0x4: {  	s31 =	simm.s32 $0x3;
	s7 =	simm.s32 $0x0;
	s2 =	sor.u32 s1, s2  }
0x5: {  	[smem:$0x7FF] =	sst s3;
	s1 =	ssub.s32 $0x2, s1;
	s5 =	smul.u32 $0xC380, s2  }
0x6: {  	_ =	strace $0x80000047;
	s2 =	sshll.u32 s2, $0x5;
	s6 =	sshrl.u32 s1, $0x1  }
0x7: {  	s2 =	sadd.s32 s2, s4;
	s9 =	ssub.s32 s1, s6;
	s5 =	smin.u32 s5, $0x17A680  }
0x8: {  	s1 =	simm.s32 $0x19800;
	s6 =	simm.s32 $0x4;
	s5 =	sshrl.u32 s5, $0x2  }
0x9: {  	s4 =	sadd.s32 s0, s5;
	s0 =	simm.s32 $0x1;
	s5 =	simm.s32 $0x2  }
0xa: {  	s22 =	sadd.s32 $0x220, s4;
	s23 =	sadd.s32 $0x440, s4;
	s24 =	sadd.s32 $0x660, s4  }
0xb: {  	s25 =	sadd.s32 $0x880, s4;
	s26 =	sadd.s32 $0xAA0, s4;
	s10 =	sadd.s32 $0xCC0, s4  }
0xc: {  	s11 =	sadd.s32 $0xEE0, s4;
	s12 =	sadd.s32 $0x1100, s4;
	s13 =	sadd.s32 $0x1320, s4  }
0xd: {  	s14 =	sadd.s32 $0x1540, s4;
	s15 =	sadd.s32 $0x1760, s4;
	[dreg:$0x4] =	wrdreg s22  }
0xe: {  	s16 =	sadd.s32 $0x1980, s4;
	s17 =	sadd.s32 $0x1BA0, s4;
	[dreg:$0x5] =	wrdreg s23  }
0xf: {  	s18 =	sadd.s32 $0x1DC0, s4;
	s19 =	sadd.s32 $0x1FE0, s4;
	[dreg:$0x6] =	wrdreg s24  }
0x10: {  	s20 =	sadd.s32 $0x2200, s4;
	s21 =	sadd.s32 $0x2420, s4;
	[dreg:$0x7] =	wrdreg s25  }
0x11: {  	s28 =	sadd.s32 $0x2CA0, s4;
	s29 =	sadd.s32 $0x2EC0, s4;
	[dreg:$0x8] =	wrdreg s26  }
0x12: {  	s22 =	sadd.s32 $0x2640, s4;
	s23 =	sadd.s32 $0x2860, s4;
	s24 =	sadd.s32 $0x1200, s2  }
0x13: {  	v0 =	vimm.f32 $0.0e+00;
	v1 =	vimm.f32 $1.000000000e+00;
	s25 =	smax.u32 s9, $0x1;
	s26 =	sadd.s32 $0x2A80, s4;
	s2 =	simm.s32 $0x1A900  }
.LBB2_1:
0x14: {  	s8 =	rddreg [dreg:$0x1]  }
0x15: {  	[tilespmem:s3], [sflag:$0x3] =	stream.linear.gather [hbm4b:s8+s3], $0x18700, $0x38;
	[tilespmem:$0x1AA00] =	vst v63  }
0x16: {  	_ = 	snop  }
0x17: {  	[tilespmem:s30], [sflag:$0x1] =	stream.linear.gather [hbm4b:s4+s3], $0x1100, $0x38;
	[tilespmem:$0x1AA00] =	vst v63  }
0x18: {  	[tilespmem:$0x1A900] =	vst v0  }
0x19: {  	[tilespmem:$0x1A910] =	vst v0  }
0x1a: {  	[tilespmem:$0x1A920] =	vst v0  }
0x1b: {  	[tilespmem:$0x1A930] =	vst v0  }
0x1c: {  	[tilespmem:$0x1A940] =	vst v0  }
0x1d: {  	[tilespmem:$0x1A950] =	vst v0  }
0x1e: {  	[tilespmem:$0x1A960] =	vst v0  }
0x1f: {  	[tilespmem:$0x1A970] =	vst v0  }
0x20: {  	[tilespmem:$0x1A980] =	vst v0  }
0x21: {  	[tilespmem:$0x1A990] =	vst v0  }
0x22: {  	[tilespmem:$0x1A9A0] =	vst v0  }
0x23: {  	[tilespmem:$0x1A9B0] =	vst v0  }
0x24: {  	[tilespmem:$0x1A9C0] =	vst v0  }
0x25: {  	[tilespmem:$0x1A9D0] =	vst v0  }
0x26: {  	[tilespmem:$0x1A9E0] =	vst v0  }
0x27: {  	[tilespmem:$0x1A9F0] =	vst v0  }
0x28: {  	_ =	swait.ge [sflag:s31], $0x18700  }
0x29: {  	[sflag:s31] =	ssyncset.done $0x0  }
0x2a: {  	s9 =	rddreg [dreg:$0x4];
	[sflag:s31] =	ssyncadd.s32 $0xFFFE7900  }
0x2b: {  	[tilespmem:s1], [sflag:$0x2] =	stream.linear.gather [hbm4b:s9+s3], $0x1100, $0x38;
	[tilespmem:$0x1AA00] =	vst v63  }
0x2c: {  	_ =	swait.ge [sflag:s0], $0x1100  }
0x2d: {  	[sflag:s0] =	ssyncset.done $0x0  }
0x2e: {  	s9 =	simm.s32 $0x187F0;
	[sflag:s0] =	ssyncadd.s32 $0xFFFFEF00  }
0x2f: {  	v2 =	vld [tilespmem:s9+$0x0]  }
0x30: {  	v3 =	vld [tilespmem:s9+$0xFFFFFFA0]  }
0x31: {  	v4 =	vld [tilespmem:s9+$0xFFFFFFB0]  }
0x32: {  	v5 =	vld [tilespmem:s9+$0xFFFFFFC0]  }
0x33: {  	v10 =	vld [tilespmem:s9+$0xFFFFFFD0]  }
0x34: {  	v11 =	vld [tilespmem:s9+$0xFFFFFFE0]  }
0x35: {  	v12 =	vld [tilespmem:s9+$0xFFFFFFF0]  }
0x36: {  	v13 =	vld [tilespmem:s9+$0xFFFFFF90]  }
0x37: {  	v9 =	vld.idx.msk [tilespmem:v2+s3+$0x0], $0xffff  }
0x38: {  	v8 =	vld.idx.msk [tilespmem:v3+s3+$0x0], $0xffff  }
0x39: {  	v7 =	vld.idx.msk [tilespmem:v4+s3+$0x0], $0xffff  }
0x3a: {  	v6 =	vld.idx.msk [tilespmem:v5+s3+$0x0], $0xffff  }
0x3b: {  	v5 =	vld.idx.msk [tilespmem:v10+s3+$0x0], $0xffff  }
0x3c: {  	v4 =	vld.idx.msk [tilespmem:v11+s3+$0x0], $0xffff  }
0x3d: {  	v2 =	vld.idx.msk [tilespmem:v12+s3+$0x0], $0xffff  }
0x3e: {  	s8 =	simm.s32 $0x0;
	s9 =	simm.s32 $0x188F0;
	v3 =	vld.idx.msk [tilespmem:v13+s3+$0x0], $0xffff  }
.LBB2_2:
0x3f: {  	v10 =	vld [tilespmem:s9+$0x0];
	s8 =	sadd.s32 $0x8, s8;
	[tilespmem:v9+s2+$0x0] =	vst.idx.msk $0xffff, v1  }
0x40: {  	v11 =	vld [tilespmem:s9+$0xFFFFFFA0];
	p0 =	slt.u32 s8, $0x80;
	[tilespmem:v8+s2+$0x0] =	vst.idx.msk $0xffff, v1  }
0x41: {  	v12 =	vld [tilespmem:s9+$0xFFFFFFB0];
	[tilespmem:v7+s2+$0x0] =	vst.idx.msk $0xffff, v1  }
0x42: {  	v13 =	vld [tilespmem:s9+$0xFFFFFFC0];
	[tilespmem:v6+s2+$0x0] =	vst.idx.msk $0xffff, v1  }
0x43: {  	v14 =	vld [tilespmem:s9+$0xFFFFFFD0];
	[tilespmem:v5+s2+$0x0] =	vst.idx.msk $0xffff, v1  }
0x44: {  	v15 =	vld [tilespmem:s9+$0xFFFFFFE0];
	[tilespmem:v4+s2+$0x0] =	vst.idx.msk $0xffff, v1  }
0x45: {  	v16 =	vld [tilespmem:s9+$0xFFFFFFF0];
	[tilespmem:v2+s2+$0x0] =	vst.idx.msk $0xffff, v1  }
0x46: {  	v17 =	vld [tilespmem:s9+$0xFFFFFF90];
	[tilespmem:v3+s2+$0x0] =	vst.idx.msk $0xffff, v1  }
0x47: {  	v9 =	vld.idx.msk [tilespmem:v10+s3+$0x0], $0xffff  }
0x48: {  	v8 =	vld.idx.msk [tilespmem:v11+s3+$0x0], $0xffff  }
0x49: {  	v7 =	vld.idx.msk [tilespmem:v12+s3+$0x0], $0xffff  }
.Ltmp0:
0x4a: {  	v6 =	vld.idx.msk [tilespmem:v13+s3+$0x0], $0xffff;
	(pc) =	sbr.rel @p0 .LBB2_2-.Ltmp0, $4  }
0x4b: {  	v5 =	vld.idx.msk [tilespmem:v14+s3+$0x0], $0xffff  }
0x4c: {  	v4 =	vld.idx.msk [tilespmem:v15+s3+$0x0], $0xffff  }
0x4d: {  	v2 =	vld.idx.msk [tilespmem:v16+s3+$0x0], $0xffff  }
0x4e: {  	s9 =	sadd.s32 $0x100, s9;
	v3 =	vld.idx.msk [tilespmem:v17+s3+$0x0], $0xffff  }
0x4f: {  	_ =	sdelay $0x3  }
0x50: {  	[tilespmem:v9+s2+$0x0] =	vst.idx.msk $0xffff, v1  }
0x51: {  	[tilespmem:v8+s2+$0x0] =	vst.idx.msk $0xffff, v1  }
0x52: {  	[tilespmem:v7+s2+$0x0] =	vst.idx.msk $0xffff, v1  }
0x53: {  	[tilespmem:v6+s2+$0x0] =	vst.idx.msk $0xffff, v1  }
0x54: {  	[tilespmem:v5+s2+$0x0] =	vst.idx.msk $0xffff, v1  }
0x55: {  	[tilespmem:v4+s2+$0x0] =	vst.idx.msk $0xffff, v1  }
0x56: {  	[tilespmem:v2+s2+$0x0] =	vst.idx.msk $0xffff, v1  }
0x57: {  	[tilespmem:v3+s2+$0x0] =	vst.idx.msk $0xffff, v1  }
0x58: {  	s8 =	rddreg [dreg:$0x5]  }
0x59: {  	[tilespmem:s30], [sflag:$0x1] =	stream.linear.gather [hbm4b:s8+s3], $0x1100, $0x38;
	[tilespmem:$0x1AA00] =	vst v63  }
0x5a: {  	_ =	swait.ge [sflag:s5], $0x1100  }
0x5b: {  	[sflag:s5] =	ssyncset.done $0x0  }
0x5c: {  	s9 =	simm.s32 $0x198F0;
	[sflag:s5] =	ssyncadd.s32 $0xFFFFEF00  }
0x5d: {  	v2 =	vld [tilespmem:s9+$0x0]  }
0x5e: {  	v3 =	vld [tilespmem:s9+$0xFFFFFFA0]  }
0x5f: {  	v4 =	vld [tilespmem:s9+$0xFFFFFFB0]  }
0x60: {  	v5 =	vld [tilespmem:s9+$0xFFFFFFC0]  }
0x61: {  	v10 =	vld [tilespmem:s9+$0xFFFFFFD0]  }
0x62: {  	v11 =	vld [tilespmem:s9+$0xFFFFFFE0]  }
0x63: {  	v12 =	vld [tilespmem:s9+$0xFFFFFFF0]  }
0x64: {  	v13 =	vld [tilespmem:s9+$0xFFFFFF90]  }
0x65: {  	v9 =	vld.idx.msk [tilespmem:v2+s3+$0x0], $0xffff  }
0x66: {  	v8 =	vld.idx.msk [tilespmem:v3+s3+$0x0], $0xffff  }
0x67: {  	v7 =	vld.idx.msk [tilespmem:v4+s3+$0x0], $0xffff  }
0x68: {  	v6 =	vld.idx.msk [tilespmem:v5+s3+$0x0], $0xffff  }
0x69: {  	v5 =	vld.idx.msk [tilespmem:v10+s3+$0x0], $0xffff  }
0x6a: {  	v4 =	vld.idx.msk [tilespmem:v11+s3+$0x0], $0xffff  }
0x6b: {  	v2 =	vld.idx.msk [tilespmem:v12+s3+$0x0], $0xffff  }
0x6c: {  	s8 =	simm.s32 $0x0;
	s9 =	simm.s32 $0x199F0;
	v3 =	vld.idx.msk [tilespmem:v13+s3+$0x0], $0xffff  }
.LBB2_4:
0x6d: {  	v10 =	vld [tilespmem:s9+$0x0];
	s8 =	sadd.s32 $0x8, s8;
	[tilespmem:v9+s2+$0x0] =	vst.idx.msk $0xffff, v1  }
0x6e: {  	v11 =	vld [tilespmem:s9+$0xFFFFFFA0];
	p0 =	slt.u32 s8, $0x80;
	[tilespmem:v8+s2+$0x0] =	vst.idx.msk $0xffff, v1  }
0x6f: {  	v12 =	vld [tilespmem:s9+$0xFFFFFFB0];
	[tilespmem:v7+s2+$0x0] =	vst.idx.msk $0xffff, v1  }
0x70: {  	v13 =	vld [tilespmem:s9+$0xFFFFFFC0];
	[tilespmem:v6+s2+$0x0] =	vst.idx.msk $0xffff, v1  }
0x71: {  	v14 =	vld [tilespmem:s9+$0xFFFFFFD0];
	[tilespmem:v5+s2+$0x0] =	vst.idx.msk $0xffff, v1  }
0x72: {  	v15 =	vld [tilespmem:s9+$0xFFFFFFE0];
	[tilespmem:v4+s2+$0x0] =	vst.idx.msk $0xffff, v1  }
0x73: {  	v16 =	vld [tilespmem:s9+$0xFFFFFFF0];
	[tilespmem:v2+s2+$0x0] =	vst.idx.msk $0xffff, v1  }
0x74: {  	v17 =	vld [tilespmem:s9+$0xFFFFFF90];
	[tilespmem:v3+s2+$0x0] =	vst.idx.msk $0xffff, v1  }
0x75: {  	v9 =	vld.idx.msk [tilespmem:v10+s3+$0x0], $0xffff  }
0x76: {  	v8 =	vld.idx.msk [tilespmem:v11+s3+$0x0], $0xffff  }
0x77: {  	v7 =	vld.idx.msk [tilespmem:v12+s3+$0x0], $0xffff  }
.Ltmp1:
0x78: {  	v6 =	vld.idx.msk [tilespmem:v13+s3+$0x0], $0xffff;
	(pc) =	sbr.rel @p0 .LBB2_4-.Ltmp1, $4  }
0x79: {  	v5 =	vld.idx.msk [tilespmem:v14+s3+$0x0], $0xffff  }
0x7a: {  	v4 =	vld.idx.msk [tilespmem:v15+s3+$0x0], $0xffff  }
0x7b: {  	v2 =	vld.idx.msk [tilespmem:v16+s3+$0x0], $0xffff  }
0x7c: {  	s9 =	sadd.s32 $0x100, s9;
	v3 =	vld.idx.msk [tilespmem:v17+s3+$0x0], $0xffff  }
0x7d: {  	_ =	sdelay $0x3  }
0x7e: {  	[tilespmem:v9+s2+$0x0] =	vst.idx.msk $0xffff, v1  }
0x7f: {  	[tilespmem:v8+s2+$0x0] =	vst.idx.msk $0xffff, v1  }
0x80: {  	[tilespmem:v7+s2+$0x0] =	vst.idx.msk $0xffff, v1  }
0x81: {  	[tilespmem:v6+s2+$0x0] =	vst.idx.msk $0xffff, v1  }
0x82: {  	[tilespmem:v5+s2+$0x0] =	vst.idx.msk $0xffff, v1  }
0x83: {  	[tilespmem:v4+s2+$0x0] =	vst.idx.msk $0xffff, v1  }
0x84: {  	[tilespmem:v2+s2+$0x0] =	vst.idx.msk $0xffff, v1  }
0x85: {  	[tilespmem:v3+s2+$0x0] =	vst.idx.msk $0xffff, v1  }
0x86: {  	s8 =	rddreg [dreg:$0x6]  }
0x87: {  	[tilespmem:s1], [sflag:$0x2] =	stream.linear.gather [hbm4b:s8+s3], $0x1100, $0x38;
	[tilespmem:$0x1AA00] =	vst v63  }
0x88: {  	_ =	swait.ge [sflag:s0], $0x1100  }
0x89: {  	[sflag:s0] =	ssyncset.done $0x0  }
0x8a: {  	s9 =	simm.s32 $0x187F0;
	[sflag:s0] =	ssyncadd.s32 $0xFFFFEF00  }
0x8b: {  	v2 =	vld [tilespmem:s9+$0x0]  }
0x8c: {  	v3 =	vld [tilespmem:s9+$0xFFFFFFA0]  }
0x8d: {  	v4 =	vld [tilespmem:s9+$0xFFFFFFB0]  }
0x8e: {  	v5 =	vld [tilespmem:s9+$0xFFFFFFC0]  }
0x8f: {  	v10 =	vld [tilespmem:s9+$0xFFFFFFD0]  }
0x90: {  	v11 =	vld [tilespmem:s9+$0xFFFFFFE0]  }
0x91: {  	v12 =	vld [tilespmem:s9+$0xFFFFFFF0]  }
0x92: {  	v13 =	vld [tilespmem:s9+$0xFFFFFF90]  }
0x93: {  	v9 =	vld.idx.msk [tilespmem:v2+s3+$0x0], $0xffff  }
0x94: {  	v8 =	vld.idx.msk [tilespmem:v3+s3+$0x0], $0xffff  }
0x95: {  	v7 =	vld.idx.msk [tilespmem:v4+s3+$0x0], $0xffff  }
0x96: {  	v6 =	vld.idx.msk [tilespmem:v5+s3+$0x0], $0xffff  }
0x97: {  	v5 =	vld.idx.msk [tilespmem:v10+s3+$0x0], $0xffff  }
0x98: {  	v4 =	vld.idx.msk [tilespmem:v11+s3+$0x0], $0xffff  }
0x99: {  	v2 =	vld.idx.msk [tilespmem:v12+s3+$0x0], $0xffff  }
0x9a: {  	s8 =	simm.s32 $0x0;
	s9 =	simm.s32 $0x188F0;
	v3 =	vld.idx.msk [tilespmem:v13+s3+$0x0], $0xffff  }
.LBB2_6:
0x9b: {  	v10 =	vld [tilespmem:s9+$0x0];
	s8 =	sadd.s32 $0x8, s8;
	[tilespmem:v9+s2+$0x0] =	vst.idx.msk $0xffff, v1  }
0x9c: {  	v11 =	vld [tilespmem:s9+$0xFFFFFFA0];
	p0 =	slt.u32 s8, $0x80;
	[tilespmem:v8+s2+$0x0] =	vst.idx.msk $0xffff, v1  }
0x9d: {  	v12 =	vld [tilespmem:s9+$0xFFFFFFB0];
	[tilespmem:v7+s2+$0x0] =	vst.idx.msk $0xffff, v1  }
0x9e: {  	v13 =	vld [tilespmem:s9+$0xFFFFFFC0];
	[tilespmem:v6+s2+$0x0] =	vst.idx.msk $0xffff, v1  }
0x9f: {  	v14 =	vld [tilespmem:s9+$0xFFFFFFD0];
	[tilespmem:v5+s2+$0x0] =	vst.idx.msk $0xffff, v1  }
0xa0: {  	v15 =	vld [tilespmem:s9+$0xFFFFFFE0];
	[tilespmem:v4+s2+$0x0] =	vst.idx.msk $0xffff, v1  }
0xa1: {  	v16 =	vld [tilespmem:s9+$0xFFFFFFF0];
	[tilespmem:v2+s2+$0x0] =	vst.idx.msk $0xffff, v1  }
0xa2: {  	v17 =	vld [tilespmem:s9+$0xFFFFFF90];
	[tilespmem:v3+s2+$0x0] =	vst.idx.msk $0xffff, v1  }
0xa3: {  	v9 =	vld.idx.msk [tilespmem:v10+s3+$0x0], $0xffff  }
0xa4: {  	v8 =	vld.idx.msk [tilespmem:v11+s3+$0x0], $0xffff  }
0xa5: {  	v7 =	vld.idx.msk [tilespmem:v12+s3+$0x0], $0xffff  }
.Ltmp2:
0xa6: {  	v6 =	vld.idx.msk [tilespmem:v13+s3+$0x0], $0xffff;
	(pc) =	sbr.rel @p0 .LBB2_6-.Ltmp2, $4  }
0xa7: {  	v5 =	vld.idx.msk [tilespmem:v14+s3+$0x0], $0xffff  }
0xa8: {  	v4 =	vld.idx.msk [tilespmem:v15+s3+$0x0], $0xffff  }
0xa9: {  	v2 =	vld.idx.msk [tilespmem:v16+s3+$0x0], $0xffff  }
0xaa: {  	s9 =	sadd.s32 $0x100, s9;
	v3 =	vld.idx.msk [tilespmem:v17+s3+$0x0], $0xffff  }
0xab: {  	_ =	sdelay $0x3  }
0xac: {  	[tilespmem:v9+s2+$0x0] =	vst.idx.msk $0xffff, v1  }
0xad: {  	[tilespmem:v8+s2+$0x0] =	vst.idx.msk $0xffff, v1  }
0xae: {  	[tilespmem:v7+s2+$0x0] =	vst.idx.msk $0xffff, v1  }
0xaf: {  	[tilespmem:v6+s2+$0x0] =	vst.idx.msk $0xffff, v1  }
0xb0: {  	[tilespmem:v5+s2+$0x0] =	vst.idx.msk $0xffff, v1  }
0xb1: {  	[tilespmem:v4+s2+$0x0] =	vst.idx.msk $0xffff, v1  }
0xb2: {  	[tilespmem:v2+s2+$0x0] =	vst.idx.msk $0xffff, v1  }
0xb3: {  	[tilespmem:v3+s2+$0x0] =	vst.idx.msk $0xffff, v1  }
0xb4: {  	s8 =	rddreg [dreg:$0x7]  }
0xb5: {  	[tilespmem:s30], [sflag:$0x1] =	stream.linear.gather [hbm4b:s8+s3], $0x1100, $0x38;
	[tilespmem:$0x1AA00] =	vst v63  }
0xb6: {  	_ =	swait.ge [sflag:s5], $0x1100  }
0xb7: {  	[sflag:s5] =	ssyncset.done $0x0  }
0xb8: {  	s9 =	simm.s32 $0x198F0;
	[sflag:s5] =	ssyncadd.s32 $0xFFFFEF00  }
0xb9: {  	v2 =	vld [tilespmem:s9+$0x0]  }
0xba: {  	v3 =	vld [tilespmem:s9+$0xFFFFFFA0]  }
0xbb: {  	v4 =	vld [tilespmem:s9+$0xFFFFFFB0]  }
0xbc: {  	v5 =	vld [tilespmem:s9+$0xFFFFFFC0]  }
0xbd: {  	v10 =	vld [tilespmem:s9+$0xFFFFFFD0]  }
0xbe: {  	v11 =	vld [tilespmem:s9+$0xFFFFFFE0]  }
0xbf: {  	v12 =	vld [tilespmem:s9+$0xFFFFFFF0]  }
0xc0: {  	v13 =	vld [tilespmem:s9+$0xFFFFFF90]  }
0xc1: {  	v9 =	vld.idx.msk [tilespmem:v2+s3+$0x0], $0xffff  }
0xc2: {  	v8 =	vld.idx.msk [tilespmem:v3+s3+$0x0], $0xffff  }
0xc3: {  	v7 =	vld.idx.msk [tilespmem:v4+s3+$0x0], $0xffff  }
0xc4: {  	v6 =	vld.idx.msk [tilespmem:v5+s3+$0x0], $0xffff  }
0xc5: {  	v5 =	vld.idx.msk [tilespmem:v10+s3+$0x0], $0xffff  }
0xc6: {  	v4 =	vld.idx.msk [tilespmem:v11+s3+$0x0], $0xffff  }
0xc7: {  	v2 =	vld.idx.msk [tilespmem:v12+s3+$0x0], $0xffff  }
0xc8: {  	s8 =	simm.s32 $0x0;
	s9 =	simm.s32 $0x199F0;
	v3 =	vld.idx.msk [tilespmem:v13+s3+$0x0], $0xffff  }
.LBB2_8:
0xc9: {  	v10 =	vld [tilespmem:s9+$0x0];
	s8 =	sadd.s32 $0x8, s8;
	[tilespmem:v9+s2+$0x0] =	vst.idx.msk $0xffff, v1  }
0xca: {  	v11 =	vld [tilespmem:s9+$0xFFFFFFA0];
	p0 =	slt.u32 s8, $0x80;
	[tilespmem:v8+s2+$0x0] =	vst.idx.msk $0xffff, v1  }
0xcb: {  	v12 =	vld [tilespmem:s9+$0xFFFFFFB0];
	[tilespmem:v7+s2+$0x0] =	vst.idx.msk $0xffff, v1  }
0xcc: {  	v13 =	vld [tilespmem:s9+$0xFFFFFFC0];
	[tilespmem:v6+s2+$0x0] =	vst.idx.msk $0xffff, v1  }
0xcd: {  	v14 =	vld [tilespmem:s9+$0xFFFFFFD0];
	[tilespmem:v5+s2+$0x0] =	vst.idx.msk $0xffff, v1  }
0xce: {  	v15 =	vld [tilespmem:s9+$0xFFFFFFE0];
	[tilespmem:v4+s2+$0x0] =	vst.idx.msk $0xffff, v1  }
0xcf: {  	v16 =	vld [tilespmem:s9+$0xFFFFFFF0];
	[tilespmem:v2+s2+$0x0] =	vst.idx.msk $0xffff, v1  }
0xd0: {  	v17 =	vld [tilespmem:s9+$0xFFFFFF90];
	[tilespmem:v3+s2+$0x0] =	vst.idx.msk $0xffff, v1  }
0xd1: {  	v9 =	vld.idx.msk [tilespmem:v10+s3+$0x0], $0xffff  }
0xd2: {  	v8 =	vld.idx.msk [tilespmem:v11+s3+$0x0], $0xffff  }
0xd3: {  	v7 =	vld.idx.msk [tilespmem:v12+s3+$0x0], $0xffff  }
.Ltmp3:
0xd4: {  	v6 =	vld.idx.msk [tilespmem:v13+s3+$0x0], $0xffff;
	(pc) =	sbr.rel @p0 .LBB2_8-.Ltmp3, $4  }
0xd5: {  	v5 =	vld.idx.msk [tilespmem:v14+s3+$0x0], $0xffff  }
0xd6: {  	v4 =	vld.idx.msk [tilespmem:v15+s3+$0x0], $0xffff  }
0xd7: {  	v2 =	vld.idx.msk [tilespmem:v16+s3+$0x0], $0xffff  }
0xd8: {  	s9 =	sadd.s32 $0x100, s9;
	v3 =	vld.idx.msk [tilespmem:v17+s3+$0x0], $0xffff  }
0xd9: {  	_ =	sdelay $0x3  }
0xda: {  	[tilespmem:v9+s2+$0x0] =	vst.idx.msk $0xffff, v1  }
0xdb: {  	[tilespmem:v8+s2+$0x0] =	vst.idx.msk $0xffff, v1  }
0xdc: {  	[tilespmem:v7+s2+$0x0] =	vst.idx.msk $0xffff, v1  }
0xdd: {  	[tilespmem:v6+s2+$0x0] =	vst.idx.msk $0xffff, v1  }
0xde: {  	[tilespmem:v5+s2+$0x0] =	vst.idx.msk $0xffff, v1  }
0xdf: {  	[tilespmem:v4+s2+$0x0] =	vst.idx.msk $0xffff, v1  }
0xe0: {  	[tilespmem:v2+s2+$0x0] =	vst.idx.msk $0xffff, v1  }
0xe1: {  	[tilespmem:v3+s2+$0x0] =	vst.idx.msk $0xffff, v1  }
0xe2: {  	s8 =	rddreg [dreg:$0x8]  }
0xe3: {  	[tilespmem:s1], [sflag:$0x2] =	stream.linear.gather [hbm4b:s8+s3], $0x1100, $0x38;
	[tilespmem:$0x1AA00] =	vst v63  }
0xe4: {  	_ =	swait.ge [sflag:s0], $0x1100  }
0xe5: {  	[sflag:s0] =	ssyncset.done $0x0  }
0xe6: {  	s9 =	simm.s32 $0x187F0;
	[sflag:s0] =	ssyncadd.s32 $0xFFFFEF00  }
0xe7: {  	v2 =	vld [tilespmem:s9+$0x0]  }
0xe8: {  	v3 =	vld [tilespmem:s9+$0xFFFFFFA0]  }
0xe9: {  	v4 =	vld [tilespmem:s9+$0xFFFFFFB0]  }
0xea: {  	v5 =	vld [tilespmem:s9+$0xFFFFFFC0]  }
0xeb: {  	v10 =	vld [tilespmem:s9+$0xFFFFFFD0]  }
0xec: {  	v11 =	vld [tilespmem:s9+$0xFFFFFFE0]  }
0xed: {  	v12 =	vld [tilespmem:s9+$0xFFFFFFF0]  }
0xee: {  	v13 =	vld [tilespmem:s9+$0xFFFFFF90]  }
0xef: {  	v9 =	vld.idx.msk [tilespmem:v2+s3+$0x0], $0xffff  }
0xf0: {  	v8 =	vld.idx.msk [tilespmem:v3+s3+$0x0], $0xffff  }
0xf1: {  	v7 =	vld.idx.msk [tilespmem:v4+s3+$0x0], $0xffff  }
0xf2: {  	v6 =	vld.idx.msk [tilespmem:v5+s3+$0x0], $0xffff  }
0xf3: {  	v5 =	vld.idx.msk [tilespmem:v10+s3+$0x0], $0xffff  }
0xf4: {  	v4 =	vld.idx.msk [tilespmem:v11+s3+$0x0], $0xffff  }
0xf5: {  	v2 =	vld.idx.msk [tilespmem:v12+s3+$0x0], $0xffff  }
0xf6: {  	s8 =	simm.s32 $0x0;
	s9 =	simm.s32 $0x188F0;
	v3 =	vld.idx.msk [tilespmem:v13+s3+$0x0], $0xffff  }
.LBB2_10:
0xf7: {  	v10 =	vld [tilespmem:s9+$0x0];
	s8 =	sadd.s32 $0x8, s8;
	[tilespmem:v9+s2+$0x0] =	vst.idx.msk $0xffff, v1  }
0xf8: {  	v11 =	vld [tilespmem:s9+$0xFFFFFFA0];
	p0 =	slt.u32 s8, $0x80;
	[tilespmem:v8+s2+$0x0] =	vst.idx.msk $0xffff, v1  }
0xf9: {  	v12 =	vld [tilespmem:s9+$0xFFFFFFB0];
	[tilespmem:v7+s2+$0x0] =	vst.idx.msk $0xffff, v1  }
0xfa: {  	v13 =	vld [tilespmem:s9+$0xFFFFFFC0];
	[tilespmem:v6+s2+$0x0] =	vst.idx.msk $0xffff, v1  }
0xfb: {  	v14 =	vld [tilespmem:s9+$0xFFFFFFD0];
	[tilespmem:v5+s2+$0x0] =	vst.idx.msk $0xffff, v1  }
0xfc: {  	v15 =	vld [tilespmem:s9+$0xFFFFFFE0];
	[tilespmem:v4+s2+$0x0] =	vst.idx.msk $0xffff, v1  }
0xfd: {  	v16 =	vld [tilespmem:s9+$0xFFFFFFF0];
	[tilespmem:v2+s2+$0x0] =	vst.idx.msk $0xffff, v1  }
0xfe: {  	v17 =	vld [tilespmem:s9+$0xFFFFFF90];
	[tilespmem:v3+s2+$0x0] =	vst.idx.msk $0xffff, v1  }
0xff: {  	v9 =	vld.idx.msk [tilespmem:v10+s3+$0x0], $0xffff  }
0x100: {  	v8 =	vld.idx.msk [tilespmem:v11+s3+$0x0], $0xffff  }
0x101: {  	v7 =	vld.idx.msk [tilespmem:v12+s3+$0x0], $0xffff  }
.Ltmp4:
0x102: {  	v6 =	vld.idx.msk [tilespmem:v13+s3+$0x0], $0xffff;
	(pc) =	sbr.rel @p0 .LBB2_10-.Ltmp4, $4  }
0x103: {  	v5 =	vld.idx.msk [tilespmem:v14+s3+$0x0], $0xffff  }
0x104: {  	v4 =	vld.idx.msk [tilespmem:v15+s3+$0x0], $0xffff  }
0x105: {  	v2 =	vld.idx.msk [tilespmem:v16+s3+$0x0], $0xffff  }
0x106: {  	s9 =	sadd.s32 $0x100, s9;
	v3 =	vld.idx.msk [tilespmem:v17+s3+$0x0], $0xffff  }
0x107: {  	_ =	sdelay $0x3  }
0x108: {  	[tilespmem:v9+s2+$0x0] =	vst.idx.msk $0xffff, v1  }
0x109: {  	[tilespmem:v8+s2+$0x0] =	vst.idx.msk $0xffff, v1  }
0x10a: {  	[tilespmem:v7+s2+$0x0] =	vst.idx.msk $0xffff, v1  }
0x10b: {  	[tilespmem:v6+s2+$0x0] =	vst.idx.msk $0xffff, v1  }
0x10c: {  	[tilespmem:v5+s2+$0x0] =	vst.idx.msk $0xffff, v1  }
0x10d: {  	[tilespmem:v4+s2+$0x0] =	vst.idx.msk $0xffff, v1  }
0x10e: {  	[tilespmem:v2+s2+$0x0] =	vst.idx.msk $0xffff, v1  }
0x10f: {  	[tilespmem:v3+s2+$0x0] =	vst.idx.msk $0xffff, v1  }
0x110: {  	[tilespmem:s30], [sflag:$0x1] =	stream.linear.gather [hbm4b:s10+s3], $0x1100, $0x38;
	[tilespmem:$0x1AA00] =	vst v63  }
0x111: {  	_ =	swait.ge [sflag:s5], $0x1100  }
0x112: {  	[sflag:s5] =	ssyncset.done $0x0  }
0x113: {  	s8 =	simm.s32 $0x198F0;
	[sflag:s5] =	ssyncadd.s32 $0xFFFFEF00  }
0x114: {  	v2 =	vld [tilespmem:s8+$0x0]  }
0x115: {  	v3 =	vld [tilespmem:s8+$0xFFFFFFA0]  }
0x116: {  	v4 =	vld [tilespmem:s8+$0xFFFFFFB0]  }
0x117: {  	v5 =	vld [tilespmem:s8+$0xFFFFFFC0]  }
0x118: {  	v10 =	vld [tilespmem:s8+$0xFFFFFFD0]  }
0x119: {  	v11 =	vld [tilespmem:s8+$0xFFFFFFE0]  }
0x11a: {  	v12 =	vld [tilespmem:s8+$0xFFFFFFF0]  }
0x11b: {  	v13 =	vld [tilespmem:s8+$0xFFFFFF90]  }
0x11c: {  	v9 =	vld.idx.msk [tilespmem:v2+s3+$0x0], $0xffff  }
0x11d: {  	v8 =	vld.idx.msk [tilespmem:v3+s3+$0x0], $0xffff  }
0x11e: {  	v7 =	vld.idx.msk [tilespmem:v4+s3+$0x0], $0xffff  }
0x11f: {  	v6 =	vld.idx.msk [tilespmem:v5+s3+$0x0], $0xffff  }
0x120: {  	v5 =	vld.idx.msk [tilespmem:v10+s3+$0x0], $0xffff  }
0x121: {  	v4 =	vld.idx.msk [tilespmem:v11+s3+$0x0], $0xffff  }
0x122: {  	v2 =	vld.idx.msk [tilespmem:v12+s3+$0x0], $0xffff  }
0x123: {  	s9 =	simm.s32 $0x199F0;
	s8 =	simm.s32 $0x0;
	v3 =	vld.idx.msk [tilespmem:v13+s3+$0x0], $0xffff  }
.LBB2_12:
0x124: {  	v10 =	vld [tilespmem:s9+$0x0];
	s8 =	sadd.s32 $0x8, s8;
	[tilespmem:v9+s2+$0x0] =	vst.idx.msk $0xffff, v1  }
0x125: {  	v11 =	vld [tilespmem:s9+$0xFFFFFFA0];
	p0 =	slt.u32 s8, $0x80;
	[tilespmem:v8+s2+$0x0] =	vst.idx.msk $0xffff, v1  }
0x126: {  	v12 =	vld [tilespmem:s9+$0xFFFFFFB0];
	[tilespmem:v7+s2+$0x0] =	vst.idx.msk $0xffff, v1  }
0x127: {  	v13 =	vld [tilespmem:s9+$0xFFFFFFC0];
	[tilespmem:v6+s2+$0x0] =	vst.idx.msk $0xffff, v1  }
0x128: {  	v14 =	vld [tilespmem:s9+$0xFFFFFFD0];
	[tilespmem:v5+s2+$0x0] =	vst.idx.msk $0xffff, v1  }
0x129: {  	v15 =	vld [tilespmem:s9+$0xFFFFFFE0];
	[tilespmem:v4+s2+$0x0] =	vst.idx.msk $0xffff, v1  }
0x12a: {  	v16 =	vld [tilespmem:s9+$0xFFFFFFF0];
	[tilespmem:v2+s2+$0x0] =	vst.idx.msk $0xffff, v1  }
0x12b: {  	v17 =	vld [tilespmem:s9+$0xFFFFFF90];
	[tilespmem:v3+s2+$0x0] =	vst.idx.msk $0xffff, v1  }
0x12c: {  	v9 =	vld.idx.msk [tilespmem:v10+s3+$0x0], $0xffff  }
0x12d: {  	v8 =	vld.idx.msk [tilespmem:v11+s3+$0x0], $0xffff  }
0x12e: {  	v7 =	vld.idx.msk [tilespmem:v12+s3+$0x0], $0xffff  }
.Ltmp5:
0x12f: {  	v6 =	vld.idx.msk [tilespmem:v13+s3+$0x0], $0xffff;
	(pc) =	sbr.rel @p0 .LBB2_12-.Ltmp5, $4  }
0x130: {  	v5 =	vld.idx.msk [tilespmem:v14+s3+$0x0], $0xffff  }
0x131: {  	v4 =	vld.idx.msk [tilespmem:v15+s3+$0x0], $0xffff  }
0x132: {  	v2 =	vld.idx.msk [tilespmem:v16+s3+$0x0], $0xffff  }
0x133: {  	s9 =	sadd.s32 $0x100, s9;
	v3 =	vld.idx.msk [tilespmem:v17+s3+$0x0], $0xffff  }
0x134: {  	_ =	sdelay $0x3  }
0x135: {  	[tilespmem:v9+s2+$0x0] =	vst.idx.msk $0xffff, v1  }
0x136: {  	[tilespmem:v8+s2+$0x0] =	vst.idx.msk $0xffff, v1  }
0x137: {  	[tilespmem:v7+s2+$0x0] =	vst.idx.msk $0xffff, v1  }
0x138: {  	[tilespmem:v6+s2+$0x0] =	vst.idx.msk $0xffff, v1  }
0x139: {  	[tilespmem:v5+s2+$0x0] =	vst.idx.msk $0xffff, v1  }
0x13a: {  	[tilespmem:v4+s2+$0x0] =	vst.idx.msk $0xffff, v1  }
0x13b: {  	[tilespmem:v2+s2+$0x0] =	vst.idx.msk $0xffff, v1  }
0x13c: {  	[tilespmem:v3+s2+$0x0] =	vst.idx.msk $0xffff, v1  }
0x13d: {  	[tilespmem:s1], [sflag:$0x2] =	stream.linear.gather [hbm4b:s11+s3], $0x1100, $0x38;
	[tilespmem:$0x1AA00] =	vst v63  }
0x13e: {  	_ =	swait.ge [sflag:s0], $0x1100  }
0x13f: {  	[sflag:s0] =	ssyncset.done $0x0  }
0x140: {  	s8 =	simm.s32 $0x187F0;
	[sflag:s0] =	ssyncadd.s32 $0xFFFFEF00  }
0x141: {  	v2 =	vld [tilespmem:s8+$0x0]  }
0x142: {  	v3 =	vld [tilespmem:s8+$0xFFFFFFA0]  }
0x143: {  	v4 =	vld [tilespmem:s8+$0xFFFFFFB0]  }
0x144: {  	v5 =	vld [tilespmem:s8+$0xFFFFFFC0]  }
0x145: {  	v10 =	vld [tilespmem:s8+$0xFFFFFFD0]  }
0x146: {  	v11 =	vld [tilespmem:s8+$0xFFFFFFE0]  }
0x147: {  	v12 =	vld [tilespmem:s8+$0xFFFFFFF0]  }
0x148: {  	v13 =	vld [tilespmem:s8+$0xFFFFFF90]  }
0x149: {  	v9 =	vld.idx.msk [tilespmem:v2+s3+$0x0], $0xffff  }
0x14a: {  	v8 =	vld.idx.msk [tilespmem:v3+s3+$0x0], $0xffff  }
0x14b: {  	v7 =	vld.idx.msk [tilespmem:v4+s3+$0x0], $0xffff  }
0x14c: {  	v6 =	vld.idx.msk [tilespmem:v5+s3+$0x0], $0xffff  }
0x14d: {  	v5 =	vld.idx.msk [tilespmem:v10+s3+$0x0], $0xffff  }
0x14e: {  	v4 =	vld.idx.msk [tilespmem:v11+s3+$0x0], $0xffff  }
0x14f: {  	v2 =	vld.idx.msk [tilespmem:v12+s3+$0x0], $0xffff  }
0x150: {  	s9 =	simm.s32 $0x188F0;
	s8 =	simm.s32 $0x0;
	v3 =	vld.idx.msk [tilespmem:v13+s3+$0x0], $0xffff  }
.LBB2_14:
0x151: {  	v10 =	vld [tilespmem:s9+$0x0];
	s8 =	sadd.s32 $0x8, s8;
	[tilespmem:v9+s2+$0x0] =	vst.idx.msk $0xffff, v1  }
0x152: {  	v11 =	vld [tilespmem:s9+$0xFFFFFFA0];
	p0 =	slt.u32 s8, $0x80;
	[tilespmem:v8+s2+$0x0] =	vst.idx.msk $0xffff, v1  }
0x153: {  	v12 =	vld [tilespmem:s9+$0xFFFFFFB0];
	[tilespmem:v7+s2+$0x0] =	vst.idx.msk $0xffff, v1  }
0x154: {  	v13 =	vld [tilespmem:s9+$0xFFFFFFC0];
	[tilespmem:v6+s2+$0x0] =	vst.idx.msk $0xffff, v1  }
0x155: {  	v14 =	vld [tilespmem:s9+$0xFFFFFFD0];
	[tilespmem:v5+s2+$0x0] =	vst.idx.msk $0xffff, v1  }
0x156: {  	v15 =	vld [tilespmem:s9+$0xFFFFFFE0];
	[tilespmem:v4+s2+$0x0] =	vst.idx.msk $0xffff, v1  }
0x157: {  	v16 =	vld [tilespmem:s9+$0xFFFFFFF0];
	[tilespmem:v2+s2+$0x0] =	vst.idx.msk $0xffff, v1  }
0x158: {  	v17 =	vld [tilespmem:s9+$0xFFFFFF90];
	[tilespmem:v3+s2+$0x0] =	vst.idx.msk $0xffff, v1  }
0x159: {  	v9 =	vld.idx.msk [tilespmem:v10+s3+$0x0], $0xffff  }
0x15a: {  	v8 =	vld.idx.msk [tilespmem:v11+s3+$0x0], $0xffff  }
0x15b: {  	v7 =	vld.idx.msk [tilespmem:v12+s3+$0x0], $0xffff  }
.Ltmp6:
0x15c: {  	v6 =	vld.idx.msk [tilespmem:v13+s3+$0x0], $0xffff;
	(pc) =	sbr.rel @p0 .LBB2_14-.Ltmp6, $4  }
0x15d: {  	v5 =	vld.idx.msk [tilespmem:v14+s3+$0x0], $0xffff  }
0x15e: {  	v4 =	vld.idx.msk [tilespmem:v15+s3+$0x0], $0xffff  }
0x15f: {  	v2 =	vld.idx.msk [tilespmem:v16+s3+$0x0], $0xffff  }
0x160: {  	s9 =	sadd.s32 $0x100, s9;
	v3 =	vld.idx.msk [tilespmem:v17+s3+$0x0], $0xffff  }
0x161: {  	_ =	sdelay $0x3  }
0x162: {  	[tilespmem:v9+s2+$0x0] =	vst.idx.msk $0xffff, v1  }
0x163: {  	[tilespmem:v8+s2+$0x0] =	vst.idx.msk $0xffff, v1  }
0x164: {  	[tilespmem:v7+s2+$0x0] =	vst.idx.msk $0xffff, v1  }
0x165: {  	[tilespmem:v6+s2+$0x0] =	vst.idx.msk $0xffff, v1  }
0x166: {  	[tilespmem:v5+s2+$0x0] =	vst.idx.msk $0xffff, v1  }
0x167: {  	[tilespmem:v4+s2+$0x0] =	vst.idx.msk $0xffff, v1  }
0x168: {  	[tilespmem:v2+s2+$0x0] =	vst.idx.msk $0xffff, v1  }
0x169: {  	[tilespmem:v3+s2+$0x0] =	vst.idx.msk $0xffff, v1  }
0x16a: {  	[tilespmem:s30], [sflag:$0x1] =	stream.linear.gather [hbm4b:s12+s3], $0x1100, $0x38;
	[tilespmem:$0x1AA00] =	vst v63  }
0x16b: {  	_ =	swait.ge [sflag:s5], $0x1100  }
0x16c: {  	[sflag:s5] =	ssyncset.done $0x0  }
0x16d: {  	s8 =	simm.s32 $0x198F0;
	[sflag:s5] =	ssyncadd.s32 $0xFFFFEF00  }
0x16e: {  	v2 =	vld [tilespmem:s8+$0x0]  }
0x16f: {  	v3 =	vld [tilespmem:s8+$0xFFFFFFA0]  }
0x170: {  	v4 =	vld [tilespmem:s8+$0xFFFFFFB0]  }
0x171: {  	v5 =	vld [tilespmem:s8+$0xFFFFFFC0]  }
0x172: {  	v10 =	vld [tilespmem:s8+$0xFFFFFFD0]  }
0x173: {  	v11 =	vld [tilespmem:s8+$0xFFFFFFE0]  }
0x174: {  	v12 =	vld [tilespmem:s8+$0xFFFFFFF0]  }
0x175: {  	v13 =	vld [tilespmem:s8+$0xFFFFFF90]  }
0x176: {  	v9 =	vld.idx.msk [tilespmem:v2+s3+$0x0], $0xffff  }
0x177: {  	v8 =	vld.idx.msk [tilespmem:v3+s3+$0x0], $0xffff  }
0x178: {  	v7 =	vld.idx.msk [tilespmem:v4+s3+$0x0], $0xffff  }
0x179: {  	v6 =	vld.idx.msk [tilespmem:v5+s3+$0x0], $0xffff  }
0x17a: {  	v5 =	vld.idx.msk [tilespmem:v10+s3+$0x0], $0xffff  }
0x17b: {  	v4 =	vld.idx.msk [tilespmem:v11+s3+$0x0], $0xffff  }
0x17c: {  	v2 =	vld.idx.msk [tilespmem:v12+s3+$0x0], $0xffff  }
0x17d: {  	s9 =	simm.s32 $0x199F0;
	s8 =	simm.s32 $0x0;
	v3 =	vld.idx.msk [tilespmem:v13+s3+$0x0], $0xffff  }
.LBB2_16:
0x17e: {  	v10 =	vld [tilespmem:s9+$0x0];
	s8 =	sadd.s32 $0x8, s8;
	[tilespmem:v9+s2+$0x0] =	vst.idx.msk $0xffff, v1  }
0x17f: {  	v11 =	vld [tilespmem:s9+$0xFFFFFFA0];
	p0 =	slt.u32 s8, $0x80;
	[tilespmem:v8+s2+$0x0] =	vst.idx.msk $0xffff, v1  }
0x180: {  	v12 =	vld [tilespmem:s9+$0xFFFFFFB0];
	[tilespmem:v7+s2+$0x0] =	vst.idx.msk $0xffff, v1  }
0x181: {  	v13 =	vld [tilespmem:s9+$0xFFFFFFC0];
	[tilespmem:v6+s2+$0x0] =	vst.idx.msk $0xffff, v1  }
0x182: {  	v14 =	vld [tilespmem:s9+$0xFFFFFFD0];
	[tilespmem:v5+s2+$0x0] =	vst.idx.msk $0xffff, v1  }
0x183: {  	v15 =	vld [tilespmem:s9+$0xFFFFFFE0];
	[tilespmem:v4+s2+$0x0] =	vst.idx.msk $0xffff, v1  }
0x184: {  	v16 =	vld [tilespmem:s9+$0xFFFFFFF0];
	[tilespmem:v2+s2+$0x0] =	vst.idx.msk $0xffff, v1  }
0x185: {  	v17 =	vld [tilespmem:s9+$0xFFFFFF90];
	[tilespmem:v3+s2+$0x0] =	vst.idx.msk $0xffff, v1  }
0x186: {  	v9 =	vld.idx.msk [tilespmem:v10+s3+$0x0], $0xffff  }
0x187: {  	v8 =	vld.idx.msk [tilespmem:v11+s3+$0x0], $0xffff  }
0x188: {  	v7 =	vld.idx.msk [tilespmem:v12+s3+$0x0], $0xffff  }
.Ltmp7:
0x189: {  	v6 =	vld.idx.msk [tilespmem:v13+s3+$0x0], $0xffff;
	(pc) =	sbr.rel @p0 .LBB2_16-.Ltmp7, $4  }
0x18a: {  	v5 =	vld.idx.msk [tilespmem:v14+s3+$0x0], $0xffff  }
0x18b: {  	v4 =	vld.idx.msk [tilespmem:v15+s3+$0x0], $0xffff  }
0x18c: {  	v2 =	vld.idx.msk [tilespmem:v16+s3+$0x0], $0xffff  }
0x18d: {  	s9 =	sadd.s32 $0x100, s9;
	v3 =	vld.idx.msk [tilespmem:v17+s3+$0x0], $0xffff  }
0x18e: {  	_ =	sdelay $0x3  }
0x18f: {  	[tilespmem:v9+s2+$0x0] =	vst.idx.msk $0xffff, v1  }
0x190: {  	[tilespmem:v8+s2+$0x0] =	vst.idx.msk $0xffff, v1  }
0x191: {  	[tilespmem:v7+s2+$0x0] =	vst.idx.msk $0xffff, v1  }
0x192: {  	[tilespmem:v6+s2+$0x0] =	vst.idx.msk $0xffff, v1  }
0x193: {  	[tilespmem:v5+s2+$0x0] =	vst.idx.msk $0xffff, v1  }
0x194: {  	[tilespmem:v4+s2+$0x0] =	vst.idx.msk $0xffff, v1  }
0x195: {  	[tilespmem:v2+s2+$0x0] =	vst.idx.msk $0xffff, v1  }
0x196: {  	[tilespmem:v3+s2+$0x0] =	vst.idx.msk $0xffff, v1  }
0x197: {  	[tilespmem:s1], [sflag:$0x2] =	stream.linear.gather [hbm4b:s13+s3], $0x1100, $0x38;
	[tilespmem:$0x1AA00] =	vst v63  }
0x198: {  	_ =	swait.ge [sflag:s0], $0x1100  }
0x199: {  	[sflag:s0] =	ssyncset.done $0x0  }
0x19a: {  	s8 =	simm.s32 $0x187F0;
	[sflag:s0] =	ssyncadd.s32 $0xFFFFEF00  }
0x19b: {  	v2 =	vld [tilespmem:s8+$0x0]  }
0x19c: {  	v3 =	vld [tilespmem:s8+$0xFFFFFFA0]  }
0x19d: {  	v4 =	vld [tilespmem:s8+$0xFFFFFFB0]  }
0x19e: {  	v5 =	vld [tilespmem:s8+$0xFFFFFFC0]  }
0x19f: {  	v10 =	vld [tilespmem:s8+$0xFFFFFFD0]  }
0x1a0: {  	v11 =	vld [tilespmem:s8+$0xFFFFFFE0]  }
0x1a1: {  	v12 =	vld [tilespmem:s8+$0xFFFFFFF0]  }
0x1a2: {  	v13 =	vld [tilespmem:s8+$0xFFFFFF90]  }
0x1a3: {  	v9 =	vld.idx.msk [tilespmem:v2+s3+$0x0], $0xffff  }
0x1a4: {  	v8 =	vld.idx.msk [tilespmem:v3+s3+$0x0], $0xffff  }
0x1a5: {  	v7 =	vld.idx.msk [tilespmem:v4+s3+$0x0], $0xffff  }
0x1a6: {  	v6 =	vld.idx.msk [tilespmem:v5+s3+$0x0], $0xffff  }
0x1a7: {  	v5 =	vld.idx.msk [tilespmem:v10+s3+$0x0], $0xffff  }
0x1a8: {  	v4 =	vld.idx.msk [tilespmem:v11+s3+$0x0], $0xffff  }
0x1a9: {  	v2 =	vld.idx.msk [tilespmem:v12+s3+$0x0], $0xffff  }
0x1aa: {  	s9 =	simm.s32 $0x188F0;
	s8 =	simm.s32 $0x0;
	v3 =	vld.idx.msk [tilespmem:v13+s3+$0x0], $0xffff  }
.LBB2_18:
0x1ab: {  	v10 =	vld [tilespmem:s9+$0x0];
	s8 =	sadd.s32 $0x8, s8;
	[tilespmem:v9+s2+$0x0] =	vst.idx.msk $0xffff, v1  }
0x1ac: {  	v11 =	vld [tilespmem:s9+$0xFFFFFFA0];
	p0 =	slt.u32 s8, $0x80;
	[tilespmem:v8+s2+$0x0] =	vst.idx.msk $0xffff, v1  }
0x1ad: {  	v12 =	vld [tilespmem:s9+$0xFFFFFFB0];
	[tilespmem:v7+s2+$0x0] =	vst.idx.msk $0xffff, v1  }
0x1ae: {  	v13 =	vld [tilespmem:s9+$0xFFFFFFC0];
	[tilespmem:v6+s2+$0x0] =	vst.idx.msk $0xffff, v1  }
0x1af: {  	v14 =	vld [tilespmem:s9+$0xFFFFFFD0];
	[tilespmem:v5+s2+$0x0] =	vst.idx.msk $0xffff, v1  }
0x1b0: {  	v15 =	vld [tilespmem:s9+$0xFFFFFFE0];
	[tilespmem:v4+s2+$0x0] =	vst.idx.msk $0xffff, v1  }
0x1b1: {  	v16 =	vld [tilespmem:s9+$0xFFFFFFF0];
	[tilespmem:v2+s2+$0x0] =	vst.idx.msk $0xffff, v1  }
0x1b2: {  	v17 =	vld [tilespmem:s9+$0xFFFFFF90];
	[tilespmem:v3+s2+$0x0] =	vst.idx.msk $0xffff, v1  }
0x1b3: {  	v9 =	vld.idx.msk [tilespmem:v10+s3+$0x0], $0xffff  }
0x1b4: {  	v8 =	vld.idx.msk [tilespmem:v11+s3+$0x0], $0xffff  }
0x1b5: {  	v7 =	vld.idx.msk [tilespmem:v12+s3+$0x0], $0xffff  }
.Ltmp8:
0x1b6: {  	v6 =	vld.idx.msk [tilespmem:v13+s3+$0x0], $0xffff;
	(pc) =	sbr.rel @p0 .LBB2_18-.Ltmp8, $4  }
0x1b7: {  	v5 =	vld.idx.msk [tilespmem:v14+s3+$0x0], $0xffff  }
0x1b8: {  	v4 =	vld.idx.msk [tilespmem:v15+s3+$0x0], $0xffff  }
0x1b9: {  	v2 =	vld.idx.msk [tilespmem:v16+s3+$0x0], $0xffff  }
0x1ba: {  	s9 =	sadd.s32 $0x100, s9;
	v3 =	vld.idx.msk [tilespmem:v17+s3+$0x0], $0xffff  }
0x1bb: {  	_ =	sdelay $0x3  }
0x1bc: {  	[tilespmem:v9+s2+$0x0] =	vst.idx.msk $0xffff, v1  }
0x1bd: {  	[tilespmem:v8+s2+$0x0] =	vst.idx.msk $0xffff, v1  }
0x1be: {  	[tilespmem:v7+s2+$0x0] =	vst.idx.msk $0xffff, v1  }
0x1bf: {  	[tilespmem:v6+s2+$0x0] =	vst.idx.msk $0xffff, v1  }
0x1c0: {  	[tilespmem:v5+s2+$0x0] =	vst.idx.msk $0xffff, v1  }
0x1c1: {  	[tilespmem:v4+s2+$0x0] =	vst.idx.msk $0xffff, v1  }
0x1c2: {  	[tilespmem:v2+s2+$0x0] =	vst.idx.msk $0xffff, v1  }
0x1c3: {  	[tilespmem:v3+s2+$0x0] =	vst.idx.msk $0xffff, v1  }
0x1c4: {  	[tilespmem:s30], [sflag:$0x1] =	stream.linear.gather [hbm4b:s14+s3], $0x1100, $0x38;
	[tilespmem:$0x1AA00] =	vst v63  }
0x1c5: {  	_ =	swait.ge [sflag:s5], $0x1100  }
0x1c6: {  	[sflag:s5] =	ssyncset.done $0x0  }
0x1c7: {  	s8 =	simm.s32 $0x198F0;
	[sflag:s5] =	ssyncadd.s32 $0xFFFFEF00  }
0x1c8: {  	v2 =	vld [tilespmem:s8+$0x0]  }
0x1c9: {  	v3 =	vld [tilespmem:s8+$0xFFFFFFA0]  }
0x1ca: {  	v4 =	vld [tilespmem:s8+$0xFFFFFFB0]  }
0x1cb: {  	v5 =	vld [tilespmem:s8+$0xFFFFFFC0]  }
0x1cc: {  	v10 =	vld [tilespmem:s8+$0xFFFFFFD0]  }
0x1cd: {  	v11 =	vld [tilespmem:s8+$0xFFFFFFE0]  }
0x1ce: {  	v12 =	vld [tilespmem:s8+$0xFFFFFFF0]  }
0x1cf: {  	v13 =	vld [tilespmem:s8+$0xFFFFFF90]  }
0x1d0: {  	v9 =	vld.idx.msk [tilespmem:v2+s3+$0x0], $0xffff  }
0x1d1: {  	v8 =	vld.idx.msk [tilespmem:v3+s3+$0x0], $0xffff  }
0x1d2: {  	v7 =	vld.idx.msk [tilespmem:v4+s3+$0x0], $0xffff  }
0x1d3: {  	v6 =	vld.idx.msk [tilespmem:v5+s3+$0x0], $0xffff  }
0x1d4: {  	v5 =	vld.idx.msk [tilespmem:v10+s3+$0x0], $0xffff  }
0x1d5: {  	v4 =	vld.idx.msk [tilespmem:v11+s3+$0x0], $0xffff  }
0x1d6: {  	v2 =	vld.idx.msk [tilespmem:v12+s3+$0x0], $0xffff  }
0x1d7: {  	s9 =	simm.s32 $0x199F0;
	s8 =	simm.s32 $0x0;
	v3 =	vld.idx.msk [tilespmem:v13+s3+$0x0], $0xffff  }
.LBB2_20:
0x1d8: {  	v10 =	vld [tilespmem:s9+$0x0];
	s8 =	sadd.s32 $0x8, s8;
	[tilespmem:v9+s2+$0x0] =	vst.idx.msk $0xffff, v1  }
0x1d9: {  	v11 =	vld [tilespmem:s9+$0xFFFFFFA0];
	p0 =	slt.u32 s8, $0x80;
	[tilespmem:v8+s2+$0x0] =	vst.idx.msk $0xffff, v1  }
0x1da: {  	v12 =	vld [tilespmem:s9+$0xFFFFFFB0];
	[tilespmem:v7+s2+$0x0] =	vst.idx.msk $0xffff, v1  }
0x1db: {  	v13 =	vld [tilespmem:s9+$0xFFFFFFC0];
	[tilespmem:v6+s2+$0x0] =	vst.idx.msk $0xffff, v1  }
0x1dc: {  	v14 =	vld [tilespmem:s9+$0xFFFFFFD0];
	[tilespmem:v5+s2+$0x0] =	vst.idx.msk $0xffff, v1  }
0x1dd: {  	v15 =	vld [tilespmem:s9+$0xFFFFFFE0];
	[tilespmem:v4+s2+$0x0] =	vst.idx.msk $0xffff, v1  }
0x1de: {  	v16 =	vld [tilespmem:s9+$0xFFFFFFF0];
	[tilespmem:v2+s2+$0x0] =	vst.idx.msk $0xffff, v1  }
0x1df: {  	v17 =	vld [tilespmem:s9+$0xFFFFFF90];
	[tilespmem:v3+s2+$0x0] =	vst.idx.msk $0xffff, v1  }
0x1e0: {  	v9 =	vld.idx.msk [tilespmem:v10+s3+$0x0], $0xffff  }
0x1e1: {  	v8 =	vld.idx.msk [tilespmem:v11+s3+$0x0], $0xffff  }
0x1e2: {  	v7 =	vld.idx.msk [tilespmem:v12+s3+$0x0], $0xffff  }
.Ltmp9:
0x1e3: {  	v6 =	vld.idx.msk [tilespmem:v13+s3+$0x0], $0xffff;
	(pc) =	sbr.rel @p0 .LBB2_20-.Ltmp9, $4  }
0x1e4: {  	v5 =	vld.idx.msk [tilespmem:v14+s3+$0x0], $0xffff  }
0x1e5: {  	v4 =	vld.idx.msk [tilespmem:v15+s3+$0x0], $0xffff  }
0x1e6: {  	v2 =	vld.idx.msk [tilespmem:v16+s3+$0x0], $0xffff  }
0x1e7: {  	s9 =	sadd.s32 $0x100, s9;
	v3 =	vld.idx.msk [tilespmem:v17+s3+$0x0], $0xffff  }
0x1e8: {  	_ =	sdelay $0x3  }
0x1e9: {  	[tilespmem:v9+s2+$0x0] =	vst.idx.msk $0xffff, v1  }
0x1ea: {  	[tilespmem:v8+s2+$0x0] =	vst.idx.msk $0xffff, v1  }
0x1eb: {  	[tilespmem:v7+s2+$0x0] =	vst.idx.msk $0xffff, v1  }
0x1ec: {  	[tilespmem:v6+s2+$0x0] =	vst.idx.msk $0xffff, v1  }
0x1ed: {  	[tilespmem:v5+s2+$0x0] =	vst.idx.msk $0xffff, v1  }
0x1ee: {  	[tilespmem:v4+s2+$0x0] =	vst.idx.msk $0xffff, v1  }
0x1ef: {  	[tilespmem:v2+s2+$0x0] =	vst.idx.msk $0xffff, v1  }
0x1f0: {  	[tilespmem:v3+s2+$0x0] =	vst.idx.msk $0xffff, v1  }
0x1f1: {  	[tilespmem:s1], [sflag:$0x2] =	stream.linear.gather [hbm4b:s15+s3], $0x1100, $0x38;
	[tilespmem:$0x1AA00] =	vst v63  }
0x1f2: {  	_ =	swait.ge [sflag:s0], $0x1100  }
0x1f3: {  	[sflag:s0] =	ssyncset.done $0x0  }
0x1f4: {  	s8 =	simm.s32 $0x187F0;
	[sflag:s0] =	ssyncadd.s32 $0xFFFFEF00  }
0x1f5: {  	v2 =	vld [tilespmem:s8+$0x0]  }
0x1f6: {  	v3 =	vld [tilespmem:s8+$0xFFFFFFA0]  }
0x1f7: {  	v4 =	vld [tilespmem:s8+$0xFFFFFFB0]  }
0x1f8: {  	v5 =	vld [tilespmem:s8+$0xFFFFFFC0]  }
0x1f9: {  	v10 =	vld [tilespmem:s8+$0xFFFFFFD0]  }
0x1fa: {  	v11 =	vld [tilespmem:s8+$0xFFFFFFE0]  }
0x1fb: {  	v12 =	vld [tilespmem:s8+$0xFFFFFFF0]  }
0x1fc: {  	v13 =	vld [tilespmem:s8+$0xFFFFFF90]  }
0x1fd: {  	v9 =	vld.idx.msk [tilespmem:v2+s3+$0x0], $0xffff  }
0x1fe: {  	v8 =	vld.idx.msk [tilespmem:v3+s3+$0x0], $0xffff  }
0x1ff: {  	v7 =	vld.idx.msk [tilespmem:v4+s3+$0x0], $0xffff  }
0x200: {  	v6 =	vld.idx.msk [tilespmem:v5+s3+$0x0], $0xffff  }
0x201: {  	v5 =	vld.idx.msk [tilespmem:v10+s3+$0x0], $0xffff  }
0x202: {  	v4 =	vld.idx.msk [tilespmem:v11+s3+$0x0], $0xffff  }
0x203: {  	v2 =	vld.idx.msk [tilespmem:v12+s3+$0x0], $0xffff  }
0x204: {  	s9 =	simm.s32 $0x188F0;
	s8 =	simm.s32 $0x0;
	v3 =	vld.idx.msk [tilespmem:v13+s3+$0x0], $0xffff  }
.LBB2_22:
0x205: {  	v10 =	vld [tilespmem:s9+$0x0];
	s8 =	sadd.s32 $0x8, s8;
	[tilespmem:v9+s2+$0x0] =	vst.idx.msk $0xffff, v1  }
0x206: {  	v11 =	vld [tilespmem:s9+$0xFFFFFFA0];
	p0 =	slt.u32 s8, $0x80;
	[tilespmem:v8+s2+$0x0] =	vst.idx.msk $0xffff, v1  }
0x207: {  	v12 =	vld [tilespmem:s9+$0xFFFFFFB0];
	[tilespmem:v7+s2+$0x0] =	vst.idx.msk $0xffff, v1  }
0x208: {  	v13 =	vld [tilespmem:s9+$0xFFFFFFC0];
	[tilespmem:v6+s2+$0x0] =	vst.idx.msk $0xffff, v1  }
0x209: {  	v14 =	vld [tilespmem:s9+$0xFFFFFFD0];
	[tilespmem:v5+s2+$0x0] =	vst.idx.msk $0xffff, v1  }
0x20a: {  	v15 =	vld [tilespmem:s9+$0xFFFFFFE0];
	[tilespmem:v4+s2+$0x0] =	vst.idx.msk $0xffff, v1  }
0x20b: {  	v16 =	vld [tilespmem:s9+$0xFFFFFFF0];
	[tilespmem:v2+s2+$0x0] =	vst.idx.msk $0xffff, v1  }
0x20c: {  	v17 =	vld [tilespmem:s9+$0xFFFFFF90];
	[tilespmem:v3+s2+$0x0] =	vst.idx.msk $0xffff, v1  }
0x20d: {  	v9 =	vld.idx.msk [tilespmem:v10+s3+$0x0], $0xffff  }
0x20e: {  	v8 =	vld.idx.msk [tilespmem:v11+s3+$0x0], $0xffff  }
0x20f: {  	v7 =	vld.idx.msk [tilespmem:v12+s3+$0x0], $0xffff  }
.Ltmp10:
0x210: {  	v6 =	vld.idx.msk [tilespmem:v13+s3+$0x0], $0xffff;
	(pc) =	sbr.rel @p0 .LBB2_22-.Ltmp10, $4  }
0x211: {  	v5 =	vld.idx.msk [tilespmem:v14+s3+$0x0], $0xffff  }
0x212: {  	v4 =	vld.idx.msk [tilespmem:v15+s3+$0x0], $0xffff  }
0x213: {  	v2 =	vld.idx.msk [tilespmem:v16+s3+$0x0], $0xffff  }
0x214: {  	s9 =	sadd.s32 $0x100, s9;
	v3 =	vld.idx.msk [tilespmem:v17+s3+$0x0], $0xffff  }
0x215: {  	_ =	sdelay $0x3  }
0x216: {  	[tilespmem:v9+s2+$0x0] =	vst.idx.msk $0xffff, v1  }
0x217: {  	[tilespmem:v8+s2+$0x0] =	vst.idx.msk $0xffff, v1  }
0x218: {  	[tilespmem:v7+s2+$0x0] =	vst.idx.msk $0xffff, v1  }
0x219: {  	[tilespmem:v6+s2+$0x0] =	vst.idx.msk $0xffff, v1  }
0x21a: {  	[tilespmem:v5+s2+$0x0] =	vst.idx.msk $0xffff, v1  }
0x21b: {  	[tilespmem:v4+s2+$0x0] =	vst.idx.msk $0xffff, v1  }
0x21c: {  	[tilespmem:v2+s2+$0x0] =	vst.idx.msk $0xffff, v1  }
0x21d: {  	[tilespmem:v3+s2+$0x0] =	vst.idx.msk $0xffff, v1  }
0x21e: {  	[tilespmem:s30], [sflag:$0x1] =	stream.linear.gather [hbm4b:s16+s3], $0x1100, $0x38;
	[tilespmem:$0x1AA00] =	vst v63  }
0x21f: {  	_ =	swait.ge [sflag:s5], $0x1100  }
0x220: {  	[sflag:s5] =	ssyncset.done $0x0  }
0x221: {  	s8 =	simm.s32 $0x198F0;
	[sflag:s5] =	ssyncadd.s32 $0xFFFFEF00  }
0x222: {  	v2 =	vld [tilespmem:s8+$0x0]  }
0x223: {  	v3 =	vld [tilespmem:s8+$0xFFFFFFA0]  }
0x224: {  	v4 =	vld [tilespmem:s8+$0xFFFFFFB0]  }
0x225: {  	v5 =	vld [tilespmem:s8+$0xFFFFFFC0]  }
0x226: {  	v10 =	vld [tilespmem:s8+$0xFFFFFFD0]  }
0x227: {  	v11 =	vld [tilespmem:s8+$0xFFFFFFE0]  }
0x228: {  	v12 =	vld [tilespmem:s8+$0xFFFFFFF0]  }
0x229: {  	v13 =	vld [tilespmem:s8+$0xFFFFFF90]  }
0x22a: {  	v9 =	vld.idx.msk [tilespmem:v2+s3+$0x0], $0xffff  }
0x22b: {  	v8 =	vld.idx.msk [tilespmem:v3+s3+$0x0], $0xffff  }
0x22c: {  	v7 =	vld.idx.msk [tilespmem:v4+s3+$0x0], $0xffff  }
0x22d: {  	v6 =	vld.idx.msk [tilespmem:v5+s3+$0x0], $0xffff  }
0x22e: {  	v5 =	vld.idx.msk [tilespmem:v10+s3+$0x0], $0xffff  }
0x22f: {  	v4 =	vld.idx.msk [tilespmem:v11+s3+$0x0], $0xffff  }
0x230: {  	v2 =	vld.idx.msk [tilespmem:v12+s3+$0x0], $0xffff  }
0x231: {  	s9 =	simm.s32 $0x199F0;
	s8 =	simm.s32 $0x0;
	v3 =	vld.idx.msk [tilespmem:v13+s3+$0x0], $0xffff  }
.LBB2_24:
0x232: {  	v10 =	vld [tilespmem:s9+$0x0];
	s8 =	sadd.s32 $0x8, s8;
	[tilespmem:v9+s2+$0x0] =	vst.idx.msk $0xffff, v1  }
0x233: {  	v11 =	vld [tilespmem:s9+$0xFFFFFFA0];
	p0 =	slt.u32 s8, $0x80;
	[tilespmem:v8+s2+$0x0] =	vst.idx.msk $0xffff, v1  }
0x234: {  	v12 =	vld [tilespmem:s9+$0xFFFFFFB0];
	[tilespmem:v7+s2+$0x0] =	vst.idx.msk $0xffff, v1  }
0x235: {  	v13 =	vld [tilespmem:s9+$0xFFFFFFC0];
	[tilespmem:v6+s2+$0x0] =	vst.idx.msk $0xffff, v1  }
0x236: {  	v14 =	vld [tilespmem:s9+$0xFFFFFFD0];
	[tilespmem:v5+s2+$0x0] =	vst.idx.msk $0xffff, v1  }
0x237: {  	v15 =	vld [tilespmem:s9+$0xFFFFFFE0];
	[tilespmem:v4+s2+$0x0] =	vst.idx.msk $0xffff, v1  }
0x238: {  	v16 =	vld [tilespmem:s9+$0xFFFFFFF0];
	[tilespmem:v2+s2+$0x0] =	vst.idx.msk $0xffff, v1  }
0x239: {  	v17 =	vld [tilespmem:s9+$0xFFFFFF90];
	[tilespmem:v3+s2+$0x0] =	vst.idx.msk $0xffff, v1  }
0x23a: {  	v9 =	vld.idx.msk [tilespmem:v10+s3+$0x0], $0xffff  }
0x23b: {  	v8 =	vld.idx.msk [tilespmem:v11+s3+$0x0], $0xffff  }
0x23c: {  	v7 =	vld.idx.msk [tilespmem:v12+s3+$0x0], $0xffff  }
.Ltmp11:
0x23d: {  	v6 =	vld.idx.msk [tilespmem:v13+s3+$0x0], $0xffff;
	(pc) =	sbr.rel @p0 .LBB2_24-.Ltmp11, $4  }
0x23e: {  	v5 =	vld.idx.msk [tilespmem:v14+s3+$0x0], $0xffff  }
0x23f: {  	v4 =	vld.idx.msk [tilespmem:v15+s3+$0x0], $0xffff  }
0x240: {  	v2 =	vld.idx.msk [tilespmem:v16+s3+$0x0], $0xffff  }
0x241: {  	s9 =	sadd.s32 $0x100, s9;
	v3 =	vld.idx.msk [tilespmem:v17+s3+$0x0], $0xffff  }
0x242: {  	_ =	sdelay $0x3  }
0x243: {  	[tilespmem:v9+s2+$0x0] =	vst.idx.msk $0xffff, v1  }
0x244: {  	[tilespmem:v8+s2+$0x0] =	vst.idx.msk $0xffff, v1  }
0x245: {  	[tilespmem:v7+s2+$0x0] =	vst.idx.msk $0xffff, v1  }
0x246: {  	[tilespmem:v6+s2+$0x0] =	vst.idx.msk $0xffff, v1  }
0x247: {  	[tilespmem:v5+s2+$0x0] =	vst.idx.msk $0xffff, v1  }
0x248: {  	[tilespmem:v4+s2+$0x0] =	vst.idx.msk $0xffff, v1  }
0x249: {  	[tilespmem:v2+s2+$0x0] =	vst.idx.msk $0xffff, v1  }
0x24a: {  	[tilespmem:v3+s2+$0x0] =	vst.idx.msk $0xffff, v1  }
0x24b: {  	[tilespmem:s1], [sflag:$0x2] =	stream.linear.gather [hbm4b:s17+s3], $0x1100, $0x38;
	[tilespmem:$0x1AA00] =	vst v63  }
0x24c: {  	_ =	swait.ge [sflag:s0], $0x1100  }
0x24d: {  	[sflag:s0] =	ssyncset.done $0x0  }
0x24e: {  	s8 =	simm.s32 $0x187F0;
	[sflag:s0] =	ssyncadd.s32 $0xFFFFEF00  }
0x24f: {  	v2 =	vld [tilespmem:s8+$0x0]  }
0x250: {  	v3 =	vld [tilespmem:s8+$0xFFFFFFA0]  }
0x251: {  	v4 =	vld [tilespmem:s8+$0xFFFFFFB0]  }
0x252: {  	v5 =	vld [tilespmem:s8+$0xFFFFFFC0]  }
0x253: {  	v10 =	vld [tilespmem:s8+$0xFFFFFFD0]  }
0x254: {  	v11 =	vld [tilespmem:s8+$0xFFFFFFE0]  }
0x255: {  	v12 =	vld [tilespmem:s8+$0xFFFFFFF0]  }
0x256: {  	v13 =	vld [tilespmem:s8+$0xFFFFFF90]  }
0x257: {  	v9 =	vld.idx.msk [tilespmem:v2+s3+$0x0], $0xffff  }
0x258: {  	v8 =	vld.idx.msk [tilespmem:v3+s3+$0x0], $0xffff  }
0x259: {  	v7 =	vld.idx.msk [tilespmem:v4+s3+$0x0], $0xffff  }
0x25a: {  	v6 =	vld.idx.msk [tilespmem:v5+s3+$0x0], $0xffff  }
0x25b: {  	v5 =	vld.idx.msk [tilespmem:v10+s3+$0x0], $0xffff  }
0x25c: {  	v4 =	vld.idx.msk [tilespmem:v11+s3+$0x0], $0xffff  }
0x25d: {  	v2 =	vld.idx.msk [tilespmem:v12+s3+$0x0], $0xffff  }
0x25e: {  	s9 =	simm.s32 $0x188F0;
	s8 =	simm.s32 $0x0;
	v3 =	vld.idx.msk [tilespmem:v13+s3+$0x0], $0xffff  }
.LBB2_26:
0x25f: {  	v10 =	vld [tilespmem:s9+$0x0];
	s8 =	sadd.s32 $0x8, s8;
	[tilespmem:v9+s2+$0x0] =	vst.idx.msk $0xffff, v1  }
0x260: {  	v11 =	vld [tilespmem:s9+$0xFFFFFFA0];
	p0 =	slt.u32 s8, $0x80;
	[tilespmem:v8+s2+$0x0] =	vst.idx.msk $0xffff, v1  }
0x261: {  	v12 =	vld [tilespmem:s9+$0xFFFFFFB0];
	[tilespmem:v7+s2+$0x0] =	vst.idx.msk $0xffff, v1  }
0x262: {  	v13 =	vld [tilespmem:s9+$0xFFFFFFC0];
	[tilespmem:v6+s2+$0x0] =	vst.idx.msk $0xffff, v1  }
0x263: {  	v14 =	vld [tilespmem:s9+$0xFFFFFFD0];
	[tilespmem:v5+s2+$0x0] =	vst.idx.msk $0xffff, v1  }
0x264: {  	v15 =	vld [tilespmem:s9+$0xFFFFFFE0];
	[tilespmem:v4+s2+$0x0] =	vst.idx.msk $0xffff, v1  }
0x265: {  	v16 =	vld [tilespmem:s9+$0xFFFFFFF0];
	[tilespmem:v2+s2+$0x0] =	vst.idx.msk $0xffff, v1  }
0x266: {  	v17 =	vld [tilespmem:s9+$0xFFFFFF90];
	[tilespmem:v3+s2+$0x0] =	vst.idx.msk $0xffff, v1  }
0x267: {  	v9 =	vld.idx.msk [tilespmem:v10+s3+$0x0], $0xffff  }
0x268: {  	v8 =	vld.idx.msk [tilespmem:v11+s3+$0x0], $0xffff  }
0x269: {  	v7 =	vld.idx.msk [tilespmem:v12+s3+$0x0], $0xffff  }
.Ltmp12:
0x26a: {  	v6 =	vld.idx.msk [tilespmem:v13+s3+$0x0], $0xffff;
	(pc) =	sbr.rel @p0 .LBB2_26-.Ltmp12, $4  }
0x26b: {  	v5 =	vld.idx.msk [tilespmem:v14+s3+$0x0], $0xffff  }
0x26c: {  	v4 =	vld.idx.msk [tilespmem:v15+s3+$0x0], $0xffff  }
0x26d: {  	v2 =	vld.idx.msk [tilespmem:v16+s3+$0x0], $0xffff  }
0x26e: {  	s9 =	sadd.s32 $0x100, s9;
	v3 =	vld.idx.msk [tilespmem:v17+s3+$0x0], $0xffff  }
0x26f: {  	_ =	sdelay $0x3  }
0x270: {  	[tilespmem:v9+s2+$0x0] =	vst.idx.msk $0xffff, v1  }
0x271: {  	[tilespmem:v8+s2+$0x0] =	vst.idx.msk $0xffff, v1  }
0x272: {  	[tilespmem:v7+s2+$0x0] =	vst.idx.msk $0xffff, v1  }
0x273: {  	[tilespmem:v6+s2+$0x0] =	vst.idx.msk $0xffff, v1  }
0x274: {  	[tilespmem:v5+s2+$0x0] =	vst.idx.msk $0xffff, v1  }
0x275: {  	[tilespmem:v4+s2+$0x0] =	vst.idx.msk $0xffff, v1  }
0x276: {  	[tilespmem:v2+s2+$0x0] =	vst.idx.msk $0xffff, v1  }
0x277: {  	[tilespmem:v3+s2+$0x0] =	vst.idx.msk $0xffff, v1  }
0x278: {  	[tilespmem:s30], [sflag:$0x1] =	stream.linear.gather [hbm4b:s18+s3], $0x1100, $0x38;
	[tilespmem:$0x1AA00] =	vst v63  }
0x279: {  	_ =	swait.ge [sflag:s5], $0x1100  }
0x27a: {  	[sflag:s5] =	ssyncset.done $0x0  }
0x27b: {  	s8 =	simm.s32 $0x198F0;
	[sflag:s5] =	ssyncadd.s32 $0xFFFFEF00  }
0x27c: {  	v2 =	vld [tilespmem:s8+$0x0]  }
0x27d: {  	v3 =	vld [tilespmem:s8+$0xFFFFFFA0]  }
0x27e: {  	v4 =	vld [tilespmem:s8+$0xFFFFFFB0]  }
0x27f: {  	v5 =	vld [tilespmem:s8+$0xFFFFFFC0]  }
0x280: {  	v10 =	vld [tilespmem:s8+$0xFFFFFFD0]  }
0x281: {  	v11 =	vld [tilespmem:s8+$0xFFFFFFE0]  }
0x282: {  	v12 =	vld [tilespmem:s8+$0xFFFFFFF0]  }
0x283: {  	v13 =	vld [tilespmem:s8+$0xFFFFFF90]  }
0x284: {  	v9 =	vld.idx.msk [tilespmem:v2+s3+$0x0], $0xffff  }
0x285: {  	v8 =	vld.idx.msk [tilespmem:v3+s3+$0x0], $0xffff  }
0x286: {  	v7 =	vld.idx.msk [tilespmem:v4+s3+$0x0], $0xffff  }
0x287: {  	v6 =	vld.idx.msk [tilespmem:v5+s3+$0x0], $0xffff  }
0x288: {  	v5 =	vld.idx.msk [tilespmem:v10+s3+$0x0], $0xffff  }
0x289: {  	v4 =	vld.idx.msk [tilespmem:v11+s3+$0x0], $0xffff  }
0x28a: {  	v2 =	vld.idx.msk [tilespmem:v12+s3+$0x0], $0xffff  }
0x28b: {  	s9 =	simm.s32 $0x199F0;
	s8 =	simm.s32 $0x0;
	v3 =	vld.idx.msk [tilespmem:v13+s3+$0x0], $0xffff  }
.LBB2_28:
0x28c: {  	v10 =	vld [tilespmem:s9+$0x0];
	s8 =	sadd.s32 $0x8, s8;
	[tilespmem:v9+s2+$0x0] =	vst.idx.msk $0xffff, v1  }
0x28d: {  	v11 =	vld [tilespmem:s9+$0xFFFFFFA0];
	p0 =	slt.u32 s8, $0x80;
	[tilespmem:v8+s2+$0x0] =	vst.idx.msk $0xffff, v1  }
0x28e: {  	v12 =	vld [tilespmem:s9+$0xFFFFFFB0];
	[tilespmem:v7+s2+$0x0] =	vst.idx.msk $0xffff, v1  }
0x28f: {  	v13 =	vld [tilespmem:s9+$0xFFFFFFC0];
	[tilespmem:v6+s2+$0x0] =	vst.idx.msk $0xffff, v1  }
0x290: {  	v14 =	vld [tilespmem:s9+$0xFFFFFFD0];
	[tilespmem:v5+s2+$0x0] =	vst.idx.msk $0xffff, v1  }
0x291: {  	v15 =	vld [tilespmem:s9+$0xFFFFFFE0];
	[tilespmem:v4+s2+$0x0] =	vst.idx.msk $0xffff, v1  }
0x292: {  	v16 =	vld [tilespmem:s9+$0xFFFFFFF0];
	[tilespmem:v2+s2+$0x0] =	vst.idx.msk $0xffff, v1  }
0x293: {  	v17 =	vld [tilespmem:s9+$0xFFFFFF90];
	[tilespmem:v3+s2+$0x0] =	vst.idx.msk $0xffff, v1  }
0x294: {  	v9 =	vld.idx.msk [tilespmem:v10+s3+$0x0], $0xffff  }
0x295: {  	v8 =	vld.idx.msk [tilespmem:v11+s3+$0x0], $0xffff  }
0x296: {  	v7 =	vld.idx.msk [tilespmem:v12+s3+$0x0], $0xffff  }
.Ltmp13:
0x297: {  	v6 =	vld.idx.msk [tilespmem:v13+s3+$0x0], $0xffff;
	(pc) =	sbr.rel @p0 .LBB2_28-.Ltmp13, $4  }
0x298: {  	v5 =	vld.idx.msk [tilespmem:v14+s3+$0x0], $0xffff  }
0x299: {  	v4 =	vld.idx.msk [tilespmem:v15+s3+$0x0], $0xffff  }
0x29a: {  	v2 =	vld.idx.msk [tilespmem:v16+s3+$0x0], $0xffff  }
0x29b: {  	s9 =	sadd.s32 $0x100, s9;
	v3 =	vld.idx.msk [tilespmem:v17+s3+$0x0], $0xffff  }
0x29c: {  	_ =	sdelay $0x3  }
0x29d: {  	[tilespmem:v9+s2+$0x0] =	vst.idx.msk $0xffff, v1  }
0x29e: {  	[tilespmem:v8+s2+$0x0] =	vst.idx.msk $0xffff, v1  }
0x29f: {  	[tilespmem:v7+s2+$0x0] =	vst.idx.msk $0xffff, v1  }
0x2a0: {  	[tilespmem:v6+s2+$0x0] =	vst.idx.msk $0xffff, v1  }
0x2a1: {  	[tilespmem:v5+s2+$0x0] =	vst.idx.msk $0xffff, v1  }
0x2a2: {  	[tilespmem:v4+s2+$0x0] =	vst.idx.msk $0xffff, v1  }
0x2a3: {  	[tilespmem:v2+s2+$0x0] =	vst.idx.msk $0xffff, v1  }
0x2a4: {  	[tilespmem:v3+s2+$0x0] =	vst.idx.msk $0xffff, v1  }
0x2a5: {  	[tilespmem:s1], [sflag:$0x2] =	stream.linear.gather [hbm4b:s19+s3], $0x1100, $0x38;
	[tilespmem:$0x1AA00] =	vst v63  }
0x2a6: {  	_ =	swait.ge [sflag:s0], $0x1100  }
0x2a7: {  	[sflag:s0] =	ssyncset.done $0x0  }
0x2a8: {  	s8 =	simm.s32 $0x187F0;
	[sflag:s0] =	ssyncadd.s32 $0xFFFFEF00  }
0x2a9: {  	v2 =	vld [tilespmem:s8+$0x0]  }
0x2aa: {  	v3 =	vld [tilespmem:s8+$0xFFFFFFA0]  }
0x2ab: {  	v4 =	vld [tilespmem:s8+$0xFFFFFFB0]  }
0x2ac: {  	v5 =	vld [tilespmem:s8+$0xFFFFFFC0]  }
0x2ad: {  	v10 =	vld [tilespmem:s8+$0xFFFFFFD0]  }
0x2ae: {  	v11 =	vld [tilespmem:s8+$0xFFFFFFE0]  }
0x2af: {  	v12 =	vld [tilespmem:s8+$0xFFFFFFF0]  }
0x2b0: {  	v13 =	vld [tilespmem:s8+$0xFFFFFF90]  }
0x2b1: {  	v9 =	vld.idx.msk [tilespmem:v2+s3+$0x0], $0xffff  }
0x2b2: {  	v8 =	vld.idx.msk [tilespmem:v3+s3+$0x0], $0xffff  }
0x2b3: {  	v7 =	vld.idx.msk [tilespmem:v4+s3+$0x0], $0xffff  }
0x2b4: {  	v6 =	vld.idx.msk [tilespmem:v5+s3+$0x0], $0xffff  }
0x2b5: {  	v5 =	vld.idx.msk [tilespmem:v10+s3+$0x0], $0xffff  }
0x2b6: {  	v4 =	vld.idx.msk [tilespmem:v11+s3+$0x0], $0xffff  }
0x2b7: {  	v2 =	vld.idx.msk [tilespmem:v12+s3+$0x0], $0xffff  }
0x2b8: {  	s9 =	simm.s32 $0x188F0;
	s8 =	simm.s32 $0x0;
	v3 =	vld.idx.msk [tilespmem:v13+s3+$0x0], $0xffff  }
.LBB2_30:
0x2b9: {  	v10 =	vld [tilespmem:s9+$0x0];
	s8 =	sadd.s32 $0x8, s8;
	[tilespmem:v9+s2+$0x0] =	vst.idx.msk $0xffff, v1  }
0x2ba: {  	v11 =	vld [tilespmem:s9+$0xFFFFFFA0];
	p0 =	slt.u32 s8, $0x80;
	[tilespmem:v8+s2+$0x0] =	vst.idx.msk $0xffff, v1  }
0x2bb: {  	v12 =	vld [tilespmem:s9+$0xFFFFFFB0];
	[tilespmem:v7+s2+$0x0] =	vst.idx.msk $0xffff, v1  }
0x2bc: {  	v13 =	vld [tilespmem:s9+$0xFFFFFFC0];
	[tilespmem:v6+s2+$0x0] =	vst.idx.msk $0xffff, v1  }
0x2bd: {  	v14 =	vld [tilespmem:s9+$0xFFFFFFD0];
	[tilespmem:v5+s2+$0x0] =	vst.idx.msk $0xffff, v1  }
0x2be: {  	v15 =	vld [tilespmem:s9+$0xFFFFFFE0];
	[tilespmem:v4+s2+$0x0] =	vst.idx.msk $0xffff, v1  }
0x2bf: {  	v16 =	vld [tilespmem:s9+$0xFFFFFFF0];
	[tilespmem:v2+s2+$0x0] =	vst.idx.msk $0xffff, v1  }
0x2c0: {  	v17 =	vld [tilespmem:s9+$0xFFFFFF90];
	[tilespmem:v3+s2+$0x0] =	vst.idx.msk $0xffff, v1  }
0x2c1: {  	v9 =	vld.idx.msk [tilespmem:v10+s3+$0x0], $0xffff  }
0x2c2: {  	v8 =	vld.idx.msk [tilespmem:v11+s3+$0x0], $0xffff  }
0x2c3: {  	v7 =	vld.idx.msk [tilespmem:v12+s3+$0x0], $0xffff  }
.Ltmp14:
0x2c4: {  	v6 =	vld.idx.msk [tilespmem:v13+s3+$0x0], $0xffff;
	(pc) =	sbr.rel @p0 .LBB2_30-.Ltmp14, $4  }
0x2c5: {  	v5 =	vld.idx.msk [tilespmem:v14+s3+$0x0], $0xffff  }
0x2c6: {  	v4 =	vld.idx.msk [tilespmem:v15+s3+$0x0], $0xffff  }
0x2c7: {  	v2 =	vld.idx.msk [tilespmem:v16+s3+$0x0], $0xffff  }
0x2c8: {  	s9 =	sadd.s32 $0x100, s9;
	v3 =	vld.idx.msk [tilespmem:v17+s3+$0x0], $0xffff  }
0x2c9: {  	_ =	sdelay $0x3  }
0x2ca: {  	[tilespmem:v9+s2+$0x0] =	vst.idx.msk $0xffff, v1  }
0x2cb: {  	[tilespmem:v8+s2+$0x0] =	vst.idx.msk $0xffff, v1  }
0x2cc: {  	[tilespmem:v7+s2+$0x0] =	vst.idx.msk $0xffff, v1  }
0x2cd: {  	[tilespmem:v6+s2+$0x0] =	vst.idx.msk $0xffff, v1  }
0x2ce: {  	[tilespmem:v5+s2+$0x0] =	vst.idx.msk $0xffff, v1  }
0x2cf: {  	[tilespmem:v4+s2+$0x0] =	vst.idx.msk $0xffff, v1  }
0x2d0: {  	[tilespmem:v2+s2+$0x0] =	vst.idx.msk $0xffff, v1  }
0x2d1: {  	[tilespmem:v3+s2+$0x0] =	vst.idx.msk $0xffff, v1  }
0x2d2: {  	[tilespmem:s30], [sflag:$0x1] =	stream.linear.gather [hbm4b:s20+s3], $0x1100, $0x38;
	[tilespmem:$0x1AA00] =	vst v63  }
0x2d3: {  	_ =	swait.ge [sflag:s5], $0x1100  }
0x2d4: {  	[sflag:s5] =	ssyncset.done $0x0  }
0x2d5: {  	s8 =	simm.s32 $0x198F0;
	[sflag:s5] =	ssyncadd.s32 $0xFFFFEF00  }
0x2d6: {  	v2 =	vld [tilespmem:s8+$0x0]  }
0x2d7: {  	v3 =	vld [tilespmem:s8+$0xFFFFFFA0]  }
0x2d8: {  	v4 =	vld [tilespmem:s8+$0xFFFFFFB0]  }
0x2d9: {  	v5 =	vld [tilespmem:s8+$0xFFFFFFC0]  }
0x2da: {  	v10 =	vld [tilespmem:s8+$0xFFFFFFD0]  }
0x2db: {  	v11 =	vld [tilespmem:s8+$0xFFFFFFE0]  }
0x2dc: {  	v12 =	vld [tilespmem:s8+$0xFFFFFFF0]  }
0x2dd: {  	v13 =	vld [tilespmem:s8+$0xFFFFFF90]  }
0x2de: {  	v9 =	vld.idx.msk [tilespmem:v2+s3+$0x0], $0xffff  }
0x2df: {  	v8 =	vld.idx.msk [tilespmem:v3+s3+$0x0], $0xffff  }
0x2e0: {  	v7 =	vld.idx.msk [tilespmem:v4+s3+$0x0], $0xffff  }
0x2e1: {  	v6 =	vld.idx.msk [tilespmem:v5+s3+$0x0], $0xffff  }
0x2e2: {  	v5 =	vld.idx.msk [tilespmem:v10+s3+$0x0], $0xffff  }
0x2e3: {  	v4 =	vld.idx.msk [tilespmem:v11+s3+$0x0], $0xffff  }
0x2e4: {  	v2 =	vld.idx.msk [tilespmem:v12+s3+$0x0], $0xffff  }
0x2e5: {  	s9 =	simm.s32 $0x199F0;
	s8 =	simm.s32 $0x0;
	v3 =	vld.idx.msk [tilespmem:v13+s3+$0x0], $0xffff  }
.LBB2_32:
0x2e6: {  	v10 =	vld [tilespmem:s9+$0x0];
	s8 =	sadd.s32 $0x8, s8;
	[tilespmem:v9+s2+$0x0] =	vst.idx.msk $0xffff, v1  }
0x2e7: {  	v11 =	vld [tilespmem:s9+$0xFFFFFFA0];
	p0 =	slt.u32 s8, $0x80;
	[tilespmem:v8+s2+$0x0] =	vst.idx.msk $0xffff, v1  }
0x2e8: {  	v12 =	vld [tilespmem:s9+$0xFFFFFFB0];
	[tilespmem:v7+s2+$0x0] =	vst.idx.msk $0xffff, v1  }
0x2e9: {  	v13 =	vld [tilespmem:s9+$0xFFFFFFC0];
	[tilespmem:v6+s2+$0x0] =	vst.idx.msk $0xffff, v1  }
0x2ea: {  	v14 =	vld [tilespmem:s9+$0xFFFFFFD0];
	[tilespmem:v5+s2+$0x0] =	vst.idx.msk $0xffff, v1  }
0x2eb: {  	v15 =	vld [tilespmem:s9+$0xFFFFFFE0];
	[tilespmem:v4+s2+$0x0] =	vst.idx.msk $0xffff, v1  }
0x2ec: {  	v16 =	vld [tilespmem:s9+$0xFFFFFFF0];
	[tilespmem:v2+s2+$0x0] =	vst.idx.msk $0xffff, v1  }
0x2ed: {  	v17 =	vld [tilespmem:s9+$0xFFFFFF90];
	[tilespmem:v3+s2+$0x0] =	vst.idx.msk $0xffff, v1  }
0x2ee: {  	v9 =	vld.idx.msk [tilespmem:v10+s3+$0x0], $0xffff  }
0x2ef: {  	v8 =	vld.idx.msk [tilespmem:v11+s3+$0x0], $0xffff  }
0x2f0: {  	v7 =	vld.idx.msk [tilespmem:v12+s3+$0x0], $0xffff  }
.Ltmp15:
0x2f1: {  	v6 =	vld.idx.msk [tilespmem:v13+s3+$0x0], $0xffff;
	(pc) =	sbr.rel @p0 .LBB2_32-.Ltmp15, $4  }
0x2f2: {  	v5 =	vld.idx.msk [tilespmem:v14+s3+$0x0], $0xffff  }
0x2f3: {  	v4 =	vld.idx.msk [tilespmem:v15+s3+$0x0], $0xffff  }
0x2f4: {  	v2 =	vld.idx.msk [tilespmem:v16+s3+$0x0], $0xffff  }
0x2f5: {  	s9 =	sadd.s32 $0x100, s9;
	v3 =	vld.idx.msk [tilespmem:v17+s3+$0x0], $0xffff  }
0x2f6: {  	_ =	sdelay $0x3  }
0x2f7: {  	[tilespmem:v9+s2+$0x0] =	vst.idx.msk $0xffff, v1  }
0x2f8: {  	[tilespmem:v8+s2+$0x0] =	vst.idx.msk $0xffff, v1  }
0x2f9: {  	[tilespmem:v7+s2+$0x0] =	vst.idx.msk $0xffff, v1  }
0x2fa: {  	[tilespmem:v6+s2+$0x0] =	vst.idx.msk $0xffff, v1  }
0x2fb: {  	[tilespmem:v5+s2+$0x0] =	vst.idx.msk $0xffff, v1  }
0x2fc: {  	[tilespmem:v4+s2+$0x0] =	vst.idx.msk $0xffff, v1  }
0x2fd: {  	[tilespmem:v2+s2+$0x0] =	vst.idx.msk $0xffff, v1  }
0x2fe: {  	[tilespmem:v3+s2+$0x0] =	vst.idx.msk $0xffff, v1  }
0x2ff: {  	[tilespmem:s1], [sflag:$0x2] =	stream.linear.gather [hbm4b:s21+s3], $0x1100, $0x38;
	[tilespmem:$0x1AA00] =	vst v63  }
0x300: {  	_ =	swait.ge [sflag:s0], $0x1100  }
0x301: {  	[sflag:s0] =	ssyncset.done $0x0  }
0x302: {  	s8 =	simm.s32 $0x187F0;
	[sflag:s0] =	ssyncadd.s32 $0xFFFFEF00  }
0x303: {  	v2 =	vld [tilespmem:s8+$0x0]  }
0x304: {  	v3 =	vld [tilespmem:s8+$0xFFFFFFA0]  }
0x305: {  	v4 =	vld [tilespmem:s8+$0xFFFFFFB0]  }
0x306: {  	v5 =	vld [tilespmem:s8+$0xFFFFFFC0]  }
0x307: {  	v10 =	vld [tilespmem:s8+$0xFFFFFFD0]  }
0x308: {  	v11 =	vld [tilespmem:s8+$0xFFFFFFE0]  }
0x309: {  	v12 =	vld [tilespmem:s8+$0xFFFFFFF0]  }
0x30a: {  	v13 =	vld [tilespmem:s8+$0xFFFFFF90]  }
0x30b: {  	v9 =	vld.idx.msk [tilespmem:v2+s3+$0x0], $0xffff  }
0x30c: {  	v8 =	vld.idx.msk [tilespmem:v3+s3+$0x0], $0xffff  }
0x30d: {  	v7 =	vld.idx.msk [tilespmem:v4+s3+$0x0], $0xffff  }
0x30e: {  	v6 =	vld.idx.msk [tilespmem:v5+s3+$0x0], $0xffff  }
0x30f: {  	v5 =	vld.idx.msk [tilespmem:v10+s3+$0x0], $0xffff  }
0x310: {  	v4 =	vld.idx.msk [tilespmem:v11+s3+$0x0], $0xffff  }
0x311: {  	v2 =	vld.idx.msk [tilespmem:v12+s3+$0x0], $0xffff  }
0x312: {  	s9 =	simm.s32 $0x188F0;
	s8 =	simm.s32 $0x0;
	v3 =	vld.idx.msk [tilespmem:v13+s3+$0x0], $0xffff  }
.LBB2_34:
0x313: {  	v10 =	vld [tilespmem:s9+$0x0];
	s8 =	sadd.s32 $0x8, s8;
	[tilespmem:v9+s2+$0x0] =	vst.idx.msk $0xffff, v1  }
0x314: {  	v11 =	vld [tilespmem:s9+$0xFFFFFFA0];
	p0 =	slt.u32 s8, $0x80;
	[tilespmem:v8+s2+$0x0] =	vst.idx.msk $0xffff, v1  }
0x315: {  	v12 =	vld [tilespmem:s9+$0xFFFFFFB0];
	[tilespmem:v7+s2+$0x0] =	vst.idx.msk $0xffff, v1  }
0x316: {  	v13 =	vld [tilespmem:s9+$0xFFFFFFC0];
	[tilespmem:v6+s2+$0x0] =	vst.idx.msk $0xffff, v1  }
0x317: {  	v14 =	vld [tilespmem:s9+$0xFFFFFFD0];
	[tilespmem:v5+s2+$0x0] =	vst.idx.msk $0xffff, v1  }
0x318: {  	v15 =	vld [tilespmem:s9+$0xFFFFFFE0];
	[tilespmem:v4+s2+$0x0] =	vst.idx.msk $0xffff, v1  }
0x319: {  	v16 =	vld [tilespmem:s9+$0xFFFFFFF0];
	[tilespmem:v2+s2+$0x0] =	vst.idx.msk $0xffff, v1  }
0x31a: {  	v17 =	vld [tilespmem:s9+$0xFFFFFF90];
	[tilespmem:v3+s2+$0x0] =	vst.idx.msk $0xffff, v1  }
0x31b: {  	v9 =	vld.idx.msk [tilespmem:v10+s3+$0x0], $0xffff  }
0x31c: {  	v8 =	vld.idx.msk [tilespmem:v11+s3+$0x0], $0xffff  }
0x31d: {  	v7 =	vld.idx.msk [tilespmem:v12+s3+$0x0], $0xffff  }
.Ltmp16:
0x31e: {  	v6 =	vld.idx.msk [tilespmem:v13+s3+$0x0], $0xffff;
	(pc) =	sbr.rel @p0 .LBB2_34-.Ltmp16, $4  }
0x31f: {  	v5 =	vld.idx.msk [tilespmem:v14+s3+$0x0], $0xffff  }
0x320: {  	v4 =	vld.idx.msk [tilespmem:v15+s3+$0x0], $0xffff  }
0x321: {  	v2 =	vld.idx.msk [tilespmem:v16+s3+$0x0], $0xffff  }
0x322: {  	s9 =	sadd.s32 $0x100, s9;
	v3 =	vld.idx.msk [tilespmem:v17+s3+$0x0], $0xffff  }
0x323: {  	_ =	sdelay $0x3  }
0x324: {  	[tilespmem:v9+s2+$0x0] =	vst.idx.msk $0xffff, v1  }
0x325: {  	[tilespmem:v8+s2+$0x0] =	vst.idx.msk $0xffff, v1  }
0x326: {  	[tilespmem:v7+s2+$0x0] =	vst.idx.msk $0xffff, v1  }
0x327: {  	[tilespmem:v6+s2+$0x0] =	vst.idx.msk $0xffff, v1  }
0x328: {  	[tilespmem:v5+s2+$0x0] =	vst.idx.msk $0xffff, v1  }
0x329: {  	[tilespmem:v4+s2+$0x0] =	vst.idx.msk $0xffff, v1  }
0x32a: {  	[tilespmem:v2+s2+$0x0] =	vst.idx.msk $0xffff, v1  }
0x32b: {  	[tilespmem:v3+s2+$0x0] =	vst.idx.msk $0xffff, v1  }
0x32c: {  	[tilespmem:s30], [sflag:$0x1] =	stream.linear.gather [hbm4b:s22+s3], $0x1100, $0x38;
	[tilespmem:$0x1AA00] =	vst v63  }
0x32d: {  	_ =	swait.ge [sflag:s5], $0x1100  }
0x32e: {  	[sflag:s5] =	ssyncset.done $0x0  }
0x32f: {  	s8 =	simm.s32 $0x198F0;
	[sflag:s5] =	ssyncadd.s32 $0xFFFFEF00  }
0x330: {  	v2 =	vld [tilespmem:s8+$0x0]  }
0x331: {  	v3 =	vld [tilespmem:s8+$0xFFFFFFA0]  }
0x332: {  	v4 =	vld [tilespmem:s8+$0xFFFFFFB0]  }
0x333: {  	v5 =	vld [tilespmem:s8+$0xFFFFFFC0]  }
0x334: {  	v10 =	vld [tilespmem:s8+$0xFFFFFFD0]  }
0x335: {  	v11 =	vld [tilespmem:s8+$0xFFFFFFE0]  }
0x336: {  	v12 =	vld [tilespmem:s8+$0xFFFFFFF0]  }
0x337: {  	v13 =	vld [tilespmem:s8+$0xFFFFFF90]  }
0x338: {  	v9 =	vld.idx.msk [tilespmem:v2+s3+$0x0], $0xffff  }
0x339: {  	v8 =	vld.idx.msk [tilespmem:v3+s3+$0x0], $0xffff  }
0x33a: {  	v7 =	vld.idx.msk [tilespmem:v4+s3+$0x0], $0xffff  }
0x33b: {  	v6 =	vld.idx.msk [tilespmem:v5+s3+$0x0], $0xffff  }
0x33c: {  	v5 =	vld.idx.msk [tilespmem:v10+s3+$0x0], $0xffff  }
0x33d: {  	v4 =	vld.idx.msk [tilespmem:v11+s3+$0x0], $0xffff  }
0x33e: {  	v2 =	vld.idx.msk [tilespmem:v12+s3+$0x0], $0xffff  }
0x33f: {  	s9 =	simm.s32 $0x199F0;
	s8 =	simm.s32 $0x0;
	v3 =	vld.idx.msk [tilespmem:v13+s3+$0x0], $0xffff  }
.LBB2_36:
0x340: {  	v10 =	vld [tilespmem:s9+$0x0];
	s8 =	sadd.s32 $0x8, s8;
	[tilespmem:v9+s2+$0x0] =	vst.idx.msk $0xffff, v1  }
0x341: {  	v11 =	vld [tilespmem:s9+$0xFFFFFFA0];
	p0 =	slt.u32 s8, $0x80;
	[tilespmem:v8+s2+$0x0] =	vst.idx.msk $0xffff, v1  }
0x342: {  	v12 =	vld [tilespmem:s9+$0xFFFFFFB0];
	[tilespmem:v7+s2+$0x0] =	vst.idx.msk $0xffff, v1  }
0x343: {  	v13 =	vld [tilespmem:s9+$0xFFFFFFC0];
	[tilespmem:v6+s2+$0x0] =	vst.idx.msk $0xffff, v1  }
0x344: {  	v14 =	vld [tilespmem:s9+$0xFFFFFFD0];
	[tilespmem:v5+s2+$0x0] =	vst.idx.msk $0xffff, v1  }
0x345: {  	v15 =	vld [tilespmem:s9+$0xFFFFFFE0];
	[tilespmem:v4+s2+$0x0] =	vst.idx.msk $0xffff, v1  }
0x346: {  	v16 =	vld [tilespmem:s9+$0xFFFFFFF0];
	[tilespmem:v2+s2+$0x0] =	vst.idx.msk $0xffff, v1  }
0x347: {  	v17 =	vld [tilespmem:s9+$0xFFFFFF90];
	[tilespmem:v3+s2+$0x0] =	vst.idx.msk $0xffff, v1  }
0x348: {  	v9 =	vld.idx.msk [tilespmem:v10+s3+$0x0], $0xffff  }
0x349: {  	v8 =	vld.idx.msk [tilespmem:v11+s3+$0x0], $0xffff  }
0x34a: {  	v7 =	vld.idx.msk [tilespmem:v12+s3+$0x0], $0xffff  }
.Ltmp17:
0x34b: {  	v6 =	vld.idx.msk [tilespmem:v13+s3+$0x0], $0xffff;
	(pc) =	sbr.rel @p0 .LBB2_36-.Ltmp17, $4  }
0x34c: {  	v5 =	vld.idx.msk [tilespmem:v14+s3+$0x0], $0xffff  }
0x34d: {  	v4 =	vld.idx.msk [tilespmem:v15+s3+$0x0], $0xffff  }
0x34e: {  	v2 =	vld.idx.msk [tilespmem:v16+s3+$0x0], $0xffff  }
0x34f: {  	s9 =	sadd.s32 $0x100, s9;
	v3 =	vld.idx.msk [tilespmem:v17+s3+$0x0], $0xffff  }
0x350: {  	_ =	sdelay $0x3  }
0x351: {  	[tilespmem:v9+s2+$0x0] =	vst.idx.msk $0xffff, v1  }
0x352: {  	[tilespmem:v8+s2+$0x0] =	vst.idx.msk $0xffff, v1  }
0x353: {  	[tilespmem:v7+s2+$0x0] =	vst.idx.msk $0xffff, v1  }
0x354: {  	[tilespmem:v6+s2+$0x0] =	vst.idx.msk $0xffff, v1  }
0x355: {  	[tilespmem:v5+s2+$0x0] =	vst.idx.msk $0xffff, v1  }
0x356: {  	[tilespmem:v4+s2+$0x0] =	vst.idx.msk $0xffff, v1  }
0x357: {  	[tilespmem:v2+s2+$0x0] =	vst.idx.msk $0xffff, v1  }
0x358: {  	[tilespmem:v3+s2+$0x0] =	vst.idx.msk $0xffff, v1  }
0x359: {  	[tilespmem:s1], [sflag:$0x2] =	stream.linear.gather [hbm4b:s23+s3], $0x1100, $0x38;
	[tilespmem:$0x1AA00] =	vst v63  }
0x35a: {  	_ =	swait.ge [sflag:s0], $0x1100  }
0x35b: {  	[sflag:s0] =	ssyncset.done $0x0  }
0x35c: {  	s8 =	simm.s32 $0x187F0;
	[sflag:s0] =	ssyncadd.s32 $0xFFFFEF00  }
0x35d: {  	v2 =	vld [tilespmem:s8+$0x0]  }
0x35e: {  	v3 =	vld [tilespmem:s8+$0xFFFFFFA0]  }
0x35f: {  	v4 =	vld [tilespmem:s8+$0xFFFFFFB0]  }
0x360: {  	v5 =	vld [tilespmem:s8+$0xFFFFFFC0]  }
0x361: {  	v10 =	vld [tilespmem:s8+$0xFFFFFFD0]  }
0x362: {  	v11 =	vld [tilespmem:s8+$0xFFFFFFE0]  }
0x363: {  	v12 =	vld [tilespmem:s8+$0xFFFFFFF0]  }
0x364: {  	v13 =	vld [tilespmem:s8+$0xFFFFFF90]  }
0x365: {  	v9 =	vld.idx.msk [tilespmem:v2+s3+$0x0], $0xffff  }
0x366: {  	v8 =	vld.idx.msk [tilespmem:v3+s3+$0x0], $0xffff  }
0x367: {  	v7 =	vld.idx.msk [tilespmem:v4+s3+$0x0], $0xffff  }
0x368: {  	v6 =	vld.idx.msk [tilespmem:v5+s3+$0x0], $0xffff  }
0x369: {  	v5 =	vld.idx.msk [tilespmem:v10+s3+$0x0], $0xffff  }
0x36a: {  	v4 =	vld.idx.msk [tilespmem:v11+s3+$0x0], $0xffff  }
0x36b: {  	v2 =	vld.idx.msk [tilespmem:v12+s3+$0x0], $0xffff  }
0x36c: {  	s9 =	simm.s32 $0x188F0;
	s8 =	simm.s32 $0x0;
	v3 =	vld.idx.msk [tilespmem:v13+s3+$0x0], $0xffff  }
.LBB2_38:
0x36d: {  	v10 =	vld [tilespmem:s9+$0x0];
	s8 =	sadd.s32 $0x8, s8;
	[tilespmem:v9+s2+$0x0] =	vst.idx.msk $0xffff, v1  }
0x36e: {  	v11 =	vld [tilespmem:s9+$0xFFFFFFA0];
	p0 =	slt.u32 s8, $0x80;
	[tilespmem:v8+s2+$0x0] =	vst.idx.msk $0xffff, v1  }
0x36f: {  	v12 =	vld [tilespmem:s9+$0xFFFFFFB0];
	[tilespmem:v7+s2+$0x0] =	vst.idx.msk $0xffff, v1  }
0x370: {  	v13 =	vld [tilespmem:s9+$0xFFFFFFC0];
	[tilespmem:v6+s2+$0x0] =	vst.idx.msk $0xffff, v1  }
0x371: {  	v14 =	vld [tilespmem:s9+$0xFFFFFFD0];
	[tilespmem:v5+s2+$0x0] =	vst.idx.msk $0xffff, v1  }
0x372: {  	v15 =	vld [tilespmem:s9+$0xFFFFFFE0];
	[tilespmem:v4+s2+$0x0] =	vst.idx.msk $0xffff, v1  }
0x373: {  	v16 =	vld [tilespmem:s9+$0xFFFFFFF0];
	[tilespmem:v2+s2+$0x0] =	vst.idx.msk $0xffff, v1  }
0x374: {  	v17 =	vld [tilespmem:s9+$0xFFFFFF90];
	[tilespmem:v3+s2+$0x0] =	vst.idx.msk $0xffff, v1  }
0x375: {  	v9 =	vld.idx.msk [tilespmem:v10+s3+$0x0], $0xffff  }
0x376: {  	v8 =	vld.idx.msk [tilespmem:v11+s3+$0x0], $0xffff  }
0x377: {  	v7 =	vld.idx.msk [tilespmem:v12+s3+$0x0], $0xffff  }
.Ltmp18:
0x378: {  	v6 =	vld.idx.msk [tilespmem:v13+s3+$0x0], $0xffff;
	(pc) =	sbr.rel @p0 .LBB2_38-.Ltmp18, $4  }
0x379: {  	v5 =	vld.idx.msk [tilespmem:v14+s3+$0x0], $0xffff  }
0x37a: {  	v4 =	vld.idx.msk [tilespmem:v15+s3+$0x0], $0xffff  }
0x37b: {  	v2 =	vld.idx.msk [tilespmem:v16+s3+$0x0], $0xffff  }
0x37c: {  	s9 =	sadd.s32 $0x100, s9;
	v3 =	vld.idx.msk [tilespmem:v17+s3+$0x0], $0xffff  }
0x37d: {  	_ =	sdelay $0x3  }
0x37e: {  	[tilespmem:v9+s2+$0x0] =	vst.idx.msk $0xffff, v1  }
0x37f: {  	[tilespmem:v8+s2+$0x0] =	vst.idx.msk $0xffff, v1  }
0x380: {  	[tilespmem:v7+s2+$0x0] =	vst.idx.msk $0xffff, v1  }
0x381: {  	[tilespmem:v6+s2+$0x0] =	vst.idx.msk $0xffff, v1  }
0x382: {  	[tilespmem:v5+s2+$0x0] =	vst.idx.msk $0xffff, v1  }
0x383: {  	[tilespmem:v4+s2+$0x0] =	vst.idx.msk $0xffff, v1  }
0x384: {  	[tilespmem:v2+s2+$0x0] =	vst.idx.msk $0xffff, v1  }
0x385: {  	[tilespmem:v3+s2+$0x0] =	vst.idx.msk $0xffff, v1  }
0x386: {  	[tilespmem:s30], [sflag:$0x1] =	stream.linear.gather [hbm4b:s26+s3], $0x1100, $0x38;
	[tilespmem:$0x1AA00] =	vst v63  }
0x387: {  	_ =	swait.ge [sflag:s5], $0x1100  }
0x388: {  	[sflag:s5] =	ssyncset.done $0x0  }
0x389: {  	s8 =	simm.s32 $0x198F0;
	[sflag:s5] =	ssyncadd.s32 $0xFFFFEF00  }
0x38a: {  	v2 =	vld [tilespmem:s8+$0x0]  }
0x38b: {  	v3 =	vld [tilespmem:s8+$0xFFFFFFA0]  }
0x38c: {  	v4 =	vld [tilespmem:s8+$0xFFFFFFB0]  }
0x38d: {  	v5 =	vld [tilespmem:s8+$0xFFFFFFC0]  }
0x38e: {  	v10 =	vld [tilespmem:s8+$0xFFFFFFD0]  }
0x38f: {  	v11 =	vld [tilespmem:s8+$0xFFFFFFE0]  }
0x390: {  	v12 =	vld [tilespmem:s8+$0xFFFFFFF0]  }
0x391: {  	v13 =	vld [tilespmem:s8+$0xFFFFFF90]  }
0x392: {  	v9 =	vld.idx.msk [tilespmem:v2+s3+$0x0], $0xffff  }
0x393: {  	v8 =	vld.idx.msk [tilespmem:v3+s3+$0x0], $0xffff  }
0x394: {  	v7 =	vld.idx.msk [tilespmem:v4+s3+$0x0], $0xffff  }
0x395: {  	v6 =	vld.idx.msk [tilespmem:v5+s3+$0x0], $0xffff  }
0x396: {  	v5 =	vld.idx.msk [tilespmem:v10+s3+$0x0], $0xffff  }
0x397: {  	v4 =	vld.idx.msk [tilespmem:v11+s3+$0x0], $0xffff  }
0x398: {  	v2 =	vld.idx.msk [tilespmem:v12+s3+$0x0], $0xffff  }
0x399: {  	s9 =	simm.s32 $0x199F0;
	s8 =	simm.s32 $0x0;
	v3 =	vld.idx.msk [tilespmem:v13+s3+$0x0], $0xffff  }
.LBB2_40:
0x39a: {  	v10 =	vld [tilespmem:s9+$0x0];
	s8 =	sadd.s32 $0x8, s8;
	[tilespmem:v9+s2+$0x0] =	vst.idx.msk $0xffff, v1  }
0x39b: {  	v11 =	vld [tilespmem:s9+$0xFFFFFFA0];
	p0 =	slt.u32 s8, $0x80;
	[tilespmem:v8+s2+$0x0] =	vst.idx.msk $0xffff, v1  }
0x39c: {  	v12 =	vld [tilespmem:s9+$0xFFFFFFB0];
	[tilespmem:v7+s2+$0x0] =	vst.idx.msk $0xffff, v1  }
0x39d: {  	v13 =	vld [tilespmem:s9+$0xFFFFFFC0];
	[tilespmem:v6+s2+$0x0] =	vst.idx.msk $0xffff, v1  }
0x39e: {  	v14 =	vld [tilespmem:s9+$0xFFFFFFD0];
	[tilespmem:v5+s2+$0x0] =	vst.idx.msk $0xffff, v1  }
0x39f: {  	v15 =	vld [tilespmem:s9+$0xFFFFFFE0];
	[tilespmem:v4+s2+$0x0] =	vst.idx.msk $0xffff, v1  }
0x3a0: {  	v16 =	vld [tilespmem:s9+$0xFFFFFFF0];
	[tilespmem:v2+s2+$0x0] =	vst.idx.msk $0xffff, v1  }
0x3a1: {  	v17 =	vld [tilespmem:s9+$0xFFFFFF90];
	[tilespmem:v3+s2+$0x0] =	vst.idx.msk $0xffff, v1  }
0x3a2: {  	v9 =	vld.idx.msk [tilespmem:v10+s3+$0x0], $0xffff  }
0x3a3: {  	v8 =	vld.idx.msk [tilespmem:v11+s3+$0x0], $0xffff  }
0x3a4: {  	v7 =	vld.idx.msk [tilespmem:v12+s3+$0x0], $0xffff  }
.Ltmp19:
0x3a5: {  	v6 =	vld.idx.msk [tilespmem:v13+s3+$0x0], $0xffff;
	(pc) =	sbr.rel @p0 .LBB2_40-.Ltmp19, $4  }
0x3a6: {  	v5 =	vld.idx.msk [tilespmem:v14+s3+$0x0], $0xffff  }
0x3a7: {  	v4 =	vld.idx.msk [tilespmem:v15+s3+$0x0], $0xffff  }
0x3a8: {  	v2 =	vld.idx.msk [tilespmem:v16+s3+$0x0], $0xffff  }
0x3a9: {  	s9 =	sadd.s32 $0x100, s9;
	v3 =	vld.idx.msk [tilespmem:v17+s3+$0x0], $0xffff  }
0x3aa: {  	_ =	sdelay $0x3  }
0x3ab: {  	[tilespmem:v9+s2+$0x0] =	vst.idx.msk $0xffff, v1  }
0x3ac: {  	[tilespmem:v8+s2+$0x0] =	vst.idx.msk $0xffff, v1  }
0x3ad: {  	[tilespmem:v7+s2+$0x0] =	vst.idx.msk $0xffff, v1  }
0x3ae: {  	[tilespmem:v6+s2+$0x0] =	vst.idx.msk $0xffff, v1  }
0x3af: {  	[tilespmem:v5+s2+$0x0] =	vst.idx.msk $0xffff, v1  }
0x3b0: {  	[tilespmem:v4+s2+$0x0] =	vst.idx.msk $0xffff, v1  }
0x3b1: {  	[tilespmem:v2+s2+$0x0] =	vst.idx.msk $0xffff, v1  }
0x3b2: {  	[tilespmem:v3+s2+$0x0] =	vst.idx.msk $0xffff, v1  }
0x3b3: {  	[tilespmem:s1], [sflag:$0x2] =	stream.linear.gather [hbm4b:s28+s3], $0x1100, $0x38;
	[tilespmem:$0x1AA00] =	vst v63  }
0x3b4: {  	_ =	swait.ge [sflag:s0], $0x1100  }
0x3b5: {  	[sflag:s0] =	ssyncset.done $0x0  }
0x3b6: {  	s8 =	simm.s32 $0x187F0;
	[sflag:s0] =	ssyncadd.s32 $0xFFFFEF00  }
0x3b7: {  	v2 =	vld [tilespmem:s8+$0x0]  }
0x3b8: {  	v3 =	vld [tilespmem:s8+$0xFFFFFFA0]  }
0x3b9: {  	v4 =	vld [tilespmem:s8+$0xFFFFFFB0]  }
0x3ba: {  	v5 =	vld [tilespmem:s8+$0xFFFFFFC0]  }
0x3bb: {  	v10 =	vld [tilespmem:s8+$0xFFFFFFD0]  }
0x3bc: {  	v11 =	vld [tilespmem:s8+$0xFFFFFFE0]  }
0x3bd: {  	v12 =	vld [tilespmem:s8+$0xFFFFFFF0]  }
0x3be: {  	v13 =	vld [tilespmem:s8+$0xFFFFFF90]  }
0x3bf: {  	v9 =	vld.idx.msk [tilespmem:v2+s3+$0x0], $0xffff  }
0x3c0: {  	v8 =	vld.idx.msk [tilespmem:v3+s3+$0x0], $0xffff  }
0x3c1: {  	v7 =	vld.idx.msk [tilespmem:v4+s3+$0x0], $0xffff  }
0x3c2: {  	v6 =	vld.idx.msk [tilespmem:v5+s3+$0x0], $0xffff  }
0x3c3: {  	v5 =	vld.idx.msk [tilespmem:v10+s3+$0x0], $0xffff  }
0x3c4: {  	v4 =	vld.idx.msk [tilespmem:v11+s3+$0x0], $0xffff  }
0x3c5: {  	v2 =	vld.idx.msk [tilespmem:v12+s3+$0x0], $0xffff  }
0x3c6: {  	s9 =	simm.s32 $0x188F0;
	s8 =	simm.s32 $0x0;
	v3 =	vld.idx.msk [tilespmem:v13+s3+$0x0], $0xffff  }
.LBB2_42:
0x3c7: {  	v10 =	vld [tilespmem:s9+$0x0];
	s8 =	sadd.s32 $0x8, s8;
	[tilespmem:v9+s2+$0x0] =	vst.idx.msk $0xffff, v1  }
0x3c8: {  	v11 =	vld [tilespmem:s9+$0xFFFFFFA0];
	p0 =	slt.u32 s8, $0x80;
	[tilespmem:v8+s2+$0x0] =	vst.idx.msk $0xffff, v1  }
0x3c9: {  	v12 =	vld [tilespmem:s9+$0xFFFFFFB0];
	[tilespmem:v7+s2+$0x0] =	vst.idx.msk $0xffff, v1  }
0x3ca: {  	v13 =	vld [tilespmem:s9+$0xFFFFFFC0];
	[tilespmem:v6+s2+$0x0] =	vst.idx.msk $0xffff, v1  }
0x3cb: {  	v14 =	vld [tilespmem:s9+$0xFFFFFFD0];
	[tilespmem:v5+s2+$0x0] =	vst.idx.msk $0xffff, v1  }
0x3cc: {  	v15 =	vld [tilespmem:s9+$0xFFFFFFE0];
	[tilespmem:v4+s2+$0x0] =	vst.idx.msk $0xffff, v1  }
0x3cd: {  	v16 =	vld [tilespmem:s9+$0xFFFFFFF0];
	[tilespmem:v2+s2+$0x0] =	vst.idx.msk $0xffff, v1  }
0x3ce: {  	v17 =	vld [tilespmem:s9+$0xFFFFFF90];
	[tilespmem:v3+s2+$0x0] =	vst.idx.msk $0xffff, v1  }
0x3cf: {  	v9 =	vld.idx.msk [tilespmem:v10+s3+$0x0], $0xffff  }
0x3d0: {  	v8 =	vld.idx.msk [tilespmem:v11+s3+$0x0], $0xffff  }
0x3d1: {  	v7 =	vld.idx.msk [tilespmem:v12+s3+$0x0], $0xffff  }
.Ltmp20:
0x3d2: {  	v6 =	vld.idx.msk [tilespmem:v13+s3+$0x0], $0xffff;
	(pc) =	sbr.rel @p0 .LBB2_42-.Ltmp20, $4  }
0x3d3: {  	v5 =	vld.idx.msk [tilespmem:v14+s3+$0x0], $0xffff  }
0x3d4: {  	v4 =	vld.idx.msk [tilespmem:v15+s3+$0x0], $0xffff  }
0x3d5: {  	v2 =	vld.idx.msk [tilespmem:v16+s3+$0x0], $0xffff  }
0x3d6: {  	s9 =	sadd.s32 $0x100, s9;
	v3 =	vld.idx.msk [tilespmem:v17+s3+$0x0], $0xffff  }
0x3d7: {  	_ =	sdelay $0x3  }
0x3d8: {  	[tilespmem:v9+s2+$0x0] =	vst.idx.msk $0xffff, v1  }
0x3d9: {  	[tilespmem:v8+s2+$0x0] =	vst.idx.msk $0xffff, v1  }
0x3da: {  	[tilespmem:v7+s2+$0x0] =	vst.idx.msk $0xffff, v1  }
0x3db: {  	[tilespmem:v6+s2+$0x0] =	vst.idx.msk $0xffff, v1  }
0x3dc: {  	[tilespmem:v5+s2+$0x0] =	vst.idx.msk $0xffff, v1  }
0x3dd: {  	[tilespmem:v4+s2+$0x0] =	vst.idx.msk $0xffff, v1  }
0x3de: {  	[tilespmem:v2+s2+$0x0] =	vst.idx.msk $0xffff, v1  }
0x3df: {  	[tilespmem:v3+s2+$0x0] =	vst.idx.msk $0xffff, v1  }
0x3e0: {  	[tilespmem:s30], [sflag:$0x1] =	stream.linear.gather [hbm4b:s29+s3], $0x1100, $0x38;
	[tilespmem:$0x1AA00] =	vst v63  }
0x3e1: {  	_ =	swait.ge [sflag:s5], $0x1100  }
0x3e2: {  	[sflag:s5] =	ssyncset.done $0x0  }
0x3e3: {  	s8 =	simm.s32 $0x198F0;
	[sflag:s5] =	ssyncadd.s32 $0xFFFFEF00  }
0x3e4: {  	v2 =	vld [tilespmem:s8+$0x0]  }
0x3e5: {  	v3 =	vld [tilespmem:s8+$0xFFFFFFA0]  }
0x3e6: {  	v4 =	vld [tilespmem:s8+$0xFFFFFFB0]  }
0x3e7: {  	v5 =	vld [tilespmem:s8+$0xFFFFFFC0]  }
0x3e8: {  	v10 =	vld [tilespmem:s8+$0xFFFFFFD0]  }
0x3e9: {  	v11 =	vld [tilespmem:s8+$0xFFFFFFE0]  }
0x3ea: {  	v12 =	vld [tilespmem:s8+$0xFFFFFFF0]  }
0x3eb: {  	v13 =	vld [tilespmem:s8+$0xFFFFFF90]  }
0x3ec: {  	v9 =	vld.idx.msk [tilespmem:v2+s3+$0x0], $0xffff  }
0x3ed: {  	v8 =	vld.idx.msk [tilespmem:v3+s3+$0x0], $0xffff  }
0x3ee: {  	v7 =	vld.idx.msk [tilespmem:v4+s3+$0x0], $0xffff  }
0x3ef: {  	v6 =	vld.idx.msk [tilespmem:v5+s3+$0x0], $0xffff  }
0x3f0: {  	v5 =	vld.idx.msk [tilespmem:v10+s3+$0x0], $0xffff  }
0x3f1: {  	v4 =	vld.idx.msk [tilespmem:v11+s3+$0x0], $0xffff  }
0x3f2: {  	v2 =	vld.idx.msk [tilespmem:v12+s3+$0x0], $0xffff  }
0x3f3: {  	s9 =	simm.s32 $0x199F0;
	s8 =	simm.s32 $0x0;
	v3 =	vld.idx.msk [tilespmem:v13+s3+$0x0], $0xffff  }
.LBB2_44:
0x3f4: {  	v10 =	vld [tilespmem:s9+$0x0];
	s8 =	sadd.s32 $0x8, s8;
	[tilespmem:v9+s2+$0x0] =	vst.idx.msk $0xffff, v1  }
0x3f5: {  	v11 =	vld [tilespmem:s9+$0xFFFFFFA0];
	p0 =	slt.u32 s8, $0x80;
	[tilespmem:v8+s2+$0x0] =	vst.idx.msk $0xffff, v1  }
0x3f6: {  	v12 =	vld [tilespmem:s9+$0xFFFFFFB0];
	[tilespmem:v7+s2+$0x0] =	vst.idx.msk $0xffff, v1  }
0x3f7: {  	v13 =	vld [tilespmem:s9+$0xFFFFFFC0];
	[tilespmem:v6+s2+$0x0] =	vst.idx.msk $0xffff, v1  }
0x3f8: {  	v14 =	vld [tilespmem:s9+$0xFFFFFFD0];
	[tilespmem:v5+s2+$0x0] =	vst.idx.msk $0xffff, v1  }
0x3f9: {  	v15 =	vld [tilespmem:s9+$0xFFFFFFE0];
	[tilespmem:v4+s2+$0x0] =	vst.idx.msk $0xffff, v1  }
0x3fa: {  	v16 =	vld [tilespmem:s9+$0xFFFFFFF0];
	[tilespmem:v2+s2+$0x0] =	vst.idx.msk $0xffff, v1  }
0x3fb: {  	v17 =	vld [tilespmem:s9+$0xFFFFFF90];
	[tilespmem:v3+s2+$0x0] =	vst.idx.msk $0xffff, v1  }
0x3fc: {  	v9 =	vld.idx.msk [tilespmem:v10+s3+$0x0], $0xffff  }
0x3fd: {  	v8 =	vld.idx.msk [tilespmem:v11+s3+$0x0], $0xffff  }
0x3fe: {  	v7 =	vld.idx.msk [tilespmem:v12+s3+$0x0], $0xffff  }
.Ltmp21:
0x3ff: {  	v6 =	vld.idx.msk [tilespmem:v13+s3+$0x0], $0xffff;
	(pc) =	sbr.rel @p0 .LBB2_44-.Ltmp21, $4  }
0x400: {  	v5 =	vld.idx.msk [tilespmem:v14+s3+$0x0], $0xffff  }
0x401: {  	v4 =	vld.idx.msk [tilespmem:v15+s3+$0x0], $0xffff  }
0x402: {  	v2 =	vld.idx.msk [tilespmem:v16+s3+$0x0], $0xffff  }
0x403: {  	s9 =	sadd.s32 $0x100, s9;
	v3 =	vld.idx.msk [tilespmem:v17+s3+$0x0], $0xffff  }
0x404: {  	_ =	sdelay $0x3  }
0x405: {  	[tilespmem:v9+s2+$0x0] =	vst.idx.msk $0xffff, v1  }
0x406: {  	[tilespmem:v8+s2+$0x0] =	vst.idx.msk $0xffff, v1  }
0x407: {  	[tilespmem:v7+s2+$0x0] =	vst.idx.msk $0xffff, v1  }
0x408: {  	[tilespmem:v6+s2+$0x0] =	vst.idx.msk $0xffff, v1  }
0x409: {  	[tilespmem:v5+s2+$0x0] =	vst.idx.msk $0xffff, v1  }
0x40a: {  	[tilespmem:v4+s2+$0x0] =	vst.idx.msk $0xffff, v1  }
0x40b: {  	[tilespmem:v2+s2+$0x0] =	vst.idx.msk $0xffff, v1  }
0x40c: {  	[tilespmem:v3+s2+$0x0] =	vst.idx.msk $0xffff, v1  }
0x40d: {  	_ =	swait.ge [sflag:s0], $0x1100  }
0x40e: {  	[sflag:s0] =	ssyncset.done $0x0  }
0x40f: {  	s8 =	simm.s32 $0x187F0;
	[sflag:s0] =	ssyncadd.s32 $0xFFFFEF00  }
0x410: {  	v2 =	vld [tilespmem:s8+$0x0]  }
0x411: {  	v3 =	vld [tilespmem:s8+$0xFFFFFFA0]  }
0x412: {  	v4 =	vld [tilespmem:s8+$0xFFFFFFB0]  }
0x413: {  	v5 =	vld [tilespmem:s8+$0xFFFFFFC0]  }
0x414: {  	v10 =	vld [tilespmem:s8+$0xFFFFFFD0]  }
0x415: {  	v11 =	vld [tilespmem:s8+$0xFFFFFFE0]  }
0x416: {  	v12 =	vld [tilespmem:s8+$0xFFFFFFF0]  }
0x417: {  	v13 =	vld [tilespmem:s8+$0xFFFFFF90]  }
0x418: {  	v9 =	vld.idx.msk [tilespmem:v2+s3+$0x0], $0xffff  }
0x419: {  	v8 =	vld.idx.msk [tilespmem:v3+s3+$0x0], $0xffff  }
0x41a: {  	v7 =	vld.idx.msk [tilespmem:v4+s3+$0x0], $0xffff  }
0x41b: {  	v6 =	vld.idx.msk [tilespmem:v5+s3+$0x0], $0xffff  }
0x41c: {  	v5 =	vld.idx.msk [tilespmem:v10+s3+$0x0], $0xffff  }
0x41d: {  	v4 =	vld.idx.msk [tilespmem:v11+s3+$0x0], $0xffff  }
0x41e: {  	v2 =	vld.idx.msk [tilespmem:v12+s3+$0x0], $0xffff  }
0x41f: {  	s9 =	simm.s32 $0x188F0;
	s8 =	simm.s32 $0x0;
	v3 =	vld.idx.msk [tilespmem:v13+s3+$0x0], $0xffff  }
.LBB2_46:
0x420: {  	v10 =	vld [tilespmem:s9+$0x0];
	s8 =	sadd.s32 $0x8, s8;
	[tilespmem:v9+s2+$0x0] =	vst.idx.msk $0xffff, v1  }
0x421: {  	v11 =	vld [tilespmem:s9+$0xFFFFFFA0];
	p0 =	slt.u32 s8, $0x80;
	[tilespmem:v8+s2+$0x0] =	vst.idx.msk $0xffff, v1  }
0x422: {  	v12 =	vld [tilespmem:s9+$0xFFFFFFB0];
	[tilespmem:v7+s2+$0x0] =	vst.idx.msk $0xffff, v1  }
0x423: {  	v13 =	vld [tilespmem:s9+$0xFFFFFFC0];
	[tilespmem:v6+s2+$0x0] =	vst.idx.msk $0xffff, v1  }
0x424: {  	v14 =	vld [tilespmem:s9+$0xFFFFFFD0];
	[tilespmem:v5+s2+$0x0] =	vst.idx.msk $0xffff, v1  }
0x425: {  	v15 =	vld [tilespmem:s9+$0xFFFFFFE0];
	[tilespmem:v4+s2+$0x0] =	vst.idx.msk $0xffff, v1  }
0x426: {  	v16 =	vld [tilespmem:s9+$0xFFFFFFF0];
	[tilespmem:v2+s2+$0x0] =	vst.idx.msk $0xffff, v1  }
0x427: {  	v17 =	vld [tilespmem:s9+$0xFFFFFF90];
	[tilespmem:v3+s2+$0x0] =	vst.idx.msk $0xffff, v1  }
0x428: {  	v9 =	vld.idx.msk [tilespmem:v10+s3+$0x0], $0xffff  }
0x429: {  	v8 =	vld.idx.msk [tilespmem:v11+s3+$0x0], $0xffff  }
0x42a: {  	v7 =	vld.idx.msk [tilespmem:v12+s3+$0x0], $0xffff  }
.Ltmp22:
0x42b: {  	v6 =	vld.idx.msk [tilespmem:v13+s3+$0x0], $0xffff;
	(pc) =	sbr.rel @p0 .LBB2_46-.Ltmp22, $4  }
0x42c: {  	v5 =	vld.idx.msk [tilespmem:v14+s3+$0x0], $0xffff  }
0x42d: {  	v4 =	vld.idx.msk [tilespmem:v15+s3+$0x0], $0xffff  }
0x42e: {  	v2 =	vld.idx.msk [tilespmem:v16+s3+$0x0], $0xffff  }
0x42f: {  	s9 =	sadd.s32 $0x100, s9;
	v3 =	vld.idx.msk [tilespmem:v17+s3+$0x0], $0xffff  }
0x430: {  	_ =	sdelay $0x3  }
0x431: {  	[tilespmem:v9+s2+$0x0] =	vst.idx.msk $0xffff, v1  }
0x432: {  	[tilespmem:v8+s2+$0x0] =	vst.idx.msk $0xffff, v1  }
0x433: {  	[tilespmem:v7+s2+$0x0] =	vst.idx.msk $0xffff, v1  }
0x434: {  	[tilespmem:v6+s2+$0x0] =	vst.idx.msk $0xffff, v1  }
0x435: {  	[tilespmem:v5+s2+$0x0] =	vst.idx.msk $0xffff, v1  }
0x436: {  	s7 =	sadd.s32 $0x1, s7;
	[tilespmem:v4+s2+$0x0] =	vst.idx.msk $0xffff, v1  }
0x437: {  	p0 =	sne.s32 s7, s25;
	[tilespmem:v2+s2+$0x0] =	vst.idx.msk $0xffff, v1  }
.Ltmp23:
0x438: {  	[tilespmem:v3+s2+$0x0] =	vst.idx.msk $0xffff, v1;
	(pc) =	sbr.rel @p0 .LBB2_1-.Ltmp23, $4  }
0x439: {  	[hbm4b:s24+s3] =	stream.linear.scatter [tilespmem:s2], [sflag:$0x4], $0x100, $0x38;
	[tilespmem:$0x1AA00] =	vst v63  }
0x43a: {  	_ =	swait.ge [sflag:s6], $0x100  }
0x43b: {  	[sflag:s6] =	ssyncset.done $0x0  }
0x43c: {  	[sflag:s6] =	ssyncadd.s32 $0xFFFFFF00  }
0x43d: {  	_ =	sfence.sel $0x180000  }
0x43e: {  	[bflag:$0x0] =	sbarrier.arrive $0xFFFF  }
0x43f: {  	_ =	strace $0x90000047  }
0x440: {  	s0 =	stileid.u32;
	[bflag:$0x2] =	sbarrier.arrive $0xFFFF  }
0x441: {  	p0 =	sne.s32 s0, $0x0;
	s0 =	rddreg [dreg:$0x3]  }
0x442: {  	s0 =	sadd.s32 @!p0 $0x100000, s0  }
0x443: {  	[sflag:s0] =	ssyncadd.tile.s32 @!p0 $0x1;
	_ =	shalt  }
.Lfunc_end2:
_tile_overlayer_lowered:
.L_overlay_start_2:
0x444: {  	(tag) =	ssettag $0x2  }
0x445: {  	s0 =	rddreg [dreg:$0x0];
	s2 =	stileid.u32  }
0x446: {  	s1 =	rddreg [dreg:$0x1];
	p0 =	sne.s32 s2, $0x0  }
0x447: {  	s3 =	rddreg [dreg:$0x2];
	[bflag:$0x3] =	sbarrier.arrive $0xFFFF;
	s2 =	simm.s32 @!p0 $0x1C04  }
0x448: {  	[timem:s3], [sflag:s2] =	dma.local @!p0 [hbm:s0], s1  }
0x449: {  	s0 =	simm.s32 @!p0 $0x4  }
0x44a: {  	_ =	swait.ge @!p0 [sflag:s0], s1  }
0x44b: {  	s1 =	ssub.s32 @!p0 $0x0, s1;
	[sflag:s0] =	ssyncset.done @!p0 $0x0  }
0x44c: {  	[sflag:s0] =	ssyncadd.s32 @!p0 s1  }
0x44d: {  	[bflag:$0x3] =	sbarrier.arrive $0xFFFF  }
0x44e: {  	_ =	shalt  }

// kernel: kernel.8.cloned.1.call-start
scs
__scs_entry_jumppad:
0x0: {  	(pc) =	sbr.rel $0x88, $3  }
0x1: {  	(tag) =	ssettag $0x0;
	lr =	simm.s32 $0x1  }
0x2: {  	[smem:$0x3F99] =	sst lr;
	_ =	strace $0xD0000000  }
0x3: {  	_ = 	snop  }
0x4: {  	_ = 	snop  }
0x5: {  	_ = 	snop  }
0x6: {  	_ = 	snop  }
0x7: {  	_ = 	snop  }
__scs_overlays_trampoline_lowered:
0x8: {  	[smem:$0x3FA8] =	sst s0  }
0x9: {  	[smem:$0x3FA9] =	sst s1  }
0xa: {  	[smem:$0x3FAA] =	sst s2  }
0xb: {  	[smem:$0x3FAB] =	sst s3  }
0xc: {  	[smem:$0x3FAC] =	sst s4  }
0xd: {  	[smem:$0x3FAD] =	sst s5  }
0xe: {  	[smem:$0x3FAE] =	sst s6  }
0xf: {  	[smem:$0x3FAF] =	sst s7  }
0x10: {  	[smem:$0x3FB0] =	sst s8  }
0x11: {  	[smem:$0x3FB1] =	sst s9;
	s0 =	simm.s32 @!p0 $0x0  }
0x12: {  	s1 =	sld [smem:$0x3F97];
	s0 =	simm.s32 @p0 $0x1  }
0x13: {  	[smem:$0x3FB2] =	sst s0;
	s0 =	simm.s32 @!p1 $0x0  }
0x14: {  	s2 =	sld [smem:$0x3F96];
	s0 =	simm.s32 @p1 $0x1  }
0x15: {  	[smem:$0x3FB3] =	sst s0;
	s0 =	simm.s32 @!p2 $0x0  }
0x16: {  	s3 =	sld [smem:$0x3FDB];
	s0 =	simm.s32 @p2 $0x1  }
0x17: {  	s4 =	simm.s32 $0x1BF5;
	[smem:$0x3FB5] =	sst s0  }
0x18: {  	s0 =	sld [smem:$0x3F98];
	_ =	swait.ge [sflag:s4], $0x0  }
0x19: {  	s7 =	sld [smem:$0x3F99]  }
0x1a: {  	s8 =	sadd.s32 $0xFFFFE003, lr  }
0x1b: {  	s9 =	sadd.s32 $0xFFFFFEF7, lr;
	s5 =	simm.s32 $0xFFFFFFFF;
	p2 =	slt.u32 s8, $0xFFFFF086  }
0x1c: {  	p1 =	slt.u32 s9, $0xF7A;
	s5 =	simm.s32 @!p2 $0x0  }
0x1d: {  	s5 =	simm.s32 @p1 $0x1;
	p0 =	seq.s32 s7, s2  }
0x1e: {  	s7 =	smul.u32 @!p0 $0xF7A, s2;
	p2 =	seq.s32 @!p0 s5, $0x0  }
0x1f: {  	s9 =	smul.u32 $0xF7A, s1;
	s8 =	simm.s32 @!p0 $0x1BF5;
	p2 =	por !p2, p0  }
0x20: {  	[sflag:s8] =	ssyncset.s32 @!p0 $0xFFFFF086;
	s6 =	sadd.s32 @!p0 s3, s7;
	s7 =	simm.s32 @!p0 $0x108  }
0x21: {  	s3 =	sadd.s32 s3, s9;
	s6 =	sadd.s32 @!p0 $0x88, s6;
	s7 =	simm.s32 @p2 $0x1082  }
0x22: {  	[simem:s7], [sflag:s8] =	dma.local @!p0 [hbm:s6], $0xF7A  }
0x23: {  	s9 =	sor.u32 $0xD0000000, s2;
	s6 =	simm.s32 $0x108;
	_ =	swait.ge @!p0 [sflag:s8], $0x0  }
0x24: {  	s3 =	sadd.s32 $0x88, s3;
	s6 =	simm.s32 @!p1 $0x1082;
	[sflag:s4] =	ssyncset.s32 $0xFFFFF086  }
0x25: {  	[simem:s6], [sflag:s4] =	dma.local [hbm:s3], $0xF7A  }
0x26: {  	[smem:$0x3F99] =	sst s1;
	(tag) =	ssettag s2;
	_ =	strace s9  }
0x27: {  	s1 =	sld [smem:$0x3FA9]  }
0x28: {  	s2 =	sld [smem:$0x3FAA]  }
0x29: {  	s4 =	sld [smem:$0x3FAC]  }
0x2a: {  	p0 =	seq.s32 s5, $0x0;
	s5 =	sld [smem:$0x3FAD]  }
0x2b: {  	s6 =	sld [smem:$0x3FAE]  }
0x2c: {  	s7 =	sld [smem:$0x3FAF]  }
0x2d: {  	s3 =	simm.s32 $0x108;
	s8 =	sld [smem:$0x3FB0]  }
0x2e: {  	s3 =	simm.s32 @!p0 $0x1082;
	s9 =	sld [smem:$0x3FB1]  }
0x2f: {  	lr =	sadd.s32 s0, s3;
	s0 =	sld [smem:$0x3FA8]  }
0x30: {  	s3 =	sld [smem:$0x3FAB]  }
0x31: {  	[smem:$0x3FB4] =	sst s10  }
0x32: {  	s10 =	sld [smem:$0x3FB2];
	_ =	sdelay $0x3  }
0x33: {  	p0 =	seq.s32 s10, $0x1;
	s10 =	sld [smem:$0x3FB4];
	_ =	sdelay $0x3  }
0x34: {  	[smem:$0x3FB4] =	sst s10  }
0x35: {  	s10 =	sld [smem:$0x3FB3];
	_ =	sdelay $0x3  }
0x36: {  	p1 =	seq.s32 s10, $0x1;
	s10 =	sld [smem:$0x3FB4];
	_ =	sdelay $0x3  }
0x37: {  	[smem:$0x3FB4] =	sst s10  }
0x38: {  	s10 =	sld [smem:$0x3FB5]  }
0x39: {  	_ = 	snop;
	(pc) =	sbr.ind lr, $3  }
0x3a: {  	_ = 	snop  }
0x3b: {  	_ = 	snop  }
0x3c: {  	p2 =	seq.s32 s10, $0x1;
	s10 =	sld [smem:$0x3FB4]  }
0x3d: {  	_ =	shalt  }
0x3e: {  	_ =	shalt  }
0x3f: {  	_ =	shalt  }
0x40: {  	_ =	shalt  }
0x41: {  	_ =	shalt  }
0x42: {  	_ =	shalt  }
0x43: {  	_ =	shalt  }
0x44: {  	_ =	shalt  }
0x45: {  	_ =	shalt  }
0x46: {  	_ =	shalt  }
0x47: {  	_ =	shalt  }
0x48: {  	_ =	shalt  }
0x49: {  	_ =	shalt  }
0x4a: {  	_ =	shalt  }
0x4b: {  	_ =	shalt  }
0x4c: {  	_ =	shalt  }
0x4d: {  	_ =	shalt  }
0x4e: {  	_ =	shalt  }
0x4f: {  	_ =	shalt  }
0x50: {  	_ =	shalt  }
0x51: {  	_ =	shalt  }
0x52: {  	_ =	shalt  }
0x53: {  	_ =	shalt  }
0x54: {  	_ =	shalt  }
0x55: {  	_ =	shalt  }
0x56: {  	_ =	shalt  }
0x57: {  	_ =	shalt  }
0x58: {  	_ =	shalt  }
0x59: {  	_ =	shalt  }
0x5a: {  	_ =	shalt  }
0x5b: {  	_ =	shalt  }
0x5c: {  	_ =	shalt  }
0x5d: {  	_ =	shalt  }
0x5e: {  	_ =	shalt  }
0x5f: {  	_ =	shalt  }
0x60: {  	_ =	shalt  }
0x61: {  	_ =	shalt  }
0x62: {  	_ =	shalt  }
0x63: {  	_ =	shalt  }
0x64: {  	_ =	shalt  }
0x65: {  	_ =	shalt  }
0x66: {  	_ =	shalt  }
0x67: {  	_ =	shalt  }
0x68: {  	_ =	shalt  }
0x69: {  	_ =	shalt  }
0x6a: {  	_ =	shalt  }
0x6b: {  	_ =	shalt  }
0x6c: {  	_ =	shalt  }
0x6d: {  	_ =	shalt  }
0x6e: {  	_ =	shalt  }
0x6f: {  	_ =	shalt  }
0x70: {  	_ =	shalt  }
0x71: {  	_ =	shalt  }
0x72: {  	_ =	shalt  }
0x73: {  	_ =	shalt  }
0x74: {  	_ =	shalt  }
0x75: {  	_ =	shalt  }
0x76: {  	_ =	shalt  }
0x77: {  	_ =	shalt  }
0x78: {  	_ =	shalt  }
0x79: {  	_ =	shalt  }
0x7a: {  	_ =	shalt  }
0x7b: {  	_ =	shalt  }
0x7c: {  	_ =	shalt  }
0x7d: {  	_ =	shalt  }
0x7e: {  	_ =	shalt  }
0x7f: {  	_ =	shalt  }
0x80: {  	_ =	shalt  }
0x81: {  	_ =	shalt  }
0x82: {  	_ =	shalt  }
0x83: {  	_ =	shalt  }
0x84: {  	_ =	shalt  }
0x85: {  	_ =	shalt  }
0x86: {  	_ =	shalt  }
0x87: {  	_ =	shalt  }
.Lfunc_end0:
.L_simem_size_0:
called_computation.1_lowered:
.L_overlay_start_0:
0x88: {  	s2 =	sld [smem:$0x3FD9]  }
0x89: {  	s3 =	sld [smem:$0x3FFE];
	_ =	sdelay $0x1  }
0x8a: {  	s1 =	srdreg.scid  }
0x8b: {  	s0 =	sand.u32 $0x1, s1  }
0x8c: {  	s17 =	sshll.u32 s0, $0xA;
	s2 =	sadd.s32 s3, s2  }
0x8d: {  	s2 =	sadd.s32 s2, s17  }
0x8e: {  	[smem:$0x3FC0] =	sst s2  }
0x8f: {  	_ = 	snop  }
0x90: {  	s2 =	sld [smem:$0x3FC7]  }
0x91: {  	s18 =	sld [smem:$0x3FC5]  }
0x92: {  	s4 =	sld [smem:$0x3FD0];
	(tm) =	ssettm $0x1  }
0x93: {  	s5 =	sld [smem:$0x3FFB];
	_ =	sdelay $0x3  }
0x94: {  	_ =	strace s5  }
0x95: {  	s5 =	sld [smem:$0x3FFC];
	_ =	sdelay $0x3  }
0x96: {  	_ =	strace s5  }
0x97: {  	s5 =	sld [smem:$0x3FFD];
	_ =	sdelay $0x3  }
0x98: {  	_ =	strace s5  }
0x99: {  	_ =	strace $0x8FFFFFFF  }
0x9a: {  	s19 =	sld [smem:$0x3FDB];
	_ =	sdelay $0x1  }
0x9b: {  	s6 =	simm.s32 $_scs_section_size  }
0x9c: {  	s7 =	simm.s32 $_size__tile_overlayer_lowered;
	s8 =	simm.s32 $_tile_overlayer_lowered  }
0x9d: {  	s22 =	simm.s32 $0x1BFF;
	s21 =	sshll.u32 s8, $0x1;
	s5 =	sadd.s32 s6, s19  }
0x9e: {  	s9 =	simm.s32 $0x0;
	s20 =	sshll.u32 s7, $0x1;
	s7 =	sadd.s32 s21, s5  }
0x9f: {  	[timem:s9], [sflag:s22] =	dma.local [hbm:s7], s20  }
0xa0: {  	_ =	swait.ge [sflag:s22], s20  }
0xa1: {  	s6 =	ssub.s32 $0x0, s20;
	[sflag:s22] =	ssyncset.done $0x0  }
0xa2: {  	[sflag:s22] =	ssyncadd.s32 s6;
	_ =	sdelay $0x1  }
0xa3: {  	s23 =	simm.s32 $0x1B8B  }
0xa4: {  	_ =	swait.ge [sflag:s23], $0x1  }
0xa5: {  	[sflag:s23] =	ssyncset.done $0x0  }
0xa6: {  	s25 =	simm.s32 $0x1B8E;
	s24 =	sld [smem:$0x3FFE];
	[sflag:s23] =	ssyncadd.s32 $0xFFFFFFFF  }
0xa7: {  	s26 =	simm.s32 $execute0_lowered;
	[smem:$0x3FD2] =	sst s25  }
0xa8: {  	s7 =	sshll.u32 s26, $0x1;
	_ =	strace $0x80000049;
	[dreg:$0x1] =	wrdreg $0xFFFFFFFF  }
0xa9: {  	s28 =	simm.s32 $_size_execute0_lowered;
	s5 =	sadd.s32 s5, s7;
	[dreg:$0x0] =	wrdreg $0x0  }
0xaa: {  	s7 =	sshll.u32 s28, $0x1;
	[dreg:$0x2] =	wrdreg s5  }
0xab: {  	[dreg:$0x3] =	wrdreg s7  }
0xac: {  	[dreg:$0x4] =	wrdreg $0xC0  }
0xad: {  	_ =	task [dreg:s9], $0x5FFFF  }
0xae: {  	[dreg:$0x1] =	wrdreg $0xFFFFFFFF  }
0xaf: {  	[dreg:$0x0] =	wrdreg $0x60  }
0xb0: {  	[dreg:$0x2] =	wrdreg s24  }
0xb1: {  	[dreg:$0x3] =	wrdreg s2  }
0xb2: {  	[dreg:$0x4] =	wrdreg s18  }
0xb3: {  	[dreg:$0x5] =	wrdreg s4  }
0xb4: {  	[dreg:$0x6] =	wrdreg $0x9  }
0xb5: {  	_ =	task.clear_ibuf [dreg:s9], $0x7FFFF;
	_ =	strace $0x90000049  }
0xb6: {  	s29 =	simm.s32 $0x9;
	_ =	strace $0x8000004B  }
0xb7: {  	_ =	swait.ge [sflag:s29], $0x1  }
0xb8: {  	[sflag:s29] =	ssyncadd.s32 $0xFFFFFFFF  }
0xb9: {  	_ =	strace $0x9000004B  }
0xba: {  	_ =	sfence  }
0xbb: {  	s30 =	sld [smem:$0x0];
	_ =	sdelay $0x2  }
0xbc: {  	s31 =	sshll.u32 s1, $0xD;
	s1 =	sshrl.u32 s1, $0x2  }
0xbd: {  	s3 =	sand.u32 $0x4000, s31;
	s1 =	sadd.s32 s1, s30  }
0xbe: {  	s0 =	sor.u32 s3, s0;
	s1 =	sshll.u32 s1, $0x11  }
0xbf: {  	s0 =	sor.u32 s1, s0  }
0xc0: {  	s0 =	sadd.s32 $0x8F2B, s0  }
0xc1: {  	[sflag:s0] =	ssyncadd.remote.s32 $0x1  }
0xc2: {  	_ =	sfence.sel $0xFFFF  }
0xc3: {  	[dreg:$0x0] =	wrdreg $0xFFFFFFFF;
	(pc) =	sbr.abs _section_cstart, $3  }
0xc4: {  	[dreg:$0x1] =	wrdreg $0xFFFFFFFF  }
0xc5: {  	_ =	task.clear_ibuf [dreg:s9], $0x2FFFF;
	_ =	strace $0x9FFFFFFF  }
0xc6: {  	(tm) =	ssettm $0x7FFFFFFF  }
0xc7: {  	_ =	shalt  }
tec
execute0_lowered:
.L_overlay_start_1:
0x0: {  	(tag) =	ssettag $0x1  }
0x1: {  	s5 =	rddreg [dreg:$0x0]  }
0x2: {  	s2 =	srdreg.scid;
	s1 =	rddreg [dreg:$0x1]  }
0x3: {  	s0 =	stileid.u32;
	s6 =	rddreg [dreg:$0x2]  }
0x4: {  	s7 =	rddreg [dreg:$0x3];
	s4 =	sand.u32 $0x1, s2;
	s30 =	sshll.u32 s0, $0x1  }
0x5: {  	s3 =	simm.s32 $0x0;
	s11 =	simm.s32 $0x2208;
	s2 =	sor.u32 s4, s30  }
0x6: {  	v16 =	vlaneseq.u32;
	s12 =	simm.s32 $0x2E48;
	s13 =	simm.s32 $0x2108;
	s8 =	smul.u32 $0xC40, s2  }
0x7: {  	v1 =	vimm.f32 $1.000000000e+00;
	s14 =	simm.s32 $0x3A88;
	s15 =	simm.s32 $0x0;
	[smem:$0x7FF] =	sst s3;
	v0 =	vadd.s32 $0x1, v16  }
0x8: {  	v2 =	vadd.s32 $0x11, v16;
	v3 =	vadd.s32 $0x21, v16;
	v4 =	vadd.s32 $0x31, v16;
	s9 =	ssub.s32 $0x2, s4;
	s4 =	sadd.s32 $0x1200, s5;
	s8 =	smin.u32 s8, $0x17A60  }
0x9: {  	v5 =	vadd.s32 $0x41, v16;
	v6 =	vadd.s32 $0x51, v16;
	v7 =	vadd.s32 $0x61, v16;
	s2 =	rddreg [dreg:$0x4];
	s31 =	sshrl.u32 s9, $0x1;
	s8 =	sshrl.u32 s8, $0x3  }
0xa: {  	v8 =	vadd.s32 $0x71, v16;
	v9 =	vadd.s32 $0x81, v16;
	v10 =	vadd.s32 $0x91, v16;
	_ =	strace $0x8000004A;
	s9 =	ssub.s32 s9, s31;
	s10 =	sadd.s32 s8, s5  }
0xb: {  	v11 =	vadd.s32 $0xA1, v16;
	v12 =	vadd.s32 $0xB1, v16;
	v13 =	vadd.s32 $0xC1, v16;
	s5 =	sadd.s32 s6, s8;
	s7 =	sadd.s32 s7, s8;
	s8 =	smax.u32 s9, $0x1  }
0xc: {  	v14 =	vadd.s32 $0xD1, v16;
	v15 =	vadd.s32 $0xE1, v16;
	v16 =	vadd.s32 $0xF1, v16;
	s9 =	simm.s32 $0x1;
	s6 =	sadd.s32 $0x1600, s10;
	s10 =	simm.s32 $0x2000  }
.LBB2_1:
0xd: {  	[tilespmem:s3], [sflag:$0x1] =	stream.linear.gather [hbm4b:s4+s3], $0x2000, $0x38;
	[tilespmem:$0x46C8] =	vst v63  }
0xe: {  	_ =	swait.ge [sflag:s9], $0x2000  }
0xf: {  	[sflag:s9] =	ssyncset.done $0x0  }
0x10: {  	[sflag:s9] =	ssyncadd.s32 $0xFFFFE000  }
0x11: {  	[tilespmem:s10], [sflag:$0x1] =	stream.linear.gather [hbm4b:s1+s3], $0x108, $0x38;
	[tilespmem:$0x46C8] =	vst v63  }
0x12: {  	_ =	swait.ge [sflag:s9], $0x108  }
0x13: {  	[sflag:s9] =	ssyncset.done $0x0  }
0x14: {  	[sflag:s9] =	ssyncadd.s32 $0xFFFFFEF8  }
0x15: {  	[tilespmem:s11], [sflag:$0x1] =	stream.linear.gather [hbm4b:s5+s3], $0xC40, $0x38;
	[tilespmem:$0x46C8] =	vst v63  }
0x16: {  	_ =	swait.ge [sflag:s9], $0xC40  }
0x17: {  	[sflag:s9] =	ssyncset.done $0x0  }
0x18: {  	[sflag:s9] =	ssyncadd.s32 $0xFFFFF3C0  }
0x19: {  	[tilespmem:s12], [sflag:$0x1] =	stream.linear.gather [hbm4b:s6+s3], $0xC40, $0x38;
	[tilespmem:$0x46C8] =	vst v63  }
0x1a: {  	_ =	swait.ge [sflag:s9], $0xC40  }
0x1b: {  	[sflag:s9] =	ssyncset.done $0x0  }
0x1c: {  	[sflag:s9] =	ssyncadd.s32 $0xFFFFF3C0  }
0x1d: {  	v17 =	vld [tilespmem:$0x0];
	_ =	sdelay $0x1  }
0x1e: {  	v18 =	vld [tilespmem:$0x100];
	_ =	sdelay $0x1  }
0x1f: {  	v19 =	vld [tilespmem:$0x200]  }
0x20: {  	v17 =	vadd.f32 $0.0e+00, v17  }
0x21: {  	v20 =	vld [tilespmem:$0x300]  }
0x22: {  	v17 =	vadd.f32 v18, v17  }
0x23: {  	v18 =	vld [tilespmem:$0x400]  }
0x24: {  	v21 =	vld [tilespmem:$0x600];
	v17 =	vadd.f32 v19, v17  }
0x25: {  	v19 =	vld [tilespmem:$0x500]  }
0x26: {  	v22 =	vld [tilespmem:$0x800];
	v17 =	vadd.f32 v20, v17  }
0x27: {  	v23 =	vld [tilespmem:$0x900]  }
0x28: {  	v17 =	vadd.f32 v18, v17;
	v18 =	vld [tilespmem:$0x10]  }
0x29: {  	v20 =	vld [tilespmem:$0x700]  }
0x2a: {  	v17 =	vadd.f32 v19, v17;
	v19 =	vld [tilespmem:$0x110]  }
0x2b: {  	v24 =	vld [tilespmem:$0xA00]  }
0x2c: {  	v17 =	vadd.f32 v21, v17;
	v21 =	vld [tilespmem:$0x210]  }
0x2d: {  	v25 =	vld [tilespmem:$0xB00];
	v18 =	vadd.f32 $0.0e+00, v18  }
0x2e: {  	v17 =	vadd.f32 v20, v17;
	v20 =	vld [tilespmem:$0x310]  }
0x2f: {  	v26 =	vld [tilespmem:$0xC00];
	v18 =	vadd.f32 v19, v18  }
0x30: {  	v19 =	vld [tilespmem:$0x410];
	v17 =	vadd.f32 v22, v17  }
0x31: {  	v22 =	vld [tilespmem:$0xD00];
	v18 =	vadd.f32 v21, v18  }
0x32: {  	v21 =	vld [tilespmem:$0x510];
	v17 =	vadd.f32 v23, v17  }
0x33: {  	v23 =	vld [tilespmem:$0xE00];
	v18 =	vadd.f32 v20, v18  }
0x34: {  	v20 =	vld [tilespmem:$0x610];
	v17 =	vadd.f32 v24, v17  }
0x35: {  	v24 =	vld [tilespmem:$0xF00];
	v18 =	vadd.f32 v19, v18  }
0x36: {  	v19 =	vld [tilespmem:$0x710];
	v17 =	vadd.f32 v25, v17  }
0x37: {  	v25 =	vld [tilespmem:$0x1000];
	v18 =	vadd.f32 v21, v18  }
0x38: {  	v21 =	vld [tilespmem:$0x810];
	v17 =	vadd.f32 v26, v17  }
0x39: {  	v26 =	vld [tilespmem:$0x1100];
	v18 =	vadd.f32 v20, v18  }
0x3a: {  	v20 =	vld [tilespmem:$0x910];
	v17 =	vadd.f32 v22, v17  }
0x3b: {  	v22 =	vld [tilespmem:$0x1200];
	v18 =	vadd.f32 v19, v18  }
0x3c: {  	v19 =	vld [tilespmem:$0xA10];
	v17 =	vadd.f32 v23, v17  }
0x3d: {  	v23 =	vld [tilespmem:$0x1300];
	v18 =	vadd.f32 v21, v18  }
0x3e: {  	v21 =	vld [tilespmem:$0xB10];
	v17 =	vadd.f32 v24, v17  }
0x3f: {  	v24 =	vld [tilespmem:$0x1400];
	v18 =	vadd.f32 v20, v18  }
0x40: {  	v20 =	vld [tilespmem:$0xC10];
	v17 =	vadd.f32 v25, v17  }
0x41: {  	v25 =	vld [tilespmem:$0x1500];
	v18 =	vadd.f32 v19, v18  }
0x42: {  	v19 =	vld [tilespmem:$0xD10];
	v17 =	vadd.f32 v26, v17  }
0x43: {  	v26 =	vld [tilespmem:$0x1600];
	v18 =	vadd.f32 v21, v18  }
0x44: {  	v21 =	vld [tilespmem:$0xE10];
	v17 =	vadd.f32 v22, v17  }
0x45: {  	v22 =	vld [tilespmem:$0x1700];
	v18 =	vadd.f32 v20, v18  }
0x46: {  	v20 =	vld [tilespmem:$0xF10];
	v17 =	vadd.f32 v23, v17  }
0x47: {  	v23 =	vld [tilespmem:$0x1800];
	v18 =	vadd.f32 v19, v18  }
0x48: {  	v19 =	vld [tilespmem:$0x1010];
	v17 =	vadd.f32 v24, v17  }
0x49: {  	v24 =	vld [tilespmem:$0x1900];
	v18 =	vadd.f32 v21, v18  }
0x4a: {  	v21 =	vld [tilespmem:$0x1110];
	v17 =	vadd.f32 v25, v17  }
0x4b: {  	v25 =	vld [tilespmem:$0x1A00];
	v18 =	vadd.f32 v20, v18  }
0x4c: {  	v20 =	vld [tilespmem:$0x1210];
	v17 =	vadd.f32 v26, v17  }
0x4d: {  	v26 =	vld [tilespmem:$0x1B00];
	v18 =	vadd.f32 v19, v18  }
0x4e: {  	v19 =	vld [tilespmem:$0x1310];
	v17 =	vadd.f32 v22, v17  }
0x4f: {  	v22 =	vld [tilespmem:$0x1C00];
	v18 =	vadd.f32 v21, v18  }
0x50: {  	v21 =	vld [tilespmem:$0x1410];
	v17 =	vadd.f32 v23, v17  }
0x51: {  	v23 =	vld [tilespmem:$0x1D00];
	v18 =	vadd.f32 v20, v18  }
0x52: {  	v20 =	vld [tilespmem:$0x1510];
	v17 =	vadd.f32 v24, v17  }
0x53: {  	v24 =	vld [tilespmem:$0x1E00];
	v18 =	vadd.f32 v19, v18  }
0x54: {  	v19 =	vld [tilespmem:$0x1610];
	v17 =	vadd.f32 v25, v17  }
0x55: {  	v25 =	vld [tilespmem:$0x1F00];
	v18 =	vadd.f32 v21, v18  }
0x56: {  	v21 =	vld [tilespmem:$0x1710];
	v17 =	vadd.f32 v26, v17  }
0x57: {  	v26 =	vld.idx.msk [tilespmem:v0+s10+$0x0], $0xffff;
	v18 =	vadd.f32 v20, v18  }
0x58: {  	v20 =	vld [tilespmem:$0x1810];
	v17 =	vadd.f32 v22, v17  }
0x59: {  	v22 =	vld [tilespmem:$0x2000];
	v18 =	vadd.f32 v19, v18  }
0x5a: {  	v19 =	vld [tilespmem:$0x1910];
	v17 =	vadd.f32 v23, v17  }
0x5b: {  	v18 =	vadd.f32 v21, v18  }
0x5c: {  	v21 =	vld [tilespmem:$0x1A10];
	v17 =	vadd.f32 v24, v17  }
0x5d: {  	v18 =	vadd.f32 v20, v18  }
0x5e: {  	v20 =	vld [tilespmem:$0x1B10];
	v17 =	vadd.f32 v25, v17  }
0x5f: {  	v24 =	vld [tilespmem:$0x2010];
	v22 =	vsub.s32 v26, v22;
	v18 =	vadd.f32 v19, v18  }
0x60: {  	vm0 =	veq.s32 v22, $0x1;
	v19 =	vld [tilespmem:$0x1C10];
	vm1 =	veq.f32 v17, $0.0e+00  }
0x61: {  	v17 =	vld [tilespmem:$0x1D10];
	vm0 =	vmand vm1, vm0;
	v18 =	vadd.f32 v21, v18  }
0x62: {  	v21 =	vld [tilespmem:$0x1E10];
	v22 =	vsel vm0, $0x0, v1  }
0x63: {  	[tilespmem:$0x2108] =	vst v22;
	v18 =	vadd.f32 v20, v18;
	v20 =	vld [tilespmem:$0x20]  }
0x64: {  	v22 =	vld.idx.msk [tilespmem:v2+s10+$0x0], $0xffff  }
0x65: {  	v18 =	vadd.f32 v19, v18;
	v19 =	vld [tilespmem:$0x120]  }
0x66: {  	v23 =	vld [tilespmem:$0x1F10]  }
0x67: {  	v17 =	vadd.f32 v17, v18;
	v18 =	vld [tilespmem:$0x220]  }
0x68: {  	v20 =	vadd.f32 $0.0e+00, v20  }
0x69: {  	v17 =	vadd.f32 v21, v17;
	v21 =	vld [tilespmem:$0x320]  }
0x6a: {  	v22 =	vsub.s32 v22, v24;
	v24 =	vld [tilespmem:$0x920];
	v19 =	vadd.f32 v19, v20  }
0x6b: {  	v20 =	vld [tilespmem:$0x420];
	v17 =	vadd.f32 v23, v17  }
0x6c: {  	v23 =	vld [tilespmem:$0x520];
	v18 =	vadd.f32 v18, v19  }
0x6d: {  	vm10 =	veq.s32 v22, $0x1;
	v19 =	vld [tilespmem:$0x620];
	vm11 =	veq.f32 v17, $0.0e+00  }
0x6e: {  	v17 =	vld [tilespmem:$0x720];
	vm0 =	vmand vm11, vm10;
	v18 =	vadd.f32 v21, v18  }
0x6f: {  	v21 =	vld [tilespmem:$0x820];
	v22 =	vsel vm0, $0x0, v1  }
0x70: {  	[tilespmem:$0x2118] =	vst v22;
	v18 =	vadd.f32 v20, v18;
	v20 =	vld [tilespmem:$0xA20]  }
0x71: {  	v22 =	vld [tilespmem:$0xB20]  }
0x72: {  	v25 =	vld [tilespmem:$0xD20]  }
0x73: {  	v26 =	vld [tilespmem:$0xF20]  }
0x74: {  	v27 =	vld [tilespmem:$0x1120]  }
0x75: {  	v28 =	vld [tilespmem:$0x1320]  }
0x76: {  	v29 =	vld [tilespmem:$0x1520]  }
0x77: {  	v30 =	vld [tilespmem:$0x1720]  }
0x78: {  	v31 =	vld [tilespmem:$0x1920]  }
0x79: {  	v32 =	vld [tilespmem:$0x1B20]  }
0x7a: {  	v33 =	vld [tilespmem:$0x1C20]  }
0x7b: {  	v34 =	vld [tilespmem:$0x1D20]  }
0x7c: {  	v35 =	vld [tilespmem:$0x1E20]  }
0x7d: {  	v36 =	vld [tilespmem:$0x1F20]  }
0x7e: {  	v46 =	vld [tilespmem:$0xA30]  }
0x7f: {  	v47 =	vld [tilespmem:$0xE30]  }
0x80: {  	v48 =	vld [tilespmem:$0x1230]  }
0x81: {  	v49 =	vld [tilespmem:$0x1330]  }
0x82: {  	v50 =	vld [tilespmem:$0x1630]  }
0x83: {  	v51 =	vld [tilespmem:$0x1830]  }
0x84: {  	v52 =	vld [tilespmem:$0x1A30];
	v18 =	vadd.f32 v23, v18  }
0x85: {  	v53 =	vld [tilespmem:$0x1B30]  }
0x86: {  	v54 =	vld [tilespmem:$0x1C30];
	v18 =	vadd.f32 v19, v18  }
0x87: {  	v55 =	vld [tilespmem:$0x1D30]  }
0x88: {  	v57 =	vld [tilespmem:$0x2030];
	v17 =	vadd.f32 v17, v18  }
0x89: {  	v58 =	vld [tilespmem:$0xD40]  }
0x8a: {  	v59 =	vld [tilespmem:$0x1140];
	v17 =	vadd.f32 v21, v17  }
0x8b: {  	v60 =	vld [tilespmem:$0x1340]  }
0x8c: {  	v61 =	vld [tilespmem:$0x1540];
	v17 =	vadd.f32 v24, v17  }
0x8d: {  	v23 =	vld [tilespmem:$0xC20]  }
0x8e: {  	v62 =	vld [tilespmem:$0x1740];
	v17 =	vadd.f32 v20, v17  }
0x8f: {  	v63 =	vld [tilespmem:$0x1A40]  }
0x90: {  	v40 =	vld [tilespmem:$0x1F40];
	v17 =	vadd.f32 v22, v17  }
0x91: {  	v19 =	vld [tilespmem:$0xE20]  }
0x92: {  	v41 =	vld [tilespmem:$0x150];
	v17 =	vadd.f32 v23, v17  }
0x93: {  	v42 =	vld [tilespmem:$0x2040]  }
0x94: {  	v17 =	vadd.f32 v25, v17;
	v25 =	vld [tilespmem:$0x30]  }
0x95: {  	v18 =	vld [tilespmem:$0x1020]  }
0x96: {  	v17 =	vadd.f32 v19, v17;
	v19 =	vld [tilespmem:$0x130]  }
0x97: {  	v43 =	vld [tilespmem:$0x350]  }
0x98: {  	v17 =	vadd.f32 v26, v17;
	v26 =	vld [tilespmem:$0x230]  }
0x99: {  	v21 =	vld [tilespmem:$0x1220];
	v25 =	vadd.f32 $0.0e+00, v25  }
0x9a: {  	v17 =	vadd.f32 v18, v17;
	v18 =	vld [tilespmem:$0x330]  }
0x9b: {  	v44 =	vld [tilespmem:$0x450];
	v19 =	vadd.f32 v19, v25  }
0x9c: {  	v25 =	vld [tilespmem:$0x430];
	v17 =	vadd.f32 v27, v17  }
0x9d: {  	v24 =	vld [tilespmem:$0x1420];
	v19 =	vadd.f32 v26, v19  }
0x9e: {  	v17 =	vadd.f32 v21, v17;
	v21 =	vld [tilespmem:$0x530]  }
0x9f: {  	v45 =	vld [tilespmem:$0x550];
	v18 =	vadd.f32 v18, v19  }
0xa0: {  	v19 =	vld [tilespmem:$0x630];
	v17 =	vadd.f32 v28, v17  }
0xa1: {  	v20 =	vld [tilespmem:$0x1620];
	v18 =	vadd.f32 v25, v18  }
0xa2: {  	v25 =	vld [tilespmem:$0x730];
	v17 =	vadd.f32 v24, v17  }
0xa3: {  	v37 =	vld [tilespmem:$0x2050];
	v18 =	vadd.f32 v21, v18  }
0xa4: {  	v24 =	vld [tilespmem:$0x830];
	v17 =	vadd.f32 v29, v17  }
0xa5: {  	v22 =	vld [tilespmem:$0x1820];
	v18 =	vadd.f32 v19, v18  }
0xa6: {  	v21 =	vld [tilespmem:$0x930];
	v17 =	vadd.f32 v20, v17  }
0xa7: {  	v27 =	vld.idx.msk [tilespmem:v3+s10+$0x0], $0xffff;
	v18 =	vadd.f32 v25, v18  }
0xa8: {  	v26 =	vld [tilespmem:$0x2020];
	v17 =	vadd.f32 v30, v17  }
0xa9: {  	v23 =	vld [tilespmem:$0x1A20];
	v18 =	vadd.f32 v24, v18  }
0xaa: {  	v19 =	vld [tilespmem:$0xB30];
	v17 =	vadd.f32 v22, v17  }
0xab: {  	v38 =	vld [tilespmem:$0xE80];
	v18 =	vadd.f32 v21, v18  }
0xac: {  	v20 =	vld [tilespmem:$0xC30];
	v17 =	vadd.f32 v31, v17  }
0xad: {  	v26 =	vsub.s32 v27, v26;
	v27 =	vld [tilespmem:$0x1F30];
	v18 =	vadd.f32 v46, v18  }
0xae: {  	v25 =	vld [tilespmem:$0xD30];
	v17 =	vadd.f32 v23, v17  }
0xaf: {  	v30 =	vld [tilespmem:$0x1AD0];
	v18 =	vadd.f32 v19, v18  }
0xb0: {  	v24 =	vld [tilespmem:$0xF30];
	v17 =	vadd.f32 v32, v17  }
0xb1: {  	v22 =	vld [tilespmem:$0x1030];
	v18 =	vadd.f32 v20, v18  }
0xb2: {  	v21 =	vld [tilespmem:$0x1130];
	v17 =	vadd.f32 v33, v17  }
0xb3: {  	v46 =	vld [tilespmem:$0x850];
	v18 =	vadd.f32 v25, v18  }
0xb4: {  	v23 =	vld [tilespmem:$0x1430];
	v17 =	vadd.f32 v34, v17  }
0xb5: {  	v19 =	vld [tilespmem:$0x1530];
	v18 =	vadd.f32 v47, v18  }
0xb6: {  	v20 =	vld [tilespmem:$0x1730];
	v17 =	vadd.f32 v35, v17  }
0xb7: {  	v18 =	vadd.f32 v24, v18;
	v24 =	vld [tilespmem:$0x40]  }
0xb8: {  	v33 =	vld [tilespmem:$0x1DD0];
	v17 =	vadd.f32 v36, v17  }
0xb9: {  	v18 =	vadd.f32 v22, v18;
	v22 =	vld [tilespmem:$0x140]  }
0xba: {  	vm12 =	veq.s32 v26, $0x1;
	v25 =	vld [tilespmem:$0x1930];
	vm13 =	veq.f32 v17, $0.0e+00  }
0xbb: {  	vm0 =	vmand vm13, vm12;
	v18 =	vadd.f32 v21, v18;
	v21 =	vld [tilespmem:$0x240]  }
0xbc: {  	v47 =	vld [tilespmem:$0x950];
	v26 =	vsel vm0, $0x0, v1;
	v24 =	vadd.f32 $0.0e+00, v24  }
0xbd: {  	[tilespmem:$0x2128] =	vst v26;
	v26 =	vld [tilespmem:$0x340]  }
0xbe: {  	v35 =	vld [tilespmem:$0x19D0];
	v22 =	vadd.f32 v22, v24  }
0xbf: {  	v18 =	vadd.f32 v48, v18;
	v24 =	vld [tilespmem:$0x440]  }
0xc0: {  	v36 =	vld [tilespmem:$0x780];
	v21 =	vadd.f32 v21, v22  }
0xc1: {  	v18 =	vadd.f32 v49, v18;
	v22 =	vld [tilespmem:$0x540]  }
0xc2: {  	v17 =	vld [tilespmem:$0x1E30];
	v21 =	vadd.f32 v26, v21  }
0xc3: {  	v18 =	vadd.f32 v23, v18;
	v23 =	vld [tilespmem:$0x640]  }
0xc4: {  	v56 =	vld.idx.msk [tilespmem:v4+s10+$0x0], $0xffff;
	v21 =	vadd.f32 v24, v21  }
0xc5: {  	v18 =	vadd.f32 v19, v18;
	v19 =	vld [tilespmem:$0x740]  }
0xc6: {  	v48 =	vld [tilespmem:$0xB50];
	v21 =	vadd.f32 v22, v21  }
0xc7: {  	v24 =	vld [tilespmem:$0x840]  }
0xc8: {  	v49 =	vld [tilespmem:$0xC50];
	v21 =	vadd.f32 v23, v21  }
0xc9: {  	v26 =	vld [tilespmem:$0x940]  }
0xca: {  	v28 =	vsub.s32 v56, v57;
	v56 =	vld [tilespmem:$0x1C50];
	v18 =	vadd.f32 v50, v18;
	v19 =	vadd.f32 v19, v21  }
0xcb: {  	v22 =	vld [tilespmem:$0xA40]  }
0xcc: {  	v57 =	vld [tilespmem:$0x1D50];
	v18 =	vadd.f32 v20, v18;
	v19 =	vadd.f32 v24, v19  }
0xcd: {  	v20 =	vld [tilespmem:$0xB40]  }
0xce: {  	v50 =	vld [tilespmem:$0xD50];
	v18 =	vadd.f32 v51, v18;
	v19 =	vadd.f32 v26, v19  }
0xcf: {  	v23 =	vld [tilespmem:$0xC40]  }
0xd0: {  	v51 =	vld [tilespmem:$0x1250];
	v18 =	vadd.f32 v25, v18;
	v19 =	vadd.f32 v22, v19  }
0xd1: {  	v21 =	vld [tilespmem:$0xE40]  }
0xd2: {  	v25 =	vld [tilespmem:$0xF40];
	v18 =	vadd.f32 v52, v18;
	v19 =	vadd.f32 v20, v19  }
0xd3: {  	v24 =	vld [tilespmem:$0x1040]  }
0xd4: {  	v52 =	vld [tilespmem:$0x1350];
	v18 =	vadd.f32 v53, v18;
	v19 =	vadd.f32 v23, v19  }
0xd5: {  	v26 =	vld [tilespmem:$0x1240]  }
0xd6: {  	v53 =	vld [tilespmem:$0x1550];
	v18 =	vadd.f32 v54, v18;
	v19 =	vadd.f32 v58, v19  }
0xd7: {  	v22 =	vld [tilespmem:$0x1440]  }
0xd8: {  	v54 =	vld [tilespmem:$0x1950];
	v18 =	vadd.f32 v55, v18;
	v19 =	vadd.f32 v21, v19  }
0xd9: {  	v20 =	vld [tilespmem:$0x1640]  }
0xda: {  	v55 =	vld [tilespmem:$0x1B50];
	v17 =	vadd.f32 v17, v18;
	v19 =	vadd.f32 v25, v19  }
0xdb: {  	v23 =	vld [tilespmem:$0x1840]  }
0xdc: {  	v17 =	vadd.f32 v27, v17;
	v19 =	vadd.f32 v24, v19;
	v24 =	vld [tilespmem:$0x50]  }
0xdd: {  	v18 =	vld [tilespmem:$0x1940]  }
0xde: {  	vm14 =	veq.s32 v28, $0x1;
	v27 =	vld [tilespmem:$0x1B40];
	vm15 =	veq.f32 v17, $0.0e+00;
	v19 =	vadd.f32 v59, v19  }
0xdf: {  	v21 =	vld [tilespmem:$0x1C40];
	vm0 =	vmand vm15, vm14  }
0xe0: {  	v39 =	vsel vm0, $0x0, v1;
	v19 =	vadd.f32 v26, v19;
	v26 =	vld [tilespmem:$0x250]  }
0xe1: {  	v17 =	vld [tilespmem:$0x1D40];
	[tilespmem:$0x2138] =	vst v39;
	v24 =	vadd.f32 $0.0e+00, v24  }
0xe2: {  	v28 =	vld.idx.msk [tilespmem:v5+s10+$0x0], $0xffff  }
0xe3: {  	v25 =	vld [tilespmem:$0x1E40];
	v24 =	vadd.f32 v41, v24  }
0xe4: {  	v39 =	vld [tilespmem:$0x1180]  }
0xe5: {  	v59 =	vld [tilespmem:$0x1F50];
	v24 =	vadd.f32 v26, v24  }
0xe6: {  	v19 =	vadd.f32 v60, v19;
	v60 =	vld [tilespmem:$0x560]  }
0xe7: {  	v28 =	vsub.s32 v28, v42;
	v42 =	vld [tilespmem:$0x1760];
	v24 =	vadd.f32 v43, v24  }
0xe8: {  	v19 =	vadd.f32 v22, v19;
	v22 =	vld [tilespmem:$0x650]  }
0xe9: {  	v41 =	vld [tilespmem:$0x1360];
	v24 =	vadd.f32 v44, v24  }
0xea: {  	v26 =	vld [tilespmem:$0x750];
	v19 =	vadd.f32 v61, v19  }
0xeb: {  	v61 =	vld [tilespmem:$0x760];
	v24 =	vadd.f32 v45, v24  }
0xec: {  	v43 =	vld [tilespmem:$0x1860];
	v19 =	vadd.f32 v20, v19  }
0xed: {  	v20 =	vld [tilespmem:$0xA50];
	v22 =	vadd.f32 v22, v24  }
0xee: {  	v44 =	vld [tilespmem:$0x1960];
	v19 =	vadd.f32 v62, v19  }
0xef: {  	v62 =	vld [tilespmem:$0xB60];
	v22 =	vadd.f32 v26, v22  }
0xf0: {  	v45 =	vld [tilespmem:$0x1A60];
	v19 =	vadd.f32 v23, v19  }
0xf1: {  	v23 =	vld [tilespmem:$0xE50];
	v22 =	vadd.f32 v46, v22  }
0xf2: {  	v24 =	vld [tilespmem:$0xF50];
	v18 =	vadd.f32 v18, v19  }
0xf3: {  	v19 =	vld [tilespmem:$0x1050];
	v22 =	vadd.f32 v47, v22  }
0xf4: {  	v26 =	vld [tilespmem:$0x1150];
	v18 =	vadd.f32 v63, v18  }
0xf5: {  	v63 =	vld [tilespmem:$0xC60];
	v20 =	vadd.f32 v20, v22  }
0xf6: {  	v46 =	vld [tilespmem:$0x1B60];
	v18 =	vadd.f32 v27, v18  }
0xf7: {  	v27 =	vld [tilespmem:$0x1450];
	v20 =	vadd.f32 v48, v20  }
0xf8: {  	v47 =	vld [tilespmem:$0x1D60];
	v18 =	vadd.f32 v21, v18  }
0xf9: {  	v21 =	vld [tilespmem:$0x1650];
	v20 =	vadd.f32 v49, v20  }
0xfa: {  	v22 =	vld [tilespmem:$0x1750];
	v17 =	vadd.f32 v17, v18  }
0xfb: {  	v18 =	vld [tilespmem:$0x1850];
	v20 =	vadd.f32 v50, v20  }
0xfc: {  	v48 =	vld [tilespmem:$0x370];
	v17 =	vadd.f32 v25, v17  }
0xfd: {  	v20 =	vadd.f32 v23, v20;
	v23 =	vld [tilespmem:$0x60]  }
0xfe: {  	v25 =	vld [tilespmem:$0x1A50];
	v17 =	vadd.f32 v40, v17  }
0xff: {  	v20 =	vadd.f32 v24, v20;
	v24 =	vld [tilespmem:$0x160]  }
0x100: {  	vm4 =	veq.s32 v28, $0x1;
	v40 =	vld [tilespmem:$0x1060];
	vm5 =	veq.f32 v17, $0.0e+00  }
0x101: {  	vm0 =	vmand vm5, vm4;
	v19 =	vadd.f32 v19, v20;
	v20 =	vld [tilespmem:$0x260]  }
0x102: {  	v50 =	vld [tilespmem:$0x1F60];
	v58 =	vsel vm0, $0x0, v1;
	v23 =	vadd.f32 $0.0e+00, v23  }
0x103: {  	[tilespmem:$0x2148] =	vst v58;
	v19 =	vadd.f32 v26, v19;
	v26 =	vld [tilespmem:$0x360]  }
0x104: {  	v28 =	vld.idx.msk [tilespmem:v6+s10+$0x0], $0xffff;
	v23 =	vadd.f32 v24, v23  }
0x105: {  	v24 =	vld [tilespmem:$0x460]  }
0x106: {  	v17 =	vld [tilespmem:$0x1E50];
	v20 =	vadd.f32 v20, v23  }
0x107: {  	v58 =	vld [tilespmem:$0x1670]  }
0x108: {  	v19 =	vadd.f32 v51, v19;
	v51 =	vld [tilespmem:$0x670];
	v20 =	vadd.f32 v26, v20  }
0x109: {  	v23 =	vld [tilespmem:$0x660]  }
0x10a: {  	v28 =	vsub.s32 v28, v37;
	v37 =	vld [tilespmem:$0x980];
	v20 =	vadd.f32 v24, v20  }
0x10b: {  	v19 =	vadd.f32 v52, v19;
	v52 =	vld [tilespmem:$0xB70]  }
0x10c: {  	v26 =	vld [tilespmem:$0x860];
	v20 =	vadd.f32 v60, v20  }
0x10d: {  	v19 =	vadd.f32 v27, v19;
	v27 =	vld [tilespmem:$0x960]  }
0x10e: {  	v24 =	vld [tilespmem:$0xA60];
	v20 =	vadd.f32 v23, v20  }
0x10f: {  	v19 =	vadd.f32 v53, v19;
	v53 =	vld [tilespmem:$0xE70]  }
0x110: {  	v60 =	vld [tilespmem:$0x1B70];
	v20 =	vadd.f32 v61, v20  }
0x111: {  	v19 =	vadd.f32 v21, v19;
	v21 =	vld [tilespmem:$0xD60]  }
0x112: {  	v23 =	vld [tilespmem:$0xE60];
	v20 =	vadd.f32 v26, v20  }
0x113: {  	v19 =	vadd.f32 v22, v19;
	v22 =	vld [tilespmem:$0xF60]  }
0x114: {  	v61 =	vld [tilespmem:$0x1D70];
	v20 =	vadd.f32 v27, v20  }
0x115: {  	v18 =	vadd.f32 v18, v19;
	v19 =	vld [tilespmem:$0x1160]  }
0x116: {  	v26 =	vld [tilespmem:$0x1260];
	v20 =	vadd.f32 v24, v20  }
0x117: {  	v18 =	vadd.f32 v54, v18;
	v54 =	vld [tilespmem:$0x1070]  }
0x118: {  	v27 =	vld [tilespmem:$0x1460];
	v20 =	vadd.f32 v62, v20  }
0x119: {  	v18 =	vadd.f32 v25, v18;
	v25 =	vld [tilespmem:$0x1560]  }
0x11a: {  	v24 =	vld [tilespmem:$0x1660];
	v20 =	vadd.f32 v63, v20  }
0x11b: {  	v18 =	vadd.f32 v55, v18;
	v55 =	vld [tilespmem:$0x1270]  }
0x11c: {  	v20 =	vadd.f32 v21, v20;
	v21 =	vld [tilespmem:$0x70]  }
0x11d: {  	v62 =	vld [tilespmem:$0x1F70];
	v18 =	vadd.f32 v56, v18  }
0x11e: {  	v20 =	vadd.f32 v23, v20;
	v23 =	vld [tilespmem:$0x170]  }
0x11f: {  	v56 =	vld [tilespmem:$0x1470];
	v18 =	vadd.f32 v57, v18  }
0x120: {  	v20 =	vadd.f32 v22, v20;
	v22 =	vld [tilespmem:$0x270]  }
0x121: {  	v57 =	vld [tilespmem:$0x1570];
	v17 =	vadd.f32 v17, v18;
	v21 =	vadd.f32 $0.0e+00, v21  }
0x122: {  	v18 =	vld [tilespmem:$0x1C60];
	v20 =	vadd.f32 v40, v20  }
0x123: {  	v17 =	vadd.f32 v59, v17;
	v59 =	vld [tilespmem:$0x1A70];
	v21 =	vadd.f32 v23, v21  }
0x124: {  	v19 =	vadd.f32 v19, v20;
	v20 =	vld [tilespmem:$0x470]  }
0x125: {  	vm6 =	veq.s32 v28, $0x1;
	vm7 =	veq.f32 v17, $0.0e+00;
	v17 =	vld [tilespmem:$0x1E60];
	v21 =	vadd.f32 v22, v21  }
0x126: {  	vm0 =	vmand vm7, vm6;
	v22 =	vld [tilespmem:$0x570];
	v19 =	vadd.f32 v26, v19  }
0x127: {  	v40 =	vld [tilespmem:$0x1280];
	v49 =	vsel vm0, $0x0, v1;
	v21 =	vadd.f32 v48, v21  }
0x128: {  	[tilespmem:$0x2158] =	vst v49;
	v49 =	vld [tilespmem:$0x390];
	v19 =	vadd.f32 v41, v19  }
0x129: {  	v23 =	vld.idx.msk [tilespmem:v7+s10+$0x0], $0xffff;
	v20 =	vadd.f32 v20, v21  }
0x12a: {  	v21 =	vld [tilespmem:$0x770];
	v19 =	vadd.f32 v27, v19  }
0x12b: {  	v26 =	vld [tilespmem:$0x2060];
	v20 =	vadd.f32 v22, v20  }
0x12c: {  	v27 =	vld [tilespmem:$0x870];
	v19 =	vadd.f32 v25, v19  }
0x12d: {  	v48 =	vld [tilespmem:$0x290];
	v20 =	vadd.f32 v51, v20  }
0x12e: {  	v22 =	vld [tilespmem:$0x970];
	v19 =	vadd.f32 v24, v19  }
0x12f: {  	v41 =	vld [tilespmem:$0x1380];
	v20 =	vadd.f32 v21, v20  }
0x130: {  	v25 =	vld [tilespmem:$0xA70];
	v19 =	vadd.f32 v42, v19  }
0x131: {  	v23 =	vsub.s32 v23, v26;
	v26 =	vld [tilespmem:$0x180];
	v20 =	vadd.f32 v27, v20  }
0x132: {  	v51 =	vld [tilespmem:$0x590];
	v19 =	vadd.f32 v43, v19  }
0x133: {  	v24 =	vld [tilespmem:$0xC70];
	v20 =	vadd.f32 v22, v20  }
0x134: {  	v21 =	vld [tilespmem:$0xD70];
	v19 =	vadd.f32 v44, v19  }
0x135: {  	v42 =	vld [tilespmem:$0x1780];
	v20 =	vadd.f32 v25, v20  }
0x136: {  	v27 =	vld [tilespmem:$0xF70];
	v19 =	vadd.f32 v45, v19  }
0x137: {  	v43 =	vld [tilespmem:$0x1B80];
	v20 =	vadd.f32 v52, v20  }
0x138: {  	v22 =	vld [tilespmem:$0x1170];
	v19 =	vadd.f32 v46, v19  }
0x139: {  	v44 =	vld [tilespmem:$0x1C80];
	v20 =	vadd.f32 v24, v20  }
0x13a: {  	v25 =	vld [tilespmem:$0x1370];
	v18 =	vadd.f32 v18, v19  }
0x13b: {  	v45 =	vld [tilespmem:$0x1F80];
	v20 =	vadd.f32 v21, v20  }
0x13c: {  	v52 =	vld [tilespmem:$0x790];
	v18 =	vadd.f32 v47, v18  }
0x13d: {  	v46 =	vld [tilespmem:$0x190];
	v20 =	vadd.f32 v53, v20  }
0x13e: {  	v24 =	vld [tilespmem:$0x1770];
	v17 =	vadd.f32 v17, v18  }
0x13f: {  	v20 =	vadd.f32 v27, v20;
	v27 =	vld [tilespmem:$0x80]  }
0x140: {  	v19 =	vld [tilespmem:$0x1870];
	v17 =	vadd.f32 v50, v17  }
0x141: {  	v21 =	vld [tilespmem:$0x1970];
	v20 =	vadd.f32 v54, v20  }
0x142: {  	vm8 =	veq.s32 v23, $0x1;
	v47 =	vld [tilespmem:$0x2080];
	vm9 =	veq.f32 v17, $0.0e+00  }
0x143: {  	vm0 =	vmand vm9, vm8;
	v20 =	vadd.f32 v22, v20;
	v22 =	vld [tilespmem:$0x280]  }
0x144: {  	v53 =	vld [tilespmem:$0x990];
	v23 =	vsel vm0, $0x0, v1;
	v27 =	vadd.f32 $0.0e+00, v27  }
0x145: {  	[tilespmem:$0x2168] =	vst v23;
	v20 =	vadd.f32 v55, v20;
	v23 =	vld [tilespmem:$0x380]  }
0x146: {  	v18 =	vld [tilespmem:$0x1C70];
	v26 =	vadd.f32 v26, v27  }
0x147: {  	v20 =	vadd.f32 v25, v20;
	v25 =	vld [tilespmem:$0x480]  }
0x148: {  	v50 =	vld [tilespmem:$0x490];
	v22 =	vadd.f32 v22, v26  }
0x149: {  	v26 =	vld [tilespmem:$0x580]  }
0x14a: {  	v54 =	vld [tilespmem:$0xB90];
	v22 =	vadd.f32 v23, v22  }
0x14b: {  	v23 =	vld [tilespmem:$0x680]  }
0x14c: {  	v17 =	vld [tilespmem:$0x1E70];
	v22 =	vadd.f32 v25, v22  }
0x14d: {  	v63 =	vld.idx.msk [tilespmem:v8+s10+$0x0], $0xffff  }
0x14e: {  	v27 =	vld [tilespmem:$0x2070];
	v20 =	vadd.f32 v56, v20;
	v22 =	vadd.f32 v26, v22  }
0x14f: {  	v25 =	vld [tilespmem:$0x880]  }
0x150: {  	v55 =	vld [tilespmem:$0xC90];
	v20 =	vadd.f32 v57, v20;
	v22 =	vadd.f32 v23, v22  }
0x151: {  	v56 =	vld [tilespmem:$0xD90]  }
0x152: {  	v57 =	vld [tilespmem:$0x1190];
	v20 =	vadd.f32 v58, v20;
	v22 =	vadd.f32 v36, v22  }
0x153: {  	v26 =	vld [tilespmem:$0xA80]  }
0x154: {  	v27 =	vsub.s32 v63, v27;
	v63 =	vld [tilespmem:$0x1C90];
	v20 =	vadd.f32 v24, v20;
	v22 =	vadd.f32 v25, v22  }
0x155: {  	v24 =	vld [tilespmem:$0xB80]  }
0x156: {  	v58 =	vld [tilespmem:$0x1490];
	v19 =	vadd.f32 v19, v20;
	v22 =	vadd.f32 v37, v22  }
0x157: {  	v23 =	vld [tilespmem:$0xC80]  }
0x158: {  	v20 =	vld [tilespmem:$0xD80];
	v19 =	vadd.f32 v21, v19;
	v22 =	vadd.f32 v26, v22  }
0x159: {  	v36 =	vld [tilespmem:$0x1FD0]  }
0x15a: {  	v21 =	vld [tilespmem:$0xF80];
	v19 =	vadd.f32 v59, v19;
	v22 =	vadd.f32 v24, v22  }
0x15b: {  	v25 =	vld [tilespmem:$0x1080]  }
0x15c: {  	v59 =	vld [tilespmem:$0x1590];
	v19 =	vadd.f32 v60, v19;
	v22 =	vadd.f32 v23, v22  }
0x15d: {  	v37 =	vld [tilespmem:$0xFB0]  }
0x15e: {  	v60 =	vld [tilespmem:$0x1690];
	v18 =	vadd.f32 v18, v19;
	v20 =	vadd.f32 v20, v22  }
0x15f: {  	v26 =	vld [tilespmem:$0x1480]  }
0x160: {  	v19 =	vld [tilespmem:$0x1580];
	v18 =	vadd.f32 v61, v18;
	v20 =	vadd.f32 v38, v20  }
0x161: {  	v24 =	vld [tilespmem:$0x1680]  }
0x162: {  	v61 =	vld [tilespmem:$0x1990];
	v17 =	vadd.f32 v17, v18;
	v20 =	vadd.f32 v21, v20  }
0x163: {  	v23 =	vld [tilespmem:$0x1880]  }
0x164: {  	v17 =	vadd.f32 v62, v17;
	v20 =	vadd.f32 v25, v20;
	v25 =	vld [tilespmem:$0x90]  }
0x165: {  	v18 =	vld [tilespmem:$0x1980]  }
0x166: {  	vm10 =	veq.s32 v27, $0x1;
	v22 =	vld [tilespmem:$0x1A80];
	vm11 =	veq.f32 v17, $0.0e+00  }
0x167: {  	v62 =	vld [tilespmem:$0x1B90];
	vm0 =	vmand vm11, vm10  }
0x168: {  	v38 =	vld [tilespmem:$0x10B0];
	v27 =	vsel vm0, $0x0, v1  }
0x169: {  	v17 =	vld [tilespmem:$0x1D80];
	[tilespmem:$0x2178] =	vst v27;
	v25 =	vadd.f32 $0.0e+00, v25  }
0x16a: {  	v27 =	vld.idx.msk [tilespmem:v9+s10+$0x0], $0xffff;
	v20 =	vadd.f32 v39, v20  }
0x16b: {  	v21 =	vld [tilespmem:$0x1E80];
	v25 =	vadd.f32 v46, v25  }
0x16c: {  	v39 =	vld [tilespmem:$0x11B0];
	v20 =	vadd.f32 v40, v20  }
0x16d: {  	v40 =	vld [tilespmem:$0x1D90];
	v25 =	vadd.f32 v48, v25  }
0x16e: {  	v20 =	vadd.f32 v41, v20;
	v41 =	vld [tilespmem:$0x1F90]  }
0x16f: {  	v27 =	vsub.s32 v27, v47;
	v47 =	vld [tilespmem:$0xDA0];
	v25 =	vadd.f32 v49, v25  }
0x170: {  	v20 =	vadd.f32 v26, v20;
	v26 =	vld [tilespmem:$0x690]  }
0x171: {  	v46 =	vld [tilespmem:$0xBA0];
	v25 =	vadd.f32 v50, v25  }
0x172: {  	v48 =	vld [tilespmem:$0x12A0];
	v19 =	vadd.f32 v19, v20  }
0x173: {  	v20 =	vld [tilespmem:$0x890];
	v25 =	vadd.f32 v51, v25  }
0x174: {  	v49 =	vld [tilespmem:$0x13A0];
	v19 =	vadd.f32 v24, v19  }
0x175: {  	v24 =	vld [tilespmem:$0xA90];
	v25 =	vadd.f32 v26, v25  }
0x176: {  	v50 =	vld [tilespmem:$0x14A0];
	v19 =	vadd.f32 v42, v19  }
0x177: {  	v42 =	vld [tilespmem:$0x2090];
	v25 =	vadd.f32 v52, v25  }
0x178: {  	v51 =	vld [tilespmem:$0x17A0];
	v19 =	vadd.f32 v23, v19  }
0x179: {  	v23 =	vld [tilespmem:$0xE90];
	v20 =	vadd.f32 v20, v25  }
0x17a: {  	v26 =	vld [tilespmem:$0xF90];
	v18 =	vadd.f32 v18, v19  }
0x17b: {  	v19 =	vld [tilespmem:$0x1090];
	v20 =	vadd.f32 v53, v20  }
0x17c: {  	v52 =	vld [tilespmem:$0x18A0];
	v18 =	vadd.f32 v22, v18  }
0x17d: {  	v22 =	vld [tilespmem:$0x1290];
	v20 =	vadd.f32 v24, v20  }
0x17e: {  	v25 =	vld [tilespmem:$0x1390];
	v18 =	vadd.f32 v43, v18  }
0x17f: {  	v43 =	vld [tilespmem:$0x3A0];
	v20 =	vadd.f32 v54, v20  }
0x180: {  	v53 =	vld [tilespmem:$0x19A0];
	v18 =	vadd.f32 v44, v18  }
0x181: {  	v44 =	vld [tilespmem:$0x8A0];
	v20 =	vadd.f32 v55, v20  }
0x182: {  	v24 =	vld [tilespmem:$0x1790];
	v17 =	vadd.f32 v17, v18  }
0x183: {  	v18 =	vld [tilespmem:$0x1890];
	v20 =	vadd.f32 v56, v20  }
0x184: {  	v54 =	vld [tilespmem:$0xB0];
	v17 =	vadd.f32 v21, v17  }
0x185: {  	v20 =	vadd.f32 v23, v20;
	v23 =	vld [tilespmem:$0xA0]  }
0x186: {  	v21 =	vld [tilespmem:$0x1A90];
	v17 =	vadd.f32 v45, v17  }
0x187: {  	v20 =	vadd.f32 v26, v20;
	v26 =	vld [tilespmem:$0x1A0]  }
0x188: {  	vm12 =	veq.s32 v27, $0x1;
	v55 =	vld [tilespmem:$0x1BA0];
	vm13 =	veq.f32 v17, $0.0e+00  }
0x189: {  	vm0 =	vmand vm13, vm12;
	v19 =	vadd.f32 v19, v20;
	v20 =	vld [tilespmem:$0x2A0]  }
0x18a: {  	v45 =	vld [tilespmem:$0x9A0];
	v27 =	vsel vm0, $0x0, v1;
	v23 =	vadd.f32 $0.0e+00, v23  }
0x18b: {  	v56 =	vld [tilespmem:$0x2B0];
	[tilespmem:$0x2188] =	vst v27;
	v19 =	vadd.f32 v57, v19  }
0x18c: {  	v27 =	vld.idx.msk [tilespmem:v10+s10+$0x0], $0xffff;
	v23 =	vadd.f32 v26, v23  }
0x18d: {  	v26 =	vld [tilespmem:$0x4A0];
	v19 =	vadd.f32 v22, v19  }
0x18e: {  	v17 =	vld [tilespmem:$0x1E90];
	v20 =	vadd.f32 v20, v23  }
0x18f: {  	v22 =	vld [tilespmem:$0x5A0];
	v19 =	vadd.f32 v25, v19  }
0x190: {  	v32 =	vadd.f32 $0.0e+00, v54;
	v54 =	vld [tilespmem:$0xAC0];
	v20 =	vadd.f32 v43, v20  }
0x191: {  	v23 =	vld [tilespmem:$0x6A0];
	v19 =	vadd.f32 v58, v19  }
0x192: {  	v27 =	vsub.s32 v27, v42;
	v42 =	vld [tilespmem:$0x1BB0];
	v20 =	vadd.f32 v26, v20  }
0x193: {  	v25 =	vld [tilespmem:$0x7A0];
	v19 =	vadd.f32 v59, v19  }
0x194: {  	vm14 =	veq.s32 v27, $0x1;
	v27 =	vld [tilespmem:$0x3B0];
	v20 =	vadd.f32 v22, v20  }
0x195: {  	v43 =	vld [tilespmem:$0xC0];
	v19 =	vadd.f32 v60, v19  }
0x196: {  	v58 =	vld [tilespmem:$0x5B0];
	v20 =	vadd.f32 v23, v20  }
0x197: {  	v26 =	vld [tilespmem:$0xAA0];
	v19 =	vadd.f32 v24, v19  }
0x198: {  	v22 =	vld [tilespmem:$0xCA0];
	v20 =	vadd.f32 v25, v20  }
0x199: {  	v60 =	vld [tilespmem:$0x20A0];
	v18 =	vadd.f32 v18, v19  }
0x19a: {  	v34 =	vadd.f32 $0.0e+00, v43;
	v43 =	vld [tilespmem:$0x11D0];
	v20 =	vadd.f32 v44, v20  }
0x19b: {  	v23 =	vld [tilespmem:$0xEA0];
	v18 =	vadd.f32 v61, v18  }
0x19c: {  	v24 =	vld [tilespmem:$0xFA0];
	v20 =	vadd.f32 v45, v20  }
0x19d: {  	v25 =	vld [tilespmem:$0x10A0];
	v18 =	vadd.f32 v21, v18  }
0x19e: {  	v19 =	vld [tilespmem:$0x11A0];
	v20 =	vadd.f32 v26, v20  }
0x19f: {  	v44 =	vld [tilespmem:$0x1C0];
	v18 =	vadd.f32 v62, v18  }
0x1a0: {  	v61 =	vld [tilespmem:$0x8B0];
	v20 =	vadd.f32 v46, v20  }
0x1a1: {  	v45 =	vld [tilespmem:$0x2C0];
	v18 =	vadd.f32 v63, v18  }
0x1a2: {  	v21 =	vld [tilespmem:$0x15A0];
	v20 =	vadd.f32 v22, v20  }
0x1a3: {  	v26 =	vld [tilespmem:$0x16A0];
	v18 =	vadd.f32 v40, v18  }
0x1a4: {  	v62 =	vld [tilespmem:$0x9B0];
	v20 =	vadd.f32 v47, v20  }
0x1a5: {  	v17 =	vadd.f32 v17, v18;
	v18 =	vld [tilespmem:$0x1B0]  }
0x1a6: {  	v31 =	vadd.f32 v44, v34;
	v44 =	vld [tilespmem:$0x13D0];
	v20 =	vadd.f32 v23, v20  }
0x1a7: {  	v63 =	vld [tilespmem:$0xEB0]  }
0x1a8: {  	v22 =	vld [tilespmem:$0x1AA0];
	v17 =	vadd.f32 v41, v17;
	v20 =	vadd.f32 v24, v20  }
0x1a9: {  	v40 =	vld [tilespmem:$0x13B0]  }
0x1aa: {  	v47 =	vld [tilespmem:$0x3C0];
	vm15 =	veq.f32 v17, $0.0e+00;
	v17 =	vadd.f32 v25, v20;
	v18 =	vadd.f32 v18, v32  }
0x1ab: {  	v25 =	vld [tilespmem:$0x4B0]  }
0x1ac: {  	v23 =	vld [tilespmem:$0x1CA0];
	v17 =	vadd.f32 v19, v17;
	v18 =	vadd.f32 v56, v18  }
0x1ad: {  	v41 =	vld [tilespmem:$0x17B0]  }
0x1ae: {  	v24 =	vld [tilespmem:$0x1DA0];
	v17 =	vadd.f32 v48, v17;
	v18 =	vadd.f32 v27, v18  }
0x1af: {  	v27 =	vld [tilespmem:$0x6B0]  }
0x1b0: {  	v20 =	vld [tilespmem:$0x1EA0];
	v17 =	vadd.f32 v49, v17;
	v18 =	vadd.f32 v25, v18  }
0x1b1: {  	v25 =	vld [tilespmem:$0x7B0]  }
0x1b2: {  	v32 =	vld [tilespmem:$0x1BD0];
	v17 =	vadd.f32 v50, v17;
	v18 =	vadd.f32 v58, v18  }
0x1b3: {  	vm0 =	vmand vm15, vm14;
	v19 =	vld [tilespmem:$0x1FA0]  }
0x1b4: {  	v57 =	vsel vm0, $0x0, v1;
	v56 =	vld [tilespmem:$0xDC0];
	v17 =	vadd.f32 v21, v17;
	v18 =	vadd.f32 v27, v18  }
0x1b5: {  	[tilespmem:$0x2198] =	vst v57;
	v57 =	vld [tilespmem:$0xFC0]  }
0x1b6: {  	v59 =	vld.idx.msk [tilespmem:v11+s10+$0x0], $0xffff;
	v17 =	vadd.f32 v26, v17;
	v18 =	vadd.f32 v25, v18  }
0x1b7: {  	v21 =	vld [tilespmem:$0xAB0]  }
0x1b8: {  	v49 =	vld [tilespmem:$0x4C0];
	v17 =	vadd.f32 v51, v17;
	v18 =	vadd.f32 v61, v18  }
0x1b9: {  	v27 =	vld [tilespmem:$0xBB0]  }
0x1ba: {  	v50 =	vld [tilespmem:$0x5C0];
	v17 =	vadd.f32 v52, v17;
	v18 =	vadd.f32 v62, v18  }
0x1bb: {  	v25 =	vld [tilespmem:$0xCB0]  }
0x1bc: {  	v58 =	vld [tilespmem:$0x12C0];
	v17 =	vadd.f32 v53, v17;
	v18 =	vadd.f32 v21, v18  }
0x1bd: {  	v26 =	vld [tilespmem:$0xDB0]  }
0x1be: {  	v29 =	vsub.s32 v59, v60;
	v59 =	vld [tilespmem:$0x13C0];
	v17 =	vadd.f32 v22, v17;
	v18 =	vadd.f32 v27, v18  }
0x1bf: {  	v60 =	vld [tilespmem:$0x15C0];
	vm4 =	veq.s32 v29, $0x1;
	v29 =	vadd.f32 v45, v31  }
0x1c0: {  	v45 =	vld [tilespmem:$0x15D0];
	v17 =	vadd.f32 v55, v17;
	v18 =	vadd.f32 v25, v18  }
0x1c1: {  	v51 =	vld [tilespmem:$0x6C0]  }
0x1c2: {  	v61 =	vld [tilespmem:$0x17C0];
	v17 =	vadd.f32 v23, v17;
	v18 =	vadd.f32 v26, v18  }
0x1c3: {  	v52 =	vld [tilespmem:$0x7C0]  }
0x1c4: {  	v62 =	vld [tilespmem:$0x1BC0];
	v17 =	vadd.f32 v24, v17;
	v18 =	vadd.f32 v63, v18  }
0x1c5: {  	v21 =	vld [tilespmem:$0x12B0]  }
0x1c6: {  	v53 =	vld [tilespmem:$0x9C0];
	v17 =	vadd.f32 v20, v17;
	v18 =	vadd.f32 v37, v18  }
0x1c7: {  	v22 =	vld [tilespmem:$0x14B0]  }
0x1c8: {  	v27 =	vld [tilespmem:$0x15B0];
	v17 =	vadd.f32 v19, v17;
	v18 =	vadd.f32 v38, v18  }
0x1c9: {  	v25 =	vld [tilespmem:$0x16B0]  }
0x1ca: {  	v55 =	vld [tilespmem:$0xBC0];
	vm5 =	veq.f32 v17, $0.0e+00;
	v17 =	vadd.f32 v39, v18  }
0x1cb: {  	v23 =	vld [tilespmem:$0x18B0]  }
0x1cc: {  	v26 =	vld [tilespmem:$0x19B0];
	v17 =	vadd.f32 v21, v17  }
0x1cd: {  	v24 =	vld [tilespmem:$0x1AB0]  }
0x1ce: {  	v63 =	vld [tilespmem:$0x1EC0];
	v17 =	vadd.f32 v40, v17  }
0x1cf: {  	v20 =	vld [tilespmem:$0x1CB0]  }
0x1d0: {  	v19 =	vld [tilespmem:$0x1DB0];
	v17 =	vadd.f32 v22, v17  }
0x1d1: {  	v38 =	vld [tilespmem:$0x7D0]  }
0x1d2: {  	v18 =	vld [tilespmem:$0x1EB0];
	v17 =	vadd.f32 v27, v17;
	v27 =	vadd.f32 v47, v29  }
0x1d3: {  	v39 =	vld [tilespmem:$0x9D0];
	vm0 =	vmand vm5, vm4  }
0x1d4: {  	v46 =	vsel vm0, $0x0, v1;
	v21 =	vld [tilespmem:$0x1FB0];
	v17 =	vadd.f32 v25, v17;
	v25 =	vadd.f32 v49, v27  }
0x1d5: {  	[tilespmem:$0x21A8] =	vst v46;
	v46 =	vld [tilespmem:$0x17D0]  }
0x1d6: {  	v48 =	vld.idx.msk [tilespmem:v12+s10+$0x0], $0xffff;
	v17 =	vadd.f32 v41, v17;
	v25 =	vadd.f32 v50, v25  }
0x1d7: {  	v27 =	vld [tilespmem:$0x8C0]  }
0x1d8: {  	v22 =	vld [tilespmem:$0x20B0];
	v17 =	vadd.f32 v23, v17;
	v23 =	vadd.f32 v51, v25  }
0x1d9: {  	v40 =	vld [tilespmem:$0xBD0]  }
0x1da: {  	v29 =	vld [tilespmem:$0x14D0];
	v17 =	vadd.f32 v26, v17;
	v23 =	vadd.f32 v52, v23  }
0x1db: {  	v47 =	vld [tilespmem:$0x20D0]  }
0x1dc: {  	v49 =	vld [tilespmem:$0x1D0];
	v17 =	vadd.f32 v24, v17;
	v23 =	vadd.f32 v27, v23  }
0x1dd: {  	v22 =	vsub.s32 v48, v22;
	v48 =	vld [tilespmem:$0x20C0]  }
0x1de: {  	vm6 =	veq.s32 v22, $0x1;
	v22 =	vld [tilespmem:$0x1DC0];
	v17 =	vadd.f32 v42, v17;
	v23 =	vadd.f32 v53, v23  }
0x1df: {  	v25 =	vld [tilespmem:$0xCC0]  }
0x1e0: {  	v50 =	vld [tilespmem:$0x2D0];
	v17 =	vadd.f32 v20, v17;
	v20 =	vadd.f32 v54, v23  }
0x1e1: {  	v41 =	vld [tilespmem:$0xDD0]  }
0x1e2: {  	v51 =	vld [tilespmem:$0x3D0];
	v17 =	vadd.f32 v19, v17;
	v19 =	vadd.f32 v55, v20  }
0x1e3: {  	v26 =	vld [tilespmem:$0xEC0]  }
0x1e4: {  	v52 =	vld [tilespmem:$0x4D0];
	v17 =	vadd.f32 v18, v17;
	v18 =	vadd.f32 v25, v19  }
0x1e5: {  	v24 =	vld [tilespmem:$0x10C0]  }
0x1e6: {  	v27 =	vld [tilespmem:$0x11C0];
	v17 =	vadd.f32 v21, v17;
	v18 =	vadd.f32 v56, v18  }
0x1e7: {  	v53 =	vld [tilespmem:$0x5D0]  }
0x1e8: {  	v42 =	vld [tilespmem:$0xFD0];
	vm7 =	veq.f32 v17, $0.0e+00;
	v17 =	vadd.f32 v26, v18  }
0x1e9: {  	v23 =	vld [tilespmem:$0x14C0]  }
0x1ea: {  	v54 =	vld [tilespmem:$0x8D0];
	v17 =	vadd.f32 v57, v17  }
0x1eb: {  	v20 =	vld [tilespmem:$0x16C0]  }
0x1ec: {  	v55 =	vld [tilespmem:$0xCD0];
	v17 =	vadd.f32 v24, v17  }
0x1ed: {  	v19 =	vld [tilespmem:$0x18C0]  }
0x1ee: {  	vm0 =	vmand vm7, vm6;
	v17 =	vadd.f32 v27, v17;
	v27 =	vld [tilespmem:$0xD0]  }
0x1ef: {  	v25 =	vld [tilespmem:$0x19C0];
	v26 =	vsel vm0, $0x0, v1  }
0x1f0: {  	v21 =	vld [tilespmem:$0x1AC0];
	[tilespmem:$0x21B8] =	vst v26;
	v17 =	vadd.f32 v58, v17  }
0x1f1: {  	v24 =	vld.idx.msk [tilespmem:v13+s10+$0x0], $0xffff  }
0x1f2: {  	v18 =	vld [tilespmem:$0x1CC0];
	v17 =	vadd.f32 v59, v17  }
0x1f3: {  	v57 =	vld [tilespmem:$0x1E0];
	v27 =	vadd.f32 $0.0e+00, v27  }
0x1f4: {  	v26 =	vld [tilespmem:$0x1FC0];
	v17 =	vadd.f32 v23, v17  }
0x1f5: {  	v58 =	vld [tilespmem:$0x3E0];
	v27 =	vadd.f32 v49, v27  }
0x1f6: {  	v24 =	vsub.s32 v24, v48;
	v48 =	vld [tilespmem:$0x9E0];
	v17 =	vadd.f32 v60, v17  }
0x1f7: {  	v59 =	vld [tilespmem:$0x4E0];
	v27 =	vadd.f32 v50, v27  }
0x1f8: {  	v23 =	vld [tilespmem:$0x6D0];
	v17 =	vadd.f32 v20, v17  }
0x1f9: {  	v49 =	vld [tilespmem:$0x2F0];
	v27 =	vadd.f32 v51, v27  }
0x1fa: {  	v60 =	vld [tilespmem:$0x5E0];
	v17 =	vadd.f32 v61, v17  }
0x1fb: {  	vm8 =	veq.s32 v24, $0x1;
	v24 =	vadd.f32 v52, v27;
	v27 =	vld [tilespmem:$0xE0]  }
0x1fc: {  	v50 =	vld [tilespmem:$0xAE0];
	v17 =	vadd.f32 v19, v17  }
0x1fd: {  	v20 =	vld [tilespmem:$0xAD0];
	v24 =	vadd.f32 v53, v24  }
0x1fe: {  	v51 =	vld [tilespmem:$0xBE0];
	v17 =	vadd.f32 v25, v17  }
0x1ff: {  	v23 =	vadd.f32 v23, v24;
	v24 =	vld [tilespmem:$0x2E0]  }
0x200: {  	v61 =	vld [tilespmem:$0x7E0];
	v17 =	vadd.f32 v21, v17;
	v27 =	vadd.f32 $0.0e+00, v27  }
0x201: {  	v52 =	vld [tilespmem:$0x4F0];
	v23 =	vadd.f32 v38, v23  }
0x202: {  	v19 =	vld [tilespmem:$0xED0];
	v17 =	vadd.f32 v62, v17;
	v27 =	vadd.f32 v57, v27  }
0x203: {  	v53 =	vld [tilespmem:$0xCE0];
	v23 =	vadd.f32 v54, v23  }
0x204: {  	v25 =	vld [tilespmem:$0x10D0];
	v17 =	vadd.f32 v18, v17;
	v24 =	vadd.f32 v24, v27  }
0x205: {  	v21 =	vld [tilespmem:$0x12D0];
	v23 =	vadd.f32 v39, v23  }
0x206: {  	v62 =	vld [tilespmem:$0xF0];
	v17 =	vadd.f32 v22, v17;
	v24 =	vadd.f32 v58, v24  }
0x207: {  	v27 =	vld [tilespmem:$0x6E0];
	v20 =	vadd.f32 v20, v23  }
0x208: {  	v17 =	vadd.f32 v63, v17;
	v24 =	vadd.f32 v59, v24;
	v63 =	vld [tilespmem:$0x1F0]  }
0x209: {  	v57 =	vld [tilespmem:$0x9F0];
	v20 =	vadd.f32 v40, v20  }
0x20a: {  	v54 =	vld [tilespmem:$0x6F0];
	v24 =	vadd.f32 v60, v24  }
0x20b: {  	v23 =	vld [tilespmem:$0x8E0];
	v38 =	vadd.f32 $0.0e+00, v62;
	v20 =	vadd.f32 v55, v20  }
0x20c: {  	v24 =	vadd.f32 v27, v24;
	v27 =	vld [tilespmem:$0x3F0]  }
0x20d: {  	v18 =	vld [tilespmem:$0x16D0];
	v20 =	vadd.f32 v41, v20;
	v34 =	vadd.f32 v63, v38  }
0x20e: {  	v22 =	vld [tilespmem:$0x18D0];
	v24 =	vadd.f32 v61, v24  }
0x20f: {  	v58 =	vld [tilespmem:$0x11E0];
	v19 =	vadd.f32 v19, v20;
	v20 =	vadd.f32 v49, v34  }
0x210: {  	v17 =	vadd.f32 v26, v17;
	v23 =	vadd.f32 v23, v24;
	v24 =	vld [tilespmem:$0x5F0]  }
0x211: {  	v59 =	vld [tilespmem:$0x12E0];
	v19 =	vadd.f32 v42, v19;
	v20 =	vadd.f32 v27, v20  }
0x212: {  	v26 =	vld [tilespmem:$0x1CD0];
	v23 =	vadd.f32 v48, v23  }
0x213: {  	v60 =	vld [tilespmem:$0x13E0];
	vm9 =	veq.f32 v17, $0.0e+00;
	v19 =	vadd.f32 v25, v19;
	v20 =	vadd.f32 v52, v20  }
0x214: {  	v55 =	vld [tilespmem:$0x7F0];
	vm0 =	vmand vm9, vm8;
	v23 =	vadd.f32 v50, v23  }
0x215: {  	v56 =	vsel vm0, $0x0, v1;
	v27 =	vld [tilespmem:$0xDE0];
	v19 =	vadd.f32 v43, v19;
	v20 =	vadd.f32 v24, v20  }
0x216: {  	[tilespmem:$0x21C8] =	vst v56;
	v56 =	vld [tilespmem:$0x8F0];
	v23 =	vadd.f32 v51, v23  }
0x217: {  	v25 =	vld [tilespmem:$0xEE0];
	v19 =	vadd.f32 v21, v19;
	v20 =	vadd.f32 v54, v20  }
0x218: {  	v17 =	vld [tilespmem:$0x1ED0];
	v23 =	vadd.f32 v53, v23  }
0x219: {  	v24 =	vld [tilespmem:$0xFE0];
	v19 =	vadd.f32 v44, v19;
	v20 =	vadd.f32 v55, v20  }
0x21a: {  	v23 =	vadd.f32 v27, v23;
	v27 =	vld [tilespmem:$0xAF0]  }
0x21b: {  	v21 =	vld [tilespmem:$0x10E0];
	v19 =	vadd.f32 v29, v19;
	v20 =	vadd.f32 v56, v20  }
0x21c: {  	v23 =	vadd.f32 v25, v23;
	v25 =	vld [tilespmem:$0xBF0]  }
0x21d: {  	v61 =	vld [tilespmem:$0x10F0];
	v19 =	vadd.f32 v45, v19;
	v20 =	vadd.f32 v57, v20  }
0x21e: {  	v23 =	vadd.f32 v24, v23;
	v24 =	vld [tilespmem:$0xCF0]  }
0x21f: {  	v37 =	vld.idx.msk [tilespmem:v14+s10+$0x0], $0xffff;
	v18 =	vadd.f32 v18, v19;
	v19 =	vadd.f32 v27, v20  }
0x220: {  	v21 =	vadd.f32 v21, v23;
	v23 =	vld [tilespmem:$0xDF0]  }
0x221: {  	v20 =	vld [tilespmem:$0x14E0];
	v18 =	vadd.f32 v46, v18;
	v19 =	vadd.f32 v25, v19  }
0x222: {  	v27 =	vld [tilespmem:$0xEF0];
	v21 =	vadd.f32 v58, v21  }
0x223: {  	v25 =	vld [tilespmem:$0x15E0];
	v18 =	vadd.f32 v22, v18;
	v19 =	vadd.f32 v24, v19  }
0x224: {  	v24 =	vld [tilespmem:$0xFF0];
	v21 =	vadd.f32 v59, v21  }
0x225: {  	v22 =	vld [tilespmem:$0x16E0];
	v18 =	vadd.f32 v35, v18;
	v19 =	vadd.f32 v23, v19  }
0x226: {  	v23 =	vld [tilespmem:$0x17E0];
	v21 =	vadd.f32 v60, v21  }
0x227: {  	v18 =	vadd.f32 v30, v18;
	v19 =	vadd.f32 v27, v19;
	v27 =	vld [tilespmem:$0x18E0]  }
0x228: {  	v20 =	vadd.f32 v20, v21;
	v21 =	vld [tilespmem:$0x11F0]  }
0x229: {  	v18 =	vadd.f32 v32, v18;
	v19 =	vadd.f32 v24, v19;
	v24 =	vld [tilespmem:$0x19E0]  }
0x22a: {  	v20 =	vadd.f32 v25, v20;
	v25 =	vld [tilespmem:$0x12F0]  }
0x22b: {  	v18 =	vadd.f32 v26, v18;
	v19 =	vadd.f32 v61, v19;
	v26 =	vld [tilespmem:$0x1AE0]  }
0x22c: {  	v20 =	vadd.f32 v22, v20;
	v22 =	vld [tilespmem:$0x13F0]  }
0x22d: {  	v18 =	vadd.f32 v33, v18;
	v19 =	vadd.f32 v21, v19;
	v21 =	vld [tilespmem:$0x1BE0]  }
0x22e: {  	v20 =	vadd.f32 v23, v20;
	v23 =	vld [tilespmem:$0x14F0]  }
0x22f: {  	v17 =	vadd.f32 v17, v18;
	v18 =	vadd.f32 v25, v19;
	v19 =	vld [tilespmem:$0x1CE0]  }
0x230: {  	v25 =	vld [tilespmem:$0x15F0];
	v20 =	vadd.f32 v27, v20  }
0x231: {  	v17 =	vadd.f32 v36, v17;
	v18 =	vadd.f32 v22, v18;
	v22 =	vld [tilespmem:$0x1DE0]  }
0x232: {  	v27 =	vsub.s32 v37, v47;
	v20 =	vadd.f32 v24, v20;
	v24 =	vld [tilespmem:$0x16F0]  }
0x233: {  	vm10 =	veq.s32 v27, $0x1;
	v27 =	vld [tilespmem:$0x1FE0];
	vm11 =	veq.f32 v17, $0.0e+00;
	v18 =	vadd.f32 v23, v18  }
0x234: {  	v23 =	vld [tilespmem:$0x17F0];
	vm0 =	vmand vm11, vm10;
	v20 =	vadd.f32 v26, v20  }
0x235: {  	v17 =	vld [tilespmem:$0x1EE0];
	v26 =	vsel vm0, $0x0, v1;
	v18 =	vadd.f32 v25, v18  }
0x236: {  	[tilespmem:$0x21D8] =	vst v26;
	v20 =	vadd.f32 v21, v20;
	v21 =	vld [tilespmem:$0x18F0]  }
0x237: {  	v25 =	vld.idx.msk [tilespmem:v15+s10+$0x0], $0xffff;
	v18 =	vadd.f32 v24, v18  }
0x238: {  	v19 =	vadd.f32 v19, v20;
	v20 =	vld [tilespmem:$0x19F0]  }
0x239: {  	v24 =	vld [tilespmem:$0x20E0];
	v18 =	vadd.f32 v23, v18  }
0x23a: {  	v19 =	vadd.f32 v22, v19;
	v22 =	vld [tilespmem:$0x1AF0]  }
0x23b: {  	v18 =	vadd.f32 v21, v18  }
0x23c: {  	v17 =	vadd.f32 v17, v19;
	v19 =	vld [tilespmem:$0x1BF0]  }
0x23d: {  	v18 =	vadd.f32 v20, v18  }
0x23e: {  	v20 =	vld [tilespmem:$0x1CF0];
	v17 =	vadd.f32 v27, v17  }
0x23f: {  	v21 =	vsub.s32 v25, v24;
	v18 =	vadd.f32 v22, v18  }
0x240: {  	vm12 =	veq.s32 v21, $0x1;
	vm13 =	veq.f32 v17, $0.0e+00;
	v17 =	vld [tilespmem:$0x1DF0]  }
0x241: {  	vm0 =	vmand vm13, vm12;
	v18 =	vadd.f32 v19, v18  }
0x242: {  	v21 =	vld [tilespmem:$0x1EF0];
	v19 =	vsel vm0, $0x0, v1  }
0x243: {  	[tilespmem:$0x21E8] =	vst v19;
	v18 =	vadd.f32 v20, v18;
	v19 =	vld [tilespmem:$0x1FF0]  }
0x244: {  	v20 =	vld.idx.msk [tilespmem:v16+s10+$0x0], $0xffff  }
0x245: {  	v17 =	vadd.f32 v17, v18;
	v18 =	vld [tilespmem:$0x20F0];
	_ =	sdelay $0x1  }
0x246: {  	v17 =	vadd.f32 v21, v17;
	_ =	sdelay $0x1  }
0x247: {  	v17 =	vadd.f32 v19, v17  }
0x248: {  	v18 =	vsub.s32 v20, v18  }
0x249: {  	vm14 =	veq.s32 v18, $0x1;
	vm15 =	veq.f32 v17, $0.0e+00  }
0x24a: {  	vm0 =	vmand vm15, vm14  }
0x24b: {  	v17 =	vsel vm0, $0x0, v1  }
0x24c: {  	s16 =	simm.s32 $0x2228;
	[tilespmem:$0x21F8] =	vst v17  }
0x24d: {  	v17 =	vld [tilespmem:s16+$0x10]  }
0x24e: {  	v18 =	vld [tilespmem:s16+$0xFFFFFFF0]  }
0x24f: {  	v19 =	vld [tilespmem:s16+$0xFFFFFFE0]  }
0x250: {  	s31 =	simm.s32 $0x2E68;
	v20 =	vld [tilespmem:s16+$0x0]  }
0x251: {  	s17 =	simm.s32 $0x2268;
	v23 =	vld [tilespmem:s31+$0x10]  }
0x252: {  	v21 =	vld [tilespmem:s17+$0x10]  }
0x253: {  	v26 =	vld [tilespmem:s17+$0xFFFFFFF0]  }
0x254: {  	v27 =	vld [tilespmem:s17+$0xFFFFFFE0]  }
0x255: {  	v62 =	vld [tilespmem:s31+$0xFFFFFFE0]  }
0x256: {  	v63 =	vld [tilespmem:s31+$0xFFFFFFF0]  }
0x257: {  	v22 =	vld [tilespmem:s31+$0x0]  }
0x258: {  	v17 =	vld.idx.msk [tilespmem:v17+s13+$0x0], $0xffff  }
0x259: {  	v25 =	vld.idx.msk [tilespmem:v18+s13+$0x0], $0xffff  }
0x25a: {  	v24 =	vld.idx.msk [tilespmem:v19+s13+$0x0], $0xffff  }
0x25b: {  	v18 =	vld [tilespmem:s17+$0x0]  }
0x25c: {  	v19 =	vld.idx.msk [tilespmem:v20+s13+$0x0], $0xffff  }
0x25d: {  	v21 =	vld.idx.msk [tilespmem:v21+s13+$0x0], $0xffff;
	s17 =	simm.s32 $0x2EA8  }
0x25e: {  	v17 =	vmul.f32 v23, v17;
	v23 =	vld [tilespmem:s17+$0x10]  }
0x25f: {  	s16 =	simm.s32 $0x3AA8;
	v20 =	vld.idx.msk [tilespmem:v26+s13+$0x0], $0xffff;
	v24 =	vmul.f32 v62, v24  }
0x260: {  	s18 =	simm.s32 $0x4;
	s19 =	simm.s32 $0x22A8;
	v25 =	vmul.f32 v63, v25;
	[tilespmem:s16+$0x10] =	vst v17;
	v17 =	vld.idx.msk [tilespmem:v27+s13+$0x0], $0xffff  }
.LBB2_2:
0x261: {  	v26 =	vld [tilespmem:s19+$0x10];
	s18 =	sadd.s32 $0x4, s18;
	[tilespmem:s16+$0xFFFFFFE0] =	vst v24;
	v19 =	vmul.f32 v22, v19  }
0x262: {  	v24 =	vld [tilespmem:s19+$0xFFFFFFF0];
	p0 =	slt.u32 s18, $0xC0;
	[tilespmem:s16+$0xFFFFFFF0] =	vst v25  }
0x263: {  	v25 =	vld [tilespmem:s19+$0x0];
	v21 =	vmul.f32 v23, v21;
	[tilespmem:s16+$0x0] =	vst v19  }
0x264: {  	s16 =	sadd.s32 $0x40, s16;
	v27 =	vld [tilespmem:s19+$0xFFFFFFE0]  }
0x265: {  	v28 =	vmov v20;
	v19 =	vld.idx.msk [tilespmem:v18+s13+$0x0], $0xffff;
	[tilespmem:s16+$0x10] =	vst v21  }
0x266: {  	v29 =	vld [tilespmem:s17+$0xFFFFFFE0]  }
0x267: {  	v30 =	vld [tilespmem:s17+$0xFFFFFFF0]  }
.Ltmp0:
0x268: {  	v22 =	vld [tilespmem:s17+$0x0];
	v18 =	vmov v25;
	(pc) =	sbr.rel @p0 .LBB2_2-.Ltmp0, $4  }
0x269: {  	s17 =	sadd.s32 $0x40, s17;
	v21 =	vld.idx.msk [tilespmem:v26+s13+$0x0], $0xffff  }
0x26a: {  	v23 =	vld [tilespmem:s17+$0x10]  }
0x26b: {  	v20 =	vld.idx.msk [tilespmem:v24+s13+$0x0], $0xffff;
	v24 =	vmul.f32 v29, v17  }
0x26c: {  	s19 =	sadd.s32 $0x40, s19;
	v17 =	vld.idx.msk [tilespmem:v27+s13+$0x0], $0xffff;
	v25 =	vmul.f32 v30, v28  }
0x26d: {  	_ =	sdelay $0x3  }
0x26e: {  	v18 =	vld.idx.msk [tilespmem:v18+s13+$0x0], $0xffff  }
0x26f: {  	v26 =	vld [tilespmem:s17+$0xFFFFFFE0]  }
0x270: {  	v27 =	vld [tilespmem:s17+$0xFFFFFFF0]  }
0x271: {  	v28 =	vld [tilespmem:s17+$0x0]  }
0x272: {  	[tilespmem:s16+$0xFFFFFFE0] =	vst v24;
	v19 =	vmul.f32 v22, v19  }
0x273: {  	[tilespmem:s16+$0xFFFFFFF0] =	vst v25;
	v21 =	vmul.f32 v23, v21  }
0x274: {  	s31 =	sadd.s32 $0x40, s16;
	[tilespmem:s16+$0x0] =	vst v19;
	v17 =	vmul.f32 v26, v17  }
0x275: {  	[tilespmem:s31+$0x10] =	vst v21;
	v19 =	vmul.f32 v27, v20  }
0x276: {  	s15 =	sadd.s32 $0x1, s15;
	[tilespmem:s31+$0xFFFFFFE0] =	vst v17;
	v17 =	vmul.f32 v28, v18  }
0x277: {  	p0 =	sne.s32 s15, s8;
	[tilespmem:s31+$0xFFFFFFF0] =	vst v19  }
.Ltmp1:
0x278: {  	[tilespmem:s31+$0x0] =	vst v17;
	(pc) =	sbr.rel @p0 .LBB2_1-.Ltmp1, $4  }
0x279: {  	[hbm4b:s7+s3] =	stream.linear.scatter [tilespmem:s14], [sflag:$0x1], $0xC40, $0x38;
	[tilespmem:$0x46C8] =	vst v63  }
0x27a: {  	_ =	swait.ge [sflag:s9], $0xC40  }
0x27b: {  	[sflag:s9] =	ssyncset.done $0x0  }
0x27c: {  	[sflag:s9] =	ssyncadd.s32 $0xFFFFF3C0  }
0x27d: {  	_ =	sfence.sel $0x180000  }
0x27e: {  	[bflag:$0x0] =	sbarrier.arrive $0xFFFF  }
0x27f: {  	p0 =	sne.s32 s0, $0x0;
	_ =	strace $0x9000004A  }
0x280: {  	s0 =	sadd.s32 @!p0 $0x100000, s2;
	[bflag:$0x2] =	sbarrier.arrive $0xFFFF  }
0x281: {  	[sflag:s0] =	ssyncadd.tile.s32 @!p0 $0x1;
	_ =	shalt  }
.Lfunc_end2:
_tile_overlayer_lowered:
.L_overlay_start_2:
0x282: {  	(tag) =	ssettag $0x2  }
0x283: {  	s0 =	rddreg [dreg:$0x0];
	s2 =	stileid.u32  }
0x284: {  	s1 =	rddreg [dreg:$0x1];
	p0 =	sne.s32 s2, $0x0  }
0x285: {  	s3 =	rddreg [dreg:$0x2];
	[bflag:$0x3] =	sbarrier.arrive $0xFFFF;
	s2 =	simm.s32 @!p0 $0x1C01  }
0x286: {  	[timem:s3], [sflag:s2] =	dma.local @!p0 [hbm:s0], s1  }
0x287: {  	s0 =	simm.s32 @!p0 $0x1  }
0x288: {  	_ =	swait.ge @!p0 [sflag:s0], s1  }
0x289: {  	s1 =	ssub.s32 @!p0 $0x0, s1;
	[sflag:s0] =	ssyncset.done @!p0 $0x0  }
0x28a: {  	[sflag:s0] =	ssyncadd.s32 @!p0 s1  }
0x28b: {  	[bflag:$0x3] =	sbarrier.arrive $0xFFFF  }
0x28c: {  	_ =	shalt  }

</sc_bundles>
